<compile_context>
chip_gen: v7x
topology: tpu7x:2x2x1
jax: 0.10.2.dev20260603
libtpu: 0.0.44.dev20260713+nightly
codegen_flags: <defaults>
</compile_context>

<pallas_src>
import functools

import jax
import jax.numpy as jnp
from jax import lax
from jax.experimental import pallas as pl
from jax.experimental.pallas import tpu as pltpu
from jax.experimental.pallas import tpu_sc as plsc

N = 10000
E = 320000
D = 128
NP = 10240
NW = 32
EB = 64
NB = -(-(E + N) // (NW * EB))
EPW = NB * EB
ET = NW * EPW
RPT = NP // 16


def _sc_gat(heads):
  mesh = plsc.VectorSubcoreMesh(core_axis_name="c", subcore_axis_name="s")

  @functools.partial(
      pl.kernel,
      out_type=(jax.ShapeDtypeStruct((2, NP, D), jnp.float32),
                jax.ShapeDtypeStruct((2, NP, 16), jnp.float32)),
      mesh=mesh,
      compiler_params=pltpu.CompilerParams(use_tc_tiling_on_sc=False),
      scratch_types=[
          pltpu.VMEM((EB,), jnp.int32),
          pltpu.VMEM((EB,), jnp.int32),
          pltpu.VMEM((EB, 16), jnp.float32),
          pltpu.VMEM((EB, 16), jnp.float32),
          pltpu.VMEM((EB, 16), jnp.float32),
          pltpu.VMEM((EB, D), jnp.float32),
          pltpu.VMEM_SHARED((NP, D), jnp.float32),
          pltpu.VMEM_SHARED((NP, 16), jnp.float32),
      ],
  )
  def k(h_hbm, asrc_hbm, adst_hbm, src_hbm, dst_hbm, accout, denout,
        srcb, dstb, arows, brows, pbuf, hrows, acc, den):
    c = lax.axis_index("c")
    s = lax.axis_index("s")
    wid = s * 2 + c

    def zrow(r, carry):
      for j in range(D // 16):
        hrows[r, pl.ds(j * 16, 16)] = jnp.zeros((16,), jnp.float32)
      pbuf[r] = jnp.zeros((16,), jnp.float32)
      return carry
    lax.fori_loop(0, EB, zrow, 0)
    rz = s * RPT
    for t in range(RPT // EB):
      pltpu.sync_copy(hrows, acc.at[pl.ds(rz + t * EB, EB)])
      pltpu.sync_copy(pbuf, den.at[pl.ds(rz + t * EB, EB)])
    plsc.subcore_barrier()

    def eblock(b, carry):
      off = pl.multiple_of(b * EB, EB)
      pltpu.sync_copy(src_hbm.at[wid, pl.ds(off, EB)], srcb)
      pltpu.sync_copy(dst_hbm.at[wid, pl.ds(off, EB)], dstb)
      pltpu.sync_copy(asrc_hbm.at[srcb], arows)
      pltpu.sync_copy(adst_hbm.at[dstb], brows)
      pltpu.sync_copy(h_hbm.at[srcb], hrows)

      def edge(e, ecarry):
        t = arows[e] + brows[e]
        p = jnp.exp(jnp.maximum(t, t * 0.2))
        pbuf[e] = p
        for h8 in range(D // 16):
          ps = p[h8 if heads == 8 else 0]
          hrows[e, pl.ds(h8 * 16, 16)] = hrows[e, pl.ds(h8 * 16, 16)] * ps
        return ecarry
      lax.fori_loop(0, EB, edge, 0)

      pltpu.sync_copy(pbuf, den.at[dstb], add=True)
      pltpu.sync_copy(hrows, acc.at[dstb], add=True)
      return carry
    lax.fori_loop(0, NB, eblock, 0)
    plsc.subcore_barrier()

    ro = s * RPT
    pltpu.sync_copy(acc.at[pl.ds(ro, RPT)], accout.at[c, pl.ds(ro, RPT)])
    pltpu.sync_copy(den.at[pl.ds(ro, RPT)], denout.at[c, pl.ds(ro, RPT)])

  return k


def _head_sum_mat():
  col = lax.broadcasted_iota(jnp.int32, (D, 16), 0) // 16
  hsel = lax.broadcasted_iota(jnp.int32, (D, 16), 1)
  return (col == hsel).astype(jnp.float32)


def _tc_pre_body(x_ref, w_ref, as_ref, ad_ref, h_ref, s_ref, d_ref):
  h = jnp.dot(x_ref[...], w_ref[...], preferred_element_type=jnp.float32)
  h_ref[...] = h
  S = _head_sum_mat()
  s_ref[...] = jnp.dot(h * as_ref[...], S, preferred_element_type=jnp.float32)
  d_ref[...] = jnp.dot(h * ad_ref[...], S, preferred_element_type=jnp.float32)


def _tc_pre(x, W1, a1s, a1d):
  return pl.pallas_call(
      _tc_pre_body,
      out_shape=(jax.ShapeDtypeStruct((N, D), jnp.float32),
                 jax.ShapeDtypeStruct((N, 16), jnp.float32),
                 jax.ShapeDtypeStruct((N, 16), jnp.float32)),
  )(x, W1, a1s, a1d)


def _norm_gat(accp, denp, brow, rep):
  acc = accp[0, :N, :] + accp[1, :N, :]
  den = denp[0, :N, :] + denp[1, :N, :]
  denrep = jnp.dot(den, rep, preferred_element_type=jnp.float32)
  return acc / (denrep + 1e-16) + brow


def _bn(y, grow, berow):
  m = jnp.mean(y, axis=0, keepdims=True)
  v = jnp.mean((y - m) ** 2, axis=0, keepdims=True)
  return (y - m) * lax.rsqrt(v + 1e-5) * grow + berow


def _tc_mid_body(accp_ref, denp_ref, b_ref, fw_ref, fb_ref, g_ref, be_ref,
                 w2_ref, a2s_ref, a2d_ref, h2_ref, s2_ref, d2_ref):
  hsel = lax.broadcasted_iota(jnp.int32, (16, D), 0)
  col = lax.broadcasted_iota(jnp.int32, (16, D), 1) // 16
  rep = (hsel == col).astype(jnp.float32)
  gat = _norm_gat(accp_ref[...], denp_ref[...], b_ref[...], rep)
  y = jnp.maximum(jnp.dot(gat, fw_ref[...],
                          preferred_element_type=jnp.float32) + fb_ref[...], 0.0)
  ybn = _bn(y, g_ref[...], be_ref[...])
  h2 = jnp.dot(ybn, w2_ref[...], preferred_element_type=jnp.float32)
  h2_ref[...] = h2
  ones = jnp.ones((D, 16), jnp.float32)
  mask0 = (lax.broadcasted_iota(jnp.int32, (1, 16), 1) == 0).astype(jnp.float32)
  s2_ref[...] = jnp.dot(h2 * a2s_ref[...], ones,
                        preferred_element_type=jnp.float32) * mask0
  d2_ref[...] = jnp.dot(h2 * a2d_ref[...], ones,
                        preferred_element_type=jnp.float32) * mask0


def _tc_mid(accp, denp, brow, fw, fbrow, grow, berow, W2, a2s, a2d):
  return pl.pallas_call(
      _tc_mid_body,
      out_shape=(jax.ShapeDtypeStruct((N, D), jnp.float32),
                 jax.ShapeDtypeStruct((N, 16), jnp.float32),
                 jax.ShapeDtypeStruct((N, 16), jnp.float32)),
  )(accp, denp, brow, fw, fbrow, grow, berow, W2, a2s, a2d)


def _tc_fin_body(accp_ref, denp_ref, b_ref, fw_ref, fb_ref, g_ref, be_ref,
                 lw_ref, lb_ref, o_ref):
  rep = (lax.broadcasted_iota(jnp.int32, (16, D), 0) == 0).astype(jnp.float32)
  gat = _norm_gat(accp_ref[...], denp_ref[...], b_ref[...], rep)
  z = jnp.maximum(jnp.dot(gat, fw_ref[...],
                          preferred_element_type=jnp.float32) + fb_ref[...], 0.0)
  zbn = _bn(z, g_ref[...], be_ref[...])
  out = jnp.dot(zbn, lw_ref[...], preferred_element_type=jnp.float32) + lb_ref[...]
  o_ref[...] = jnp.maximum(out, 0.0)


def _tc_fin(accp, denp, brow, fw, fbrow, grow, berow, linW, lbrow):
  return pl.pallas_call(
      _tc_fin_body,
      out_shape=jax.ShapeDtypeStruct((N, D), jnp.float32),
  )(accp, denp, brow, fw, fbrow, grow, berow, linW, lbrow)


_sc_gat8 = _sc_gat(8)
_sc_gat1 = _sc_gat(1)


def kernel(x, edge_index, W1, att_src1, att_dst1, b1, fcW1, fcb1, g1, be1,
           W2, att_src2, att_dst2, b2, fcW2, fcb2, g2, be2, linW, linb):
  loop = jnp.arange(N, dtype=jnp.int32)
  pad = ET - (E + N)
  src_p = jnp.concatenate(
      [edge_index[0].astype(jnp.int32), loop,
       jnp.zeros((pad,), jnp.int32)]).reshape(NW, EPW)
  dst_p = jnp.concatenate(
      [edge_index[1].astype(jnp.int32), loop,
       jnp.full((pad,), N, jnp.int32)]).reshape(NW, EPW)

  row = lambda a: a.reshape(1, D)
  h1, asrc1, adst1 = _tc_pre(x, W1, row(att_src1), row(att_dst1))
  padn = lambda a: jnp.pad(a, ((0, NP - N), (0, 0)))
  accp, denp = _sc_gat8(h1, padn(asrc1), padn(adst1), src_p, dst_p)

  h2, asrc2, adst2 = _tc_mid(accp, denp, row(b1), fcW1, row(fcb1), row(g1),
                             row(be1), W2, row(att_src2), row(att_dst2))
  accp2, denp2 = _sc_gat1(h2, padn(asrc2), padn(adst2), src_p, dst_p)

  return _tc_fin(accp2, denp2, row(b2), fcW2, row(fcb2), row(g2), row(be2),
                 linW, row(linb))

# --- scband reference (transcript-rebuilt; emitter-appended) ---
"""Pipeline reference for scband-gatnet-17102559772862 (READ-ONLY COPY).

The authoritative reference and input builder live on the scoring server;
editing this copy changes nothing except your own understanding.
"""

import jax, jax.numpy as jnp
import numpy as np

N = 10000
E = 320000
F_IN = 128
HID = 16
HEADS = 8
D = HEADS * HID  # 128
OUT = 128


def _gat_conv(x, edge_index, W, att_src, att_dst, bias, heads, out_ch, num_nodes):
    # PyG GATConv (add_self_loops=True, negative_slope=0.2, concat=True)
    src = edge_index[0]
    dst = edge_index[1]
    loop = jnp.arange(num_nodes, dtype=edge_index.dtype)
    src = jnp.concatenate([src, loop])
    dst = jnp.concatenate([dst, loop])
    h = (x @ W).reshape(num_nodes, heads, out_ch)          # [N,H,C]
    a_src = (h * att_src).sum(-1)                          # [N,H]
    a_dst = (h * att_dst).sum(-1)                          # [N,H]
    alpha = a_src[src] + a_dst[dst]                        # [E',H]
    alpha = jax.nn.leaky_relu(alpha, 0.2)
    amax = jax.ops.segment_max(alpha, dst, num_segments=num_nodes)
    alpha = jnp.exp(alpha - amax[dst])
    denom = jax.ops.segment_sum(alpha, dst, num_segments=num_nodes)
    alpha = alpha / (denom[dst] + 1e-16)
    msg = h[src] * alpha[:, :, None]                       # [E',H,C]
    out = jax.ops.segment_sum(msg, dst, num_segments=num_nodes)
    out = out.reshape(num_nodes, heads * out_ch)
    return out + bias


def _bn(x, gamma, beta, eps=1e-5):
    m = x.mean(axis=0)
    v = ((x - m) ** 2).mean(axis=0)
    return (x - m) / jnp.sqrt(v + eps) * gamma + beta


def setup_inputs(seed: int = 0):
    key = jax.random.key(seed)
    ks = jax.random.split(key, 16)
    s_in = 1.0 / np.sqrt(F_IN)
    s_d = 1.0 / np.sqrt(D)
    inp = {}
    inp["x"] = jax.random.normal(ks[0], (N, F_IN), dtype=jnp.float32)
    inp["edge_index"] = jax.random.randint(ks[1], (2, E), 0, N, dtype=jnp.int32)
    inp["W1"] = jax.random.normal(ks[2], (F_IN, HEADS * HID), dtype=jnp.float32) * s_in
    inp["att_src1"] = jax.random.normal(ks[3], (HEADS, HID), dtype=jnp.float32) * 0.1
    inp["att_dst1"] = jax.random.normal(ks[4], (HEADS, HID), dtype=jnp.float32) * 0.1
    inp["b1"] = jnp.zeros((D,), dtype=jnp.float32)
    inp["fcW1"] = jax.random.normal(ks[5], (D, D), dtype=jnp.float32) * s_d
    inp["fcb1"] = jnp.zeros((D,), dtype=jnp.float32)
    inp["g1"] = jnp.ones((D,), dtype=jnp.float32)
    inp["be1"] = jnp.zeros((D,), dtype=jnp.float32)
    inp["W2"] = jax.random.normal(ks[6], (D, D), dtype=jnp.float32) * s_d
    inp["att_src2"] = jax.random.normal(ks[7], (1, D), dtype=jnp.float32) * 0.1
    inp["att_dst2"] = jax.random.normal(ks[8], (1, D), dtype=jnp.float32) * 0.1
    inp["b2"] = jnp.zeros((D,), dtype=jnp.float32)
    inp["fcW2"] = jax.random.normal(ks[9], (D, D), dtype=jnp.float32) * s_d
    inp["fcb2"] = jnp.zeros((D,), dtype=jnp.float32)
    inp["g2"] = jnp.ones((D,), dtype=jnp.float32)
    inp["be2"] = jnp.zeros((D,), dtype=jnp.float32)
    inp["linW"] = jax.random.normal(ks[10], (D, OUT), dtype=jnp.float32) * s_d
    inp["linb"] = jnp.zeros((OUT,), dtype=jnp.float32)
    return inp


def reference(x, edge_index, W1, att_src1, att_dst1, b1, fcW1, fcb1, g1, be1,
              W2, att_src2, att_dst2, b2, fcW2, fcb2, g2, be2, linW, linb):
    h = _gat_conv(x, edge_index, W1, att_src1, att_dst1, b1, HEADS, HID, N)
    h = _bn(jax.nn.relu(h @ fcW1 + fcb1), g1, be1)
    h = _gat_conv(h, edge_index, W2, att_src2, att_dst2, b2, 1, D, N)
    h = _bn(jax.nn.relu(h @ fcW2 + fcb2), g2, be2)
    h = h @ linW + linb
    h = jax.nn.relu(h)  # dropout p=0 is identity
    return h

if __name__ == "__main__":
    import jax
    _d = setup_inputs()
    print(jax.jit(kernel)(*tuple(_d.values())))

</pallas_src>

<mosaic_0001>
#map = affine_map<(d0, d1) -> (0, 0)>
#map1 = affine_map<(d0, d1) -> (0, 0, 0)>
module attributes {stable_mosaic.version = 14 : i64} {
  func.func @k(%arg0: i32, %arg1: i32, %arg2: memref<10000x128xf32, #tpu.memory_space<hbm>>, %arg3: memref<10240x16xf32, #tpu.memory_space<hbm>>, %arg4: memref<10240x16xf32, #tpu.memory_space<hbm>>, %arg5: memref<32x10368xi32, #tpu.memory_space<hbm>>, %arg6: memref<32x10368xi32, #tpu.memory_space<hbm>>, %arg7: memref<2x10240x128xf32, #tpu.memory_space<hbm>>, %arg8: memref<2x10240x16xf32, #tpu.memory_space<hbm>>, %arg9: memref<64xi32, #tpu.memory_space<vmem>>, %arg10: memref<64xi32, #tpu.memory_space<vmem>>, %arg11: memref<64x16xf32, #tpu.memory_space<vmem>>, %arg12: memref<64x16xf32, #tpu.memory_space<vmem>>, %arg13: memref<64x16xf32, #tpu.memory_space<vmem>>, %arg14: memref<64x128xf32, #tpu.memory_space<vmem>>, %arg15: memref<10240x128xf32, #tpu.memory_space<vmem_shared>>, %arg16: memref<10240x16xf32, #tpu.memory_space<vmem_shared>>) attributes {dimension_semantics = [#tpu.dimension_semantics<core_parallel>, #tpu.dimension_semantics<subcore_parallel>], iteration_bounds = array<i64: 2, 16>, scalar_prefetch = 0 : i64, scratch_operands = 8 : i64, tpu.core_type = #tpu.core_type<sc_vector_subcore>, window_params = [{transform_indices = #map}, {transform_indices = #map}, {transform_indices = #map}, {transform_indices = #map}, {transform_indices = #map}, {transform_indices = #map1}, {transform_indices = #map1}]} {
    %mul3A = arith.constant 2 : i32
    %mul3A_0 = arith.muli %arg1, %mul3A : i32
    %add3A = arith.addi %mul3A_0, %arg0 : i32
    %scan3A = arith.constant 0 : i32
    %scan3A_1 = arith.constant 0 : i32
    %scan3A_2 = arith.constant 64 : i32
    %scan3A_3 = arith.addi %scan3A_1, %scan3A_2 : i32
    %scan3A_4 = arith.constant 1 : i32
    scf.for %scan3A_57 = %scan3A_1 to %scan3A_3 step %scan3A_4  : i32 {
      %broadcast_in_dim3A = arith.constant 0.000000e+00 : f32
      %broadcast_in_dim3A_58 = vector.broadcast %broadcast_in_dim3A : f32 to vector<16xf32>
      %swap3A = arith.index_cast %scan3A_57 : i32 to index
      %swap3A_59 = arith.constant 0 : index
      %swap3A_60 = tpu.vector_load %arg14[%swap3A, %swap3A_59] {strides = array<i32>} : memref<64x128xf32, #tpu.memory_space<vmem>>, vector<1x16xf32>,
      %swap3A_61 = vector.shape_cast %swap3A_60 : vector<1x16xf32> to vector<16xf32>
      %swap3A_62 = vector.shape_cast %broadcast_in_dim3A_58 : vector<16xf32> to vector<1x16xf32>
      tpu.vector_store %arg14[%swap3A, %swap3A_59], %swap3A_62 {strides = array<i32>} : memref<64x128xf32, #tpu.memory_space<vmem>>, vector<1x16xf32>,
      %broadcast_in_dim3A_63 = arith.constant 0.000000e+00 : f32
      %broadcast_in_dim3A_64 = vector.broadcast %broadcast_in_dim3A_63 : f32 to vector<16xf32>
      %swap3A_65 = arith.index_cast %scan3A_57 : i32 to index
      %swap3A_66 = arith.constant 16 : index
      %swap3A_67 = tpu.vector_load %arg14[%swap3A_65, %swap3A_66] {strides = array<i32>} : memref<64x128xf32, #tpu.memory_space<vmem>>, vector<1x16xf32>,
      %swap3A_68 = vector.shape_cast %swap3A_67 : vector<1x16xf32> to vector<16xf32>
      %swap3A_69 = vector.shape_cast %broadcast_in_dim3A_64 : vector<16xf32> to vector<1x16xf32>
      tpu.vector_store %arg14[%swap3A_65, %swap3A_66], %swap3A_69 {strides = array<i32>} : memref<64x128xf32, #tpu.memory_space<vmem>>, vector<1x16xf32>,
      %broadcast_in_dim3A_70 = arith.constant 0.000000e+00 : f32
      %broadcast_in_dim3A_71 = vector.broadcast %broadcast_in_dim3A_70 : f32 to vector<16xf32>
      %swap3A_72 = arith.index_cast %scan3A_57 : i32 to index
      %swap3A_73 = arith.constant 32 : index
      %swap3A_74 = tpu.vector_load %arg14[%swap3A_72, %swap3A_73] {strides = array<i32>} : memref<64x128xf32, #tpu.memory_space<vmem>>, vector<1x16xf32>,
      %swap3A_75 = vector.shape_cast %swap3A_74 : vector<1x16xf32> to vector<16xf32>
      %swap3A_76 = vector.shape_cast %broadcast_in_dim3A_71 : vector<16xf32> to vector<1x16xf32>
      tpu.vector_store %arg14[%swap3A_72, %swap3A_73], %swap3A_76 {strides = array<i32>} : memref<64x128xf32, #tpu.memory_space<vmem>>, vector<1x16xf32>,
      %broadcast_in_dim3A_77 = arith.constant 0.000000e+00 : f32
      %broadcast_in_dim3A_78 = vector.broadcast %broadcast_in_dim3A_77 : f32 to vector<16xf32>
      %swap3A_79 = arith.index_cast %scan3A_57 : i32 to index
      %swap3A_80 = arith.constant 48 : index
      %swap3A_81 = tpu.vector_load %arg14[%swap3A_79, %swap3A_80] {strides = array<i32>} : memref<64x128xf32, #tpu.memory_space<vmem>>, vector<1x16xf32>,
      %swap3A_82 = vector.shape_cast %swap3A_81 : vector<1x16xf32> to vector<16xf32>
      %swap3A_83 = vector.shape_cast %broadcast_in_dim3A_78 : vector<16xf32> to vector<1x16xf32>
      tpu.vector_store %arg14[%swap3A_79, %swap3A_80], %swap3A_83 {strides = array<i32>} : memref<64x128xf32, #tpu.memory_space<vmem>>, vector<1x16xf32>,
      %broadcast_in_dim3A_84 = arith.constant 0.000000e+00 : f32
      %broadcast_in_dim3A_85 = vector.broadcast %broadcast_in_dim3A_84 : f32 to vector<16xf32>
      %swap3A_86 = arith.index_cast %scan3A_57 : i32 to index
      %swap3A_87 = arith.constant 64 : index
      %swap3A_88 = tpu.vector_load %arg14[%swap3A_86, %swap3A_87] {strides = array<i32>} : memref<64x128xf32, #tpu.memory_space<vmem>>, vector<1x16xf32>,
      %swap3A_89 = vector.shape_cast %swap3A_88 : vector<1x16xf32> to vector<16xf32>
      %swap3A_90 = vector.shape_cast %broadcast_in_dim3A_85 : vector<16xf32> to vector<1x16xf32>
      tpu.vector_store %arg14[%swap3A_86, %swap3A_87], %swap3A_90 {strides = array<i32>} : memref<64x128xf32, #tpu.memory_space<vmem>>, vector<1x16xf32>,
      %broadcast_in_dim3A_91 = arith.constant 0.000000e+00 : f32
      %broadcast_in_dim3A_92 = vector.broadcast %broadcast_in_dim3A_91 : f32 to vector<16xf32>
      %swap3A_93 = arith.index_cast %scan3A_57 : i32 to index
      %swap3A_94 = arith.constant 80 : index
      %swap3A_95 = tpu.vector_load %arg14[%swap3A_93, %swap3A_94] {strides = array<i32>} : memref<64x128xf32, #tpu.memory_space<vmem>>, vector<1x16xf32>,
      %swap3A_96 = vector.shape_cast %swap3A_95 : vector<1x16xf32> to vector<16xf32>
      %swap3A_97 = vector.shape_cast %broadcast_in_dim3A_92 : vector<16xf32> to vector<1x16xf32>
      tpu.vector_store %arg14[%swap3A_93, %swap3A_94], %swap3A_97 {strides = array<i32>} : memref<64x128xf32, #tpu.memory_space<vmem>>, vector<1x16xf32>,
      %broadcast_in_dim3A_98 = arith.constant 0.000000e+00 : f32
      %broadcast_in_dim3A_99 = vector.broadcast %broadcast_in_dim3A_98 : f32 to vector<16xf32>
      %swap3A_100 = arith.index_cast %scan3A_57 : i32 to index
      %swap3A_101 = arith.constant 96 : index
      %swap3A_102 = tpu.vector_load %arg14[%swap3A_100, %swap3A_101] {strides = array<i32>} : memref<64x128xf32, #tpu.memory_space<vmem>>, vector<1x16xf32>,
      %swap3A_103 = vector.shape_cast %swap3A_102 : vector<1x16xf32> to vector<16xf32>
      %swap3A_104 = vector.shape_cast %broadcast_in_dim3A_99 : vector<16xf32> to vector<1x16xf32>
      tpu.vector_store %arg14[%swap3A_100, %swap3A_101], %swap3A_104 {strides = array<i32>} : memref<64x128xf32, #tpu.memory_space<vmem>>, vector<1x16xf32>,
      %broadcast_in_dim3A_105 = arith.constant 0.000000e+00 : f32
      %broadcast_in_dim3A_106 = vector.broadcast %broadcast_in_dim3A_105 : f32 to vector<16xf32>
      %swap3A_107 = arith.index_cast %scan3A_57 : i32 to index
      %swap3A_108 = arith.constant 112 : index
      %swap3A_109 = tpu.vector_load %arg14[%swap3A_107, %swap3A_108] {strides = array<i32>} : memref<64x128xf32, #tpu.memory_space<vmem>>, vector<1x16xf32>,
      %swap3A_110 = vector.shape_cast %swap3A_109 : vector<1x16xf32> to vector<16xf32>
      %swap3A_111 = vector.shape_cast %broadcast_in_dim3A_106 : vector<16xf32> to vector<1x16xf32>
      tpu.vector_store %arg14[%swap3A_107, %swap3A_108], %swap3A_111 {strides = array<i32>} : memref<64x128xf32, #tpu.memory_space<vmem>>, vector<1x16xf32>,
      %broadcast_in_dim3A_112 = arith.constant 0.000000e+00 : f32
      %broadcast_in_dim3A_113 = vector.broadcast %broadcast_in_dim3A_112 : f32 to vector<16xf32>
      %swap3A_114 = arith.index_cast %scan3A_57 : i32 to index
      %swap3A_115 = arith.constant 0 : index
      %swap3A_116 = tpu.vector_load %arg13[%swap3A_114, %swap3A_115] {strides = array<i32>} : memref<64x16xf32, #tpu.memory_space<vmem>>, vector<1x16xf32>,
      %swap3A_117 = vector.shape_cast %swap3A_116 : vector<1x16xf32> to vector<16xf32>
      %swap3A_118 = vector.shape_cast %broadcast_in_dim3A_113 : vector<16xf32> to vector<1x16xf32>
      tpu.vector_store %arg13[%swap3A_114, %swap3A_115], %swap3A_118 {strides = array<i32>} : memref<64x16xf32, #tpu.memory_space<vmem>>, vector<1x16xf32>,
    }
    %scan3A_5 = arith.constant 64 : i32
    %mul3A_6 = arith.constant 640 : i32
    %mul3A_7 = arith.muli %arg1, %mul3A_6 : i32
    %add3A_8 = arith.constant 0 : i32
    %add3A_9 = arith.addi %mul3A_7, %add3A_8 : i32
    "tpu.region"() ({
      %run_scoped3A = tpu.sem_alloc : memref<!tpu.dma_semaphore, #tpu.memory_space<semaphore_mem>>
      %dma_start3A = arith.constant 0 : i32
      %dma_start3A_57 = tpu.memref_slice %arg15[%add3A_9, %dma_start3A] : memref<10240x128xf32, #tpu.memory_space<vmem_shared>> -> memref<64x128xf32, #tpu.memory_space<vmem_shared>>
      %dma_start3A_58 = arith.constant 0 : i32
      %dma_start3A_59 = tpu.memref_slice %arg15[%add3A_9, %dma_start3A_58] : memref<10240x128xf32, #tpu.memory_space<vmem_shared>> -> memref<64x128xf32, #tpu.memory_space<vmem_shared>>
      tpu.enqueue_dma source(%arg14 : memref<64x128xf32, #tpu.memory_space<vmem>>) target(%dma_start3A_59 : memref<64x128xf32, #tpu.memory_space<vmem_shared>>) target_semaphore(%run_scoped3A : memref<!tpu.dma_semaphore, #tpu.memory_space<semaphore_mem>>)
      %dma_wait3A = arith.constant 0 : i32
      %dma_wait3A_60 = tpu.memref_slice %arg15[%add3A_9, %dma_wait3A] : memref<10240x128xf32, #tpu.memory_space<vmem_shared>> -> memref<64x128xf32, #tpu.memory_space<vmem_shared>>
      %dma_wait3A_61 = arith.constant 0 : i32
      %dma_wait3A_62 = tpu.memref_slice %arg15[%add3A_9, %dma_wait3A_61] : memref<10240x128xf32, #tpu.memory_space<vmem_shared>> -> memref<64x128xf32, #tpu.memory_space<vmem_shared>>
      tpu.wait_dma2 semaphore(%run_scoped3A : memref<!tpu.dma_semaphore, #tpu.memory_space<semaphore_mem>>) src(%arg14 : memref<64x128xf32, #tpu.memory_space<vmem>>) dst(%dma_wait3A_62 : memref<64x128xf32, #tpu.memory_space<vmem_shared>>)
      tpu.yield
    }) : () -> ()
    %add3A_10 = arith.constant 0 : i32
    %add3A_11 = arith.addi %mul3A_7, %add3A_10 : i32
    "tpu.region"() ({
      %run_scoped3A = tpu.sem_alloc : memref<!tpu.dma_semaphore, #tpu.memory_space<semaphore_mem>>
      %dma_start3A = arith.constant 0 : i32
      %dma_start3A_57 = tpu.memref_slice %arg16[%add3A_11, %dma_start3A] : memref<10240x16xf32, #tpu.memory_space<vmem_shared>> -> memref<64x16xf32, #tpu.memory_space<vmem_shared>>
      %dma_start3A_58 = arith.constant 0 : i32
      %dma_start3A_59 = tpu.memref_slice %arg16[%add3A_11, %dma_start3A_58] : memref<10240x16xf32, #tpu.memory_space<vmem_shared>> -> memref<64x16xf32, #tpu.memory_space<vmem_shared>>
      tpu.enqueue_dma source(%arg13 : memref<64x16xf32, #tpu.memory_space<vmem>>) target(%dma_start3A_59 : memref<64x16xf32, #tpu.memory_space<vmem_shared>>) target_semaphore(%run_scoped3A : memref<!tpu.dma_semaphore, #tpu.memory_space<semaphore_mem>>)
      %dma_wait3A = arith.constant 0 : i32
      %dma_wait3A_60 = tpu.memref_slice %arg16[%add3A_11, %dma_wait3A] : memref<10240x16xf32, #tpu.memory_space<vmem_shared>> -> memref<64x16xf32, #tpu.memory_space<vmem_shared>>
      %dma_wait3A_61 = arith.constant 0 : i32
      %dma_wait3A_62 = tpu.memref_slice %arg16[%add3A_11, %dma_wait3A_61] : memref<10240x16xf32, #tpu.memory_space<vmem_shared>> -> memref<64x16xf32, #tpu.memory_space<vmem_shared>>
      tpu.wait_dma2 semaphore(%run_scoped3A : memref<!tpu.dma_semaphore, #tpu.memory_space<semaphore_mem>>) src(%arg13 : memref<64x16xf32, #tpu.memory_space<vmem>>) dst(%dma_wait3A_62 : memref<64x16xf32, #tpu.memory_space<vmem_shared>>)
      tpu.yield
    }) : () -> ()
    %add3A_12 = arith.constant 64 : i32
    %add3A_13 = arith.addi %mul3A_7, %add3A_12 : i32
    "tpu.region"() ({
      %run_scoped3A = tpu.sem_alloc : memref<!tpu.dma_semaphore, #tpu.memory_space<semaphore_mem>>
      %dma_start3A = arith.constant 0 : i32
      %dma_start3A_57 = tpu.memref_slice %arg15[%add3A_13, %dma_start3A] : memref<10240x128xf32, #tpu.memory_space<vmem_shared>> -> memref<64x128xf32, #tpu.memory_space<vmem_shared>>
      %dma_start3A_58 = arith.constant 0 : i32
      %dma_start3A_59 = tpu.memref_slice %arg15[%add3A_13, %dma_start3A_58] : memref<10240x128xf32, #tpu.memory_space<vmem_shared>> -> memref<64x128xf32, #tpu.memory_space<vmem_shared>>
      tpu.enqueue_dma source(%arg14 : memref<64x128xf32, #tpu.memory_space<vmem>>) target(%dma_start3A_59 : memref<64x128xf32, #tpu.memory_space<vmem_shared>>) target_semaphore(%run_scoped3A : memref<!tpu.dma_semaphore, #tpu.memory_space<semaphore_mem>>)
      %dma_wait3A = arith.constant 0 : i32
      %dma_wait3A_60 = tpu.memref_slice %arg15[%add3A_13, %dma_wait3A] : memref<10240x128xf32, #tpu.memory_space<vmem_shared>> -> memref<64x128xf32, #tpu.memory_space<vmem_shared>>
      %dma_wait3A_61 = arith.constant 0 : i32
      %dma_wait3A_62 = tpu.memref_slice %arg15[%add3A_13, %dma_wait3A_61] : memref<10240x128xf32, #tpu.memory_space<vmem_shared>> -> memref<64x128xf32, #tpu.memory_space<vmem_shared>>
      tpu.wait_dma2 semaphore(%run_scoped3A : memref<!tpu.dma_semaphore, #tpu.memory_space<semaphore_mem>>) src(%arg14 : memref<64x128xf32, #tpu.memory_space<vmem>>) dst(%dma_wait3A_62 : memref<64x128xf32, #tpu.memory_space<vmem_shared>>)
      tpu.yield
    }) : () -> ()
    %add3A_14 = arith.constant 64 : i32
    %add3A_15 = arith.addi %mul3A_7, %add3A_14 : i32
    "tpu.region"() ({
      %run_scoped3A = tpu.sem_alloc : memref<!tpu.dma_semaphore, #tpu.memory_space<semaphore_mem>>
      %dma_start3A = arith.constant 0 : i32
      %dma_start3A_57 = tpu.memref_slice %arg16[%add3A_15, %dma_start3A] : memref<10240x16xf32, #tpu.memory_space<vmem_shared>> -> memref<64x16xf32, #tpu.memory_space<vmem_shared>>
      %dma_start3A_58 = arith.constant 0 : i32
      %dma_start3A_59 = tpu.memref_slice %arg16[%add3A_15, %dma_start3A_58] : memref<10240x16xf32, #tpu.memory_space<vmem_shared>> -> memref<64x16xf32, #tpu.memory_space<vmem_shared>>
      tpu.enqueue_dma source(%arg13 : memref<64x16xf32, #tpu.memory_space<vmem>>) target(%dma_start3A_59 : memref<64x16xf32, #tpu.memory_space<vmem_shared>>) target_semaphore(%run_scoped3A : memref<!tpu.dma_semaphore, #tpu.memory_space<semaphore_mem>>)
      %dma_wait3A = arith.constant 0 : i32
      %dma_wait3A_60 = tpu.memref_slice %arg16[%add3A_15, %dma_wait3A] : memref<10240x16xf32, #tpu.memory_space<vmem_shared>> -> memref<64x16xf32, #tpu.memory_space<vmem_shared>>
      %dma_wait3A_61 = arith.constant 0 : i32
      %dma_wait3A_62 = tpu.memref_slice %arg16[%add3A_15, %dma_wait3A_61] : memref<10240x16xf32, #tpu.memory_space<vmem_shared>> -> memref<64x16xf32, #tpu.memory_space<vmem_shared>>
      tpu.wait_dma2 semaphore(%run_scoped3A : memref<!tpu.dma_semaphore, #tpu.memory_space<semaphore_mem>>) src(%arg13 : memref<64x16xf32, #tpu.memory_space<vmem>>) dst(%dma_wait3A_62 : memref<64x16xf32, #tpu.memory_space<vmem_shared>>)
      tpu.yield
    }) : () -> ()
    %add3A_16 = arith.constant 128 : i32
    %add3A_17 = arith.addi %mul3A_7, %add3A_16 : i32
    "tpu.region"() ({
      %run_scoped3A = tpu.sem_alloc : memref<!tpu.dma_semaphore, #tpu.memory_space<semaphore_mem>>
      %dma_start3A = arith.constant 0 : i32
      %dma_start3A_57 = tpu.memref_slice %arg15[%add3A_17, %dma_start3A] : memref<10240x128xf32, #tpu.memory_space<vmem_shared>> -> memref<64x128xf32, #tpu.memory_space<vmem_shared>>
      %dma_start3A_58 = arith.constant 0 : i32
      %dma_start3A_59 = tpu.memref_slice %arg15[%add3A_17, %dma_start3A_58] : memref<10240x128xf32, #tpu.memory_space<vmem_shared>> -> memref<64x128xf32, #tpu.memory_space<vmem_shared>>
      tpu.enqueue_dma source(%arg14 : memref<64x128xf32, #tpu.memory_space<vmem>>) target(%dma_start3A_59 : memref<64x128xf32, #tpu.memory_space<vmem_shared>>) target_semaphore(%run_scoped3A : memref<!tpu.dma_semaphore, #tpu.memory_space<semaphore_mem>>)
      %dma_wait3A = arith.constant 0 : i32
      %dma_wait3A_60 = tpu.memref_slice %arg15[%add3A_17, %dma_wait3A] : memref<10240x128xf32, #tpu.memory_space<vmem_shared>> -> memref<64x128xf32, #tpu.memory_space<vmem_shared>>
      %dma_wait3A_61 = arith.constant 0 : i32
      %dma_wait3A_62 = tpu.memref_slice %arg15[%add3A_17, %dma_wait3A_61] : memref<10240x128xf32, #tpu.memory_space<vmem_shared>> -> memref<64x128xf32, #tpu.memory_space<vmem_shared>>
      tpu.wait_dma2 semaphore(%run_scoped3A : memref<!tpu.dma_semaphore, #tpu.memory_space<semaphore_mem>>) src(%arg14 : memref<64x128xf32, #tpu.memory_space<vmem>>) dst(%dma_wait3A_62 : memref<64x128xf32, #tpu.memory_space<vmem_shared>>)
      tpu.yield
    }) : () -> ()
    %add3A_18 = arith.constant 128 : i32
    %add3A_19 = arith.addi %mul3A_7, %add3A_18 : i32
    "tpu.region"() ({
      %run_scoped3A = tpu.sem_alloc : memref<!tpu.dma_semaphore, #tpu.memory_space<semaphore_mem>>
      %dma_start3A = arith.constant 0 : i32
      %dma_start3A_57 = tpu.memref_slice %arg16[%add3A_19, %dma_start3A] : memref<10240x16xf32, #tpu.memory_space<vmem_shared>> -> memref<64x16xf32, #tpu.memory_space<vmem_shared>>
      %dma_start3A_58 = arith.constant 0 : i32
      %dma_start3A_59 = tpu.memref_slice %arg16[%add3A_19, %dma_start3A_58] : memref<10240x16xf32, #tpu.memory_space<vmem_shared>> -> memref<64x16xf32, #tpu.memory_space<vmem_shared>>
      tpu.enqueue_dma source(%arg13 : memref<64x16xf32, #tpu.memory_space<vmem>>) target(%dma_start3A_59 : memref<64x16xf32, #tpu.memory_space<vmem_shared>>) target_semaphore(%run_scoped3A : memref<!tpu.dma_semaphore, #tpu.memory_space<semaphore_mem>>)
      %dma_wait3A = arith.constant 0 : i32
      %dma_wait3A_60 = tpu.memref_slice %arg16[%add3A_19, %dma_wait3A] : memref<10240x16xf32, #tpu.memory_space<vmem_shared>> -> memref<64x16xf32, #tpu.memory_space<vmem_shared>>
      %dma_wait3A_61 = arith.constant 0 : i32
      %dma_wait3A_62 = tpu.memref_slice %arg16[%add3A_19, %dma_wait3A_61] : memref<10240x16xf32, #tpu.memory_space<vmem_shared>> -> memref<64x16xf32, #tpu.memory_space<vmem_shared>>
      tpu.wait_dma2 semaphore(%run_scoped3A : memref<!tpu.dma_semaphore, #tpu.memory_space<semaphore_mem>>) src(%arg13 : memref<64x16xf32, #tpu.memory_space<vmem>>) dst(%dma_wait3A_62 : memref<64x16xf32, #tpu.memory_space<vmem_shared>>)
      tpu.yield
    }) : () -> ()
    %add3A_20 = arith.constant 192 : i32
    %add3A_21 = arith.addi %mul3A_7, %add3A_20 : i32
    "tpu.region"() ({
      %run_scoped3A = tpu.sem_alloc : memref<!tpu.dma_semaphore, #tpu.memory_space<semaphore_mem>>
      %dma_start3A = arith.constant 0 : i32
      %dma_start3A_57 = tpu.memref_slice %arg15[%add3A_21, %dma_start3A] : memref<10240x128xf32, #tpu.memory_space<vmem_shared>> -> memref<64x128xf32, #tpu.memory_space<vmem_shared>>
      %dma_start3A_58 = arith.constant 0 : i32
      %dma_start3A_59 = tpu.memref_slice %arg15[%add3A_21, %dma_start3A_58] : memref<10240x128xf32, #tpu.memory_space<vmem_shared>> -> memref<64x128xf32, #tpu.memory_space<vmem_shared>>
      tpu.enqueue_dma source(%arg14 : memref<64x128xf32, #tpu.memory_space<vmem>>) target(%dma_start3A_59 : memref<64x128xf32, #tpu.memory_space<vmem_shared>>) target_semaphore(%run_scoped3A : memref<!tpu.dma_semaphore, #tpu.memory_space<semaphore_mem>>)
      %dma_wait3A = arith.constant 0 : i32
      %dma_wait3A_60 = tpu.memref_slice %arg15[%add3A_21, %dma_wait3A] : memref<10240x128xf32, #tpu.memory_space<vmem_shared>> -> memref<64x128xf32, #tpu.memory_space<vmem_shared>>
      %dma_wait3A_61 = arith.constant 0 : i32
      %dma_wait3A_62 = tpu.memref_slice %arg15[%add3A_21, %dma_wait3A_61] : memref<10240x128xf32, #tpu.memory_space<vmem_shared>> -> memref<64x128xf32, #tpu.memory_space<vmem_shared>>
      tpu.wait_dma2 semaphore(%run_scoped3A : memref<!tpu.dma_semaphore, #tpu.memory_space<semaphore_mem>>) src(%arg14 : memref<64x128xf32, #tpu.memory_space<vmem>>) dst(%dma_wait3A_62 : memref<64x128xf32, #tpu.memory_space<vmem_shared>>)
      tpu.yield
    }) : () -> ()
    %add3A_22 = arith.constant 192 : i32
    %add3A_23 = arith.addi %mul3A_7, %add3A_22 : i32
    "tpu.region"() ({
      %run_scoped3A = tpu.sem_alloc : memref<!tpu.dma_semaphore, #tpu.memory_space<semaphore_mem>>
      %dma_start3A = arith.constant 0 : i32
      %dma_start3A_57 = tpu.memref_slice %arg16[%add3A_23, %dma_start3A] : memref<10240x16xf32, #tpu.memory_space<vmem_shared>> -> memref<64x16xf32, #tpu.memory_space<vmem_shared>>
      %dma_start3A_58 = arith.constant 0 : i32
      %dma_start3A_59 = tpu.memref_slice %arg16[%add3A_23, %dma_start3A_58] : memref<10240x16xf32, #tpu.memory_space<vmem_shared>> -> memref<64x16xf32, #tpu.memory_space<vmem_shared>>
      tpu.enqueue_dma source(%arg13 : memref<64x16xf32, #tpu.memory_space<vmem>>) target(%dma_start3A_59 : memref<64x16xf32, #tpu.memory_space<vmem_shared>>) target_semaphore(%run_scoped3A : memref<!tpu.dma_semaphore, #tpu.memory_space<semaphore_mem>>)
      %dma_wait3A = arith.constant 0 : i32
      %dma_wait3A_60 = tpu.memref_slice %arg16[%add3A_23, %dma_wait3A] : memref<10240x16xf32, #tpu.memory_space<vmem_shared>> -> memref<64x16xf32, #tpu.memory_space<vmem_shared>>
      %dma_wait3A_61 = arith.constant 0 : i32
      %dma_wait3A_62 = tpu.memref_slice %arg16[%add3A_23, %dma_wait3A_61] : memref<10240x16xf32, #tpu.memory_space<vmem_shared>> -> memref<64x16xf32, #tpu.memory_space<vmem_shared>>
      tpu.wait_dma2 semaphore(%run_scoped3A : memref<!tpu.dma_semaphore, #tpu.memory_space<semaphore_mem>>) src(%arg13 : memref<64x16xf32, #tpu.memory_space<vmem>>) dst(%dma_wait3A_62 : memref<64x16xf32, #tpu.memory_space<vmem_shared>>)
      tpu.yield
    }) : () -> ()
    %add3A_24 = arith.constant 256 : i32
    %add3A_25 = arith.addi %mul3A_7, %add3A_24 : i32
    "tpu.region"() ({
      %run_scoped3A = tpu.sem_alloc : memref<!tpu.dma_semaphore, #tpu.memory_space<semaphore_mem>>
      %dma_start3A = arith.constant 0 : i32
      %dma_start3A_57 = tpu.memref_slice %arg15[%add3A_25, %dma_start3A] : memref<10240x128xf32, #tpu.memory_space<vmem_shared>> -> memref<64x128xf32, #tpu.memory_space<vmem_shared>>
      %dma_start3A_58 = arith.constant 0 : i32
      %dma_start3A_59 = tpu.memref_slice %arg15[%add3A_25, %dma_start3A_58] : memref<10240x128xf32, #tpu.memory_space<vmem_shared>> -> memref<64x128xf32, #tpu.memory_space<vmem_shared>>
      tpu.enqueue_dma source(%arg14 : memref<64x128xf32, #tpu.memory_space<vmem>>) target(%dma_start3A_59 : memref<64x128xf32, #tpu.memory_space<vmem_shared>>) target_semaphore(%run_scoped3A : memref<!tpu.dma_semaphore, #tpu.memory_space<semaphore_mem>>)
      %dma_wait3A = arith.constant 0 : i32
      %dma_wait3A_60 = tpu.memref_slice %arg15[%add3A_25, %dma_wait3A] : memref<10240x128xf32, #tpu.memory_space<vmem_shared>> -> memref<64x128xf32, #tpu.memory_space<vmem_shared>>
      %dma_wait3A_61 = arith.constant 0 : i32
      %dma_wait3A_62 = tpu.memref_slice %arg15[%add3A_25, %dma_wait3A_61] : memref<10240x128xf32, #tpu.memory_space<vmem_shared>> -> memref<64x128xf32, #tpu.memory_space<vmem_shared>>
      tpu.wait_dma2 semaphore(%run_scoped3A : memref<!tpu.dma_semaphore, #tpu.memory_space<semaphore_mem>>) src(%arg14 : memref<64x128xf32, #tpu.memory_space<vmem>>) dst(%dma_wait3A_62 : memref<64x128xf32, #tpu.memory_space<vmem_shared>>)
      tpu.yield
    }) : () -> ()
    %add3A_26 = arith.constant 256 : i32
    %add3A_27 = arith.addi %mul3A_7, %add3A_26 : i32
    "tpu.region"() ({
      %run_scoped3A = tpu.sem_alloc : memref<!tpu.dma_semaphore, #tpu.memory_space<semaphore_mem>>
      %dma_start3A = arith.constant 0 : i32
      %dma_start3A_57 = tpu.memref_slice %arg16[%add3A_27, %dma_start3A] : memref<10240x16xf32, #tpu.memory_space<vmem_shared>> -> memref<64x16xf32, #tpu.memory_space<vmem_shared>>
      %dma_start3A_58 = arith.constant 0 : i32
      %dma_start3A_59 = tpu.memref_slice %arg16[%add3A_27, %dma_start3A_58] : memref<10240x16xf32, #tpu.memory_space<vmem_shared>> -> memref<64x16xf32, #tpu.memory_space<vmem_shared>>
      tpu.enqueue_dma source(%arg13 : memref<64x16xf32, #tpu.memory_space<vmem>>) target(%dma_start3A_59 : memref<64x16xf32, #tpu.memory_space<vmem_shared>>) target_semaphore(%run_scoped3A : memref<!tpu.dma_semaphore, #tpu.memory_space<semaphore_mem>>)
      %dma_wait3A = arith.constant 0 : i32
      %dma_wait3A_60 = tpu.memref_slice %arg16[%add3A_27, %dma_wait3A] : memref<10240x16xf32, #tpu.memory_space<vmem_shared>> -> memref<64x16xf32, #tpu.memory_space<vmem_shared>>
      %dma_wait3A_61 = arith.constant 0 : i32
      %dma_wait3A_62 = tpu.memref_slice %arg16[%add3A_27, %dma_wait3A_61] : memref<10240x16xf32, #tpu.memory_space<vmem_shared>> -> memref<64x16xf32, #tpu.memory_space<vmem_shared>>
      tpu.wait_dma2 semaphore(%run_scoped3A : memref<!tpu.dma_semaphore, #tpu.memory_space<semaphore_mem>>) src(%arg13 : memref<64x16xf32, #tpu.memory_space<vmem>>) dst(%dma_wait3A_62 : memref<64x16xf32, #tpu.memory_space<vmem_shared>>)
      tpu.yield
    }) : () -> ()
    %add3A_28 = arith.constant 320 : i32
    %add3A_29 = arith.addi %mul3A_7, %add3A_28 : i32
    "tpu.region"() ({
      %run_scoped3A = tpu.sem_alloc : memref<!tpu.dma_semaphore, #tpu.memory_space<semaphore_mem>>
      %dma_start3A = arith.constant 0 : i32
      %dma_start3A_57 = tpu.memref_slice %arg15[%add3A_29, %dma_start3A] : memref<10240x128xf32, #tpu.memory_space<vmem_shared>> -> memref<64x128xf32, #tpu.memory_space<vmem_shared>>
      %dma_start3A_58 = arith.constant 0 : i32
      %dma_start3A_59 = tpu.memref_slice %arg15[%add3A_29, %dma_start3A_58] : memref<10240x128xf32, #tpu.memory_space<vmem_shared>> -> memref<64x128xf32, #tpu.memory_space<vmem_shared>>
      tpu.enqueue_dma source(%arg14 : memref<64x128xf32, #tpu.memory_space<vmem>>) target(%dma_start3A_59 : memref<64x128xf32, #tpu.memory_space<vmem_shared>>) target_semaphore(%run_scoped3A : memref<!tpu.dma_semaphore, #tpu.memory_space<semaphore_mem>>)
      %dma_wait3A = arith.constant 0 : i32
      %dma_wait3A_60 = tpu.memref_slice %arg15[%add3A_29, %dma_wait3A] : memref<10240x128xf32, #tpu.memory_space<vmem_shared>> -> memref<64x128xf32, #tpu.memory_space<vmem_shared>>
      %dma_wait3A_61 = arith.constant 0 : i32
      %dma_wait3A_62 = tpu.memref_slice %arg15[%add3A_29, %dma_wait3A_61] : memref<10240x128xf32, #tpu.memory_space<vmem_shared>> -> memref<64x128xf32, #tpu.memory_space<vmem_shared>>
      tpu.wait_dma2 semaphore(%run_scoped3A : memref<!tpu.dma_semaphore, #tpu.memory_space<semaphore_mem>>) src(%arg14 : memref<64x128xf32, #tpu.memory_space<vmem>>) dst(%dma_wait3A_62 : memref<64x128xf32, #tpu.memory_space<vmem_shared>>)
      tpu.yield
    }) : () -> ()
    %add3A_30 = arith.constant 320 : i32
    %add3A_31 = arith.addi %mul3A_7, %add3A_30 : i32
    "tpu.region"() ({
      %run_scoped3A = tpu.sem_alloc : memref<!tpu.dma_semaphore, #tpu.memory_space<semaphore_mem>>
      %dma_start3A = arith.constant 0 : i32
      %dma_start3A_57 = tpu.memref_slice %arg16[%add3A_31, %dma_start3A] : memref<10240x16xf32, #tpu.memory_space<vmem_shared>> -> memref<64x16xf32, #tpu.memory_space<vmem_shared>>
      %dma_start3A_58 = arith.constant 0 : i32
      %dma_start3A_59 = tpu.memref_slice %arg16[%add3A_31, %dma_start3A_58] : memref<10240x16xf32, #tpu.memory_space<vmem_shared>> -> memref<64x16xf32, #tpu.memory_space<vmem_shared>>
      tpu.enqueue_dma source(%arg13 : memref<64x16xf32, #tpu.memory_space<vmem>>) target(%dma_start3A_59 : memref<64x16xf32, #tpu.memory_space<vmem_shared>>) target_semaphore(%run_scoped3A : memref<!tpu.dma_semaphore, #tpu.memory_space<semaphore_mem>>)
      %dma_wait3A = arith.constant 0 : i32
      %dma_wait3A_60 = tpu.memref_slice %arg16[%add3A_31, %dma_wait3A] : memref<10240x16xf32, #tpu.memory_space<vmem_shared>> -> memref<64x16xf32, #tpu.memory_space<vmem_shared>>
      %dma_wait3A_61 = arith.constant 0 : i32
      %dma_wait3A_62 = tpu.memref_slice %arg16[%add3A_31, %dma_wait3A_61] : memref<10240x16xf32, #tpu.memory_space<vmem_shared>> -> memref<64x16xf32, #tpu.memory_space<vmem_shared>>
      tpu.wait_dma2 semaphore(%run_scoped3A : memref<!tpu.dma_semaphore, #tpu.memory_space<semaphore_mem>>) src(%arg13 : memref<64x16xf32, #tpu.memory_space<vmem>>) dst(%dma_wait3A_62 : memref<64x16xf32, #tpu.memory_space<vmem_shared>>)
      tpu.yield
    }) : () -> ()
    %add3A_32 = arith.constant 384 : i32
    %add3A_33 = arith.addi %mul3A_7, %add3A_32 : i32
    "tpu.region"() ({
      %run_scoped3A = tpu.sem_alloc : memref<!tpu.dma_semaphore, #tpu.memory_space<semaphore_mem>>
      %dma_start3A = arith.constant 0 : i32
      %dma_start3A_57 = tpu.memref_slice %arg15[%add3A_33, %dma_start3A] : memref<10240x128xf32, #tpu.memory_space<vmem_shared>> -> memref<64x128xf32, #tpu.memory_space<vmem_shared>>
      %dma_start3A_58 = arith.constant 0 : i32
      %dma_start3A_59 = tpu.memref_slice %arg15[%add3A_33, %dma_start3A_58] : memref<10240x128xf32, #tpu.memory_space<vmem_shared>> -> memref<64x128xf32, #tpu.memory_space<vmem_shared>>
      tpu.enqueue_dma source(%arg14 : memref<64x128xf32, #tpu.memory_space<vmem>>) target(%dma_start3A_59 : memref<64x128xf32, #tpu.memory_space<vmem_shared>>) target_semaphore(%run_scoped3A : memref<!tpu.dma_semaphore, #tpu.memory_space<semaphore_mem>>)
      %dma_wait3A = arith.constant 0 : i32
      %dma_wait3A_60 = tpu.memref_slice %arg15[%add3A_33, %dma_wait3A] : memref<10240x128xf32, #tpu.memory_space<vmem_shared>> -> memref<64x128xf32, #tpu.memory_space<vmem_shared>>
      %dma_wait3A_61 = arith.constant 0 : i32
      %dma_wait3A_62 = tpu.memref_slice %arg15[%add3A_33, %dma_wait3A_61] : memref<10240x128xf32, #tpu.memory_space<vmem_shared>> -> memref<64x128xf32, #tpu.memory_space<vmem_shared>>
      tpu.wait_dma2 semaphore(%run_scoped3A : memref<!tpu.dma_semaphore, #tpu.memory_space<semaphore_mem>>) src(%arg14 : memref<64x128xf32, #tpu.memory_space<vmem>>) dst(%dma_wait3A_62 : memref<64x128xf32, #tpu.memory_space<vmem_shared>>)
      tpu.yield
    }) : () -> ()
    %add3A_34 = arith.constant 384 : i32
    %add3A_35 = arith.addi %mul3A_7, %add3A_34 : i32
    "tpu.region"() ({
      %run_scoped3A = tpu.sem_alloc : memref<!tpu.dma_semaphore, #tpu.memory_space<semaphore_mem>>
      %dma_start3A = arith.constant 0 : i32
      %dma_start3A_57 = tpu.memref_slice %arg16[%add3A_35, %dma_start3A] : memref<10240x16xf32, #tpu.memory_space<vmem_shared>> -> memref<64x16xf32, #tpu.memory_space<vmem_shared>>
      %dma_start3A_58 = arith.constant 0 : i32
      %dma_start3A_59 = tpu.memref_slice %arg16[%add3A_35, %dma_start3A_58] : memref<10240x16xf32, #tpu.memory_space<vmem_shared>> -> memref<64x16xf32, #tpu.memory_space<vmem_shared>>
      tpu.enqueue_dma source(%arg13 : memref<64x16xf32, #tpu.memory_space<vmem>>) target(%dma_start3A_59 : memref<64x16xf32, #tpu.memory_space<vmem_shared>>) target_semaphore(%run_scoped3A : memref<!tpu.dma_semaphore, #tpu.memory_space<semaphore_mem>>)
      %dma_wait3A = arith.constant 0 : i32
      %dma_wait3A_60 = tpu.memref_slice %arg16[%add3A_35, %dma_wait3A] : memref<10240x16xf32, #tpu.memory_space<vmem_shared>> -> memref<64x16xf32, #tpu.memory_space<vmem_shared>>
      %dma_wait3A_61 = arith.constant 0 : i32
      %dma_wait3A_62 = tpu.memref_slice %arg16[%add3A_35, %dma_wait3A_61] : memref<10240x16xf32, #tpu.memory_space<vmem_shared>> -> memref<64x16xf32, #tpu.memory_space<vmem_shared>>
      tpu.wait_dma2 semaphore(%run_scoped3A : memref<!tpu.dma_semaphore, #tpu.memory_space<semaphore_mem>>) src(%arg13 : memref<64x16xf32, #tpu.memory_space<vmem>>) dst(%dma_wait3A_62 : memref<64x16xf32, #tpu.memory_space<vmem_shared>>)
      tpu.yield
    }) : () -> ()
    %add3A_36 = arith.constant 448 : i32
    %add3A_37 = arith.addi %mul3A_7, %add3A_36 : i32
    "tpu.region"() ({
      %run_scoped3A = tpu.sem_alloc : memref<!tpu.dma_semaphore, #tpu.memory_space<semaphore_mem>>
      %dma_start3A = arith.constant 0 : i32
      %dma_start3A_57 = tpu.memref_slice %arg15[%add3A_37, %dma_start3A] : memref<10240x128xf32, #tpu.memory_space<vmem_shared>> -> memref<64x128xf32, #tpu.memory_space<vmem_shared>>
      %dma_start3A_58 = arith.constant 0 : i32
      %dma_start3A_59 = tpu.memref_slice %arg15[%add3A_37, %dma_start3A_58] : memref<10240x128xf32, #tpu.memory_space<vmem_shared>> -> memref<64x128xf32, #tpu.memory_space<vmem_shared>>
      tpu.enqueue_dma source(%arg14 : memref<64x128xf32, #tpu.memory_space<vmem>>) target(%dma_start3A_59 : memref<64x128xf32, #tpu.memory_space<vmem_shared>>) target_semaphore(%run_scoped3A : memref<!tpu.dma_semaphore, #tpu.memory_space<semaphore_mem>>)
      %dma_wait3A = arith.constant 0 : i32
      %dma_wait3A_60 = tpu.memref_slice %arg15[%add3A_37, %dma_wait3A] : memref<10240x128xf32, #tpu.memory_space<vmem_shared>> -> memref<64x128xf32, #tpu.memory_space<vmem_shared>>
      %dma_wait3A_61 = arith.constant 0 : i32
      %dma_wait3A_62 = tpu.memref_slice %arg15[%add3A_37, %dma_wait3A_61] : memref<10240x128xf32, #tpu.memory_space<vmem_shared>> -> memref<64x128xf32, #tpu.memory_space<vmem_shared>>
      tpu.wait_dma2 semaphore(%run_scoped3A : memref<!tpu.dma_semaphore, #tpu.memory_space<semaphore_mem>>) src(%arg14 : memref<64x128xf32, #tpu.memory_space<vmem>>) dst(%dma_wait3A_62 : memref<64x128xf32, #tpu.memory_space<vmem_shared>>)
      tpu.yield
    }) : () -> ()
    %add3A_38 = arith.constant 448 : i32
    %add3A_39 = arith.addi %mul3A_7, %add3A_38 : i32
    "tpu.region"() ({
      %run_scoped3A = tpu.sem_alloc : memref<!tpu.dma_semaphore, #tpu.memory_space<semaphore_mem>>
      %dma_start3A = arith.constant 0 : i32
      %dma_start3A_57 = tpu.memref_slice %arg16[%add3A_39, %dma_start3A] : memref<10240x16xf32, #tpu.memory_space<vmem_shared>> -> memref<64x16xf32, #tpu.memory_space<vmem_shared>>
      %dma_start3A_58 = arith.constant 0 : i32
      %dma_start3A_59 = tpu.memref_slice %arg16[%add3A_39, %dma_start3A_58] : memref<10240x16xf32, #tpu.memory_space<vmem_shared>> -> memref<64x16xf32, #tpu.memory_space<vmem_shared>>
      tpu.enqueue_dma source(%arg13 : memref<64x16xf32, #tpu.memory_space<vmem>>) target(%dma_start3A_59 : memref<64x16xf32, #tpu.memory_space<vmem_shared>>) target_semaphore(%run_scoped3A : memref<!tpu.dma_semaphore, #tpu.memory_space<semaphore_mem>>)
      %dma_wait3A = arith.constant 0 : i32
      %dma_wait3A_60 = tpu.memref_slice %arg16[%add3A_39, %dma_wait3A] : memref<10240x16xf32, #tpu.memory_space<vmem_shared>> -> memref<64x16xf32, #tpu.memory_space<vmem_shared>>
      %dma_wait3A_61 = arith.constant 0 : i32
      %dma_wait3A_62 = tpu.memref_slice %arg16[%add3A_39, %dma_wait3A_61] : memref<10240x16xf32, #tpu.memory_space<vmem_shared>> -> memref<64x16xf32, #tpu.memory_space<vmem_shared>>
      tpu.wait_dma2 semaphore(%run_scoped3A : memref<!tpu.dma_semaphore, #tpu.memory_space<semaphore_mem>>) src(%arg13 : memref<64x16xf32, #tpu.memory_space<vmem>>) dst(%dma_wait3A_62 : memref<64x16xf32, #tpu.memory_space<vmem_shared>>)
      tpu.yield
    }) : () -> ()
    %add3A_40 = arith.constant 512 : i32
    %add3A_41 = arith.addi %mul3A_7, %add3A_40 : i32
    "tpu.region"() ({
      %run_scoped3A = tpu.sem_alloc : memref<!tpu.dma_semaphore, #tpu.memory_space<semaphore_mem>>
      %dma_start3A = arith.constant 0 : i32
      %dma_start3A_57 = tpu.memref_slice %arg15[%add3A_41, %dma_start3A] : memref<10240x128xf32, #tpu.memory_space<vmem_shared>> -> memref<64x128xf32, #tpu.memory_space<vmem_shared>>
      %dma_start3A_58 = arith.constant 0 : i32
      %dma_start3A_59 = tpu.memref_slice %arg15[%add3A_41, %dma_start3A_58] : memref<10240x128xf32, #tpu.memory_space<vmem_shared>> -> memref<64x128xf32, #tpu.memory_space<vmem_shared>>
      tpu.enqueue_dma source(%arg14 : memref<64x128xf32, #tpu.memory_space<vmem>>) target(%dma_start3A_59 : memref<64x128xf32, #tpu.memory_space<vmem_shared>>) target_semaphore(%run_scoped3A : memref<!tpu.dma_semaphore, #tpu.memory_space<semaphore_mem>>)
      %dma_wait3A = arith.constant 0 : i32
      %dma_wait3A_60 = tpu.memref_slice %arg15[%add3A_41, %dma_wait3A] : memref<10240x128xf32, #tpu.memory_space<vmem_shared>> -> memref<64x128xf32, #tpu.memory_space<vmem_shared>>
      %dma_wait3A_61 = arith.constant 0 : i32
      %dma_wait3A_62 = tpu.memref_slice %arg15[%add3A_41, %dma_wait3A_61] : memref<10240x128xf32, #tpu.memory_space<vmem_shared>> -> memref<64x128xf32, #tpu.memory_space<vmem_shared>>
      tpu.wait_dma2 semaphore(%run_scoped3A : memref<!tpu.dma_semaphore, #tpu.memory_space<semaphore_mem>>) src(%arg14 : memref<64x128xf32, #tpu.memory_space<vmem>>) dst(%dma_wait3A_62 : memref<64x128xf32, #tpu.memory_space<vmem_shared>>)
      tpu.yield
    }) : () -> ()
    %add3A_42 = arith.constant 512 : i32
    %add3A_43 = arith.addi %mul3A_7, %add3A_42 : i32
    "tpu.region"() ({
      %run_scoped3A = tpu.sem_alloc : memref<!tpu.dma_semaphore, #tpu.memory_space<semaphore_mem>>
      %dma_start3A = arith.constant 0 : i32
      %dma_start3A_57 = tpu.memref_slice %arg16[%add3A_43, %dma_start3A] : memref<10240x16xf32, #tpu.memory_space<vmem_shared>> -> memref<64x16xf32, #tpu.memory_space<vmem_shared>>
      %dma_start3A_58 = arith.constant 0 : i32
      %dma_start3A_59 = tpu.memref_slice %arg16[%add3A_43, %dma_start3A_58] : memref<10240x16xf32, #tpu.memory_space<vmem_shared>> -> memref<64x16xf32, #tpu.memory_space<vmem_shared>>
      tpu.enqueue_dma source(%arg13 : memref<64x16xf32, #tpu.memory_space<vmem>>) target(%dma_start3A_59 : memref<64x16xf32, #tpu.memory_space<vmem_shared>>) target_semaphore(%run_scoped3A : memref<!tpu.dma_semaphore, #tpu.memory_space<semaphore_mem>>)
      %dma_wait3A = arith.constant 0 : i32
      %dma_wait3A_60 = tpu.memref_slice %arg16[%add3A_43, %dma_wait3A] : memref<10240x16xf32, #tpu.memory_space<vmem_shared>> -> memref<64x16xf32, #tpu.memory_space<vmem_shared>>
      %dma_wait3A_61 = arith.constant 0 : i32
      %dma_wait3A_62 = tpu.memref_slice %arg16[%add3A_43, %dma_wait3A_61] : memref<10240x16xf32, #tpu.memory_space<vmem_shared>> -> memref<64x16xf32, #tpu.memory_space<vmem_shared>>
      tpu.wait_dma2 semaphore(%run_scoped3A : memref<!tpu.dma_semaphore, #tpu.memory_space<semaphore_mem>>) src(%arg13 : memref<64x16xf32, #tpu.memory_space<vmem>>) dst(%dma_wait3A_62 : memref<64x16xf32, #tpu.memory_space<vmem_shared>>)
      tpu.yield
    }) : () -> ()
    %add3A_44 = arith.constant 576 : i32
    %add3A_45 = arith.addi %mul3A_7, %add3A_44 : i32
    "tpu.region"() ({
      %run_scoped3A = tpu.sem_alloc : memref<!tpu.dma_semaphore, #tpu.memory_space<semaphore_mem>>
      %dma_start3A = arith.constant 0 : i32
      %dma_start3A_57 = tpu.memref_slice %arg15[%add3A_45, %dma_start3A] : memref<10240x128xf32, #tpu.memory_space<vmem_shared>> -> memref<64x128xf32, #tpu.memory_space<vmem_shared>>
      %dma_start3A_58 = arith.constant 0 : i32
      %dma_start3A_59 = tpu.memref_slice %arg15[%add3A_45, %dma_start3A_58] : memref<10240x128xf32, #tpu.memory_space<vmem_shared>> -> memref<64x128xf32, #tpu.memory_space<vmem_shared>>
      tpu.enqueue_dma source(%arg14 : memref<64x128xf32, #tpu.memory_space<vmem>>) target(%dma_start3A_59 : memref<64x128xf32, #tpu.memory_space<vmem_shared>>) target_semaphore(%run_scoped3A : memref<!tpu.dma_semaphore, #tpu.memory_space<semaphore_mem>>)
      %dma_wait3A = arith.constant 0 : i32
      %dma_wait3A_60 = tpu.memref_slice %arg15[%add3A_45, %dma_wait3A] : memref<10240x128xf32, #tpu.memory_space<vmem_shared>> -> memref<64x128xf32, #tpu.memory_space<vmem_shared>>
      %dma_wait3A_61 = arith.constant 0 : i32
      %dma_wait3A_62 = tpu.memref_slice %arg15[%add3A_45, %dma_wait3A_61] : memref<10240x128xf32, #tpu.memory_space<vmem_shared>> -> memref<64x128xf32, #tpu.memory_space<vmem_shared>>
      tpu.wait_dma2 semaphore(%run_scoped3A : memref<!tpu.dma_semaphore, #tpu.memory_space<semaphore_mem>>) src(%arg14 : memref<64x128xf32, #tpu.memory_space<vmem>>) dst(%dma_wait3A_62 : memref<64x128xf32, #tpu.memory_space<vmem_shared>>)
      tpu.yield
    }) : () -> ()
    %add3A_46 = arith.constant 576 : i32
    %add3A_47 = arith.addi %mul3A_7, %add3A_46 : i32
    "tpu.region"() ({
      %run_scoped3A = tpu.sem_alloc : memref<!tpu.dma_semaphore, #tpu.memory_space<semaphore_mem>>
      %dma_start3A = arith.constant 0 : i32
      %dma_start3A_57 = tpu.memref_slice %arg16[%add3A_47, %dma_start3A] : memref<10240x16xf32, #tpu.memory_space<vmem_shared>> -> memref<64x16xf32, #tpu.memory_space<vmem_shared>>
      %dma_start3A_58 = arith.constant 0 : i32
      %dma_start3A_59 = tpu.memref_slice %arg16[%add3A_47, %dma_start3A_58] : memref<10240x16xf32, #tpu.memory_space<vmem_shared>> -> memref<64x16xf32, #tpu.memory_space<vmem_shared>>
      tpu.enqueue_dma source(%arg13 : memref<64x16xf32, #tpu.memory_space<vmem>>) target(%dma_start3A_59 : memref<64x16xf32, #tpu.memory_space<vmem_shared>>) target_semaphore(%run_scoped3A : memref<!tpu.dma_semaphore, #tpu.memory_space<semaphore_mem>>)
      %dma_wait3A = arith.constant 0 : i32
      %dma_wait3A_60 = tpu.memref_slice %arg16[%add3A_47, %dma_wait3A] : memref<10240x16xf32, #tpu.memory_space<vmem_shared>> -> memref<64x16xf32, #tpu.memory_space<vmem_shared>>
      %dma_wait3A_61 = arith.constant 0 : i32
      %dma_wait3A_62 = tpu.memref_slice %arg16[%add3A_47, %dma_wait3A_61] : memref<10240x16xf32, #tpu.memory_space<vmem_shared>> -> memref<64x16xf32, #tpu.memory_space<vmem_shared>>
      tpu.wait_dma2 semaphore(%run_scoped3A : memref<!tpu.dma_semaphore, #tpu.memory_space<semaphore_mem>>) src(%arg13 : memref<64x16xf32, #tpu.memory_space<vmem>>) dst(%dma_wait3A_62 : memref<64x16xf32, #tpu.memory_space<vmem_shared>>)
      tpu.yield
    }) : () -> ()
    %barrier3A = arith.constant 0 : index
    tpu.barrier barrier_id(%barrier3A)
    %scan3A_48 = arith.constant 0 : i32
    %scan3A_49 = arith.constant 0 : i32
    %scan3A_50 = arith.constant 162 : i32
    %scan3A_51 = arith.addi %scan3A_49, %scan3A_50 : i32
    %scan3A_52 = arith.constant 1 : i32
    scf.for %scan3A_57 = %scan3A_49 to %scan3A_51 step %scan3A_52  : i32 {
      %mul3A_58 = arith.constant 64 : i32
      %mul3A_59 = arith.muli %scan3A_57, %mul3A_58 : i32
      %multiple_of3A = tpu.assume_multiple %mul3A_59, 64 : i32
      "tpu.region"() ({
        %run_scoped3A = tpu.sem_alloc : memref<!tpu.dma_semaphore, #tpu.memory_space<semaphore_mem>>
        %dma_start3A = tpu.memref_slice %arg5[%add3A, %multiple_of3A] : memref<32x10368xi32, #tpu.memory_space<hbm>> -> memref<1x64xi32, #tpu.memory_space<hbm>>
        %dma_start3A_66 = tpu.memref_squeeze %dma_start3A : memref<1x64xi32, #tpu.memory_space<hbm>> -> memref<64xi32, #tpu.memory_space<hbm>>
        %dma_start3A_67 = tpu.memref_slice %arg5[%add3A, %multiple_of3A] : memref<32x10368xi32, #tpu.memory_space<hbm>> -> memref<1x64xi32, #tpu.memory_space<hbm>>
        %dma_start3A_68 = tpu.memref_squeeze %dma_start3A_67 : memref<1x64xi32, #tpu.memory_space<hbm>> -> memref<64xi32, #tpu.memory_space<hbm>>
        tpu.enqueue_dma source(%dma_start3A_68 : memref<64xi32, #tpu.memory_space<hbm>>) target(%arg9 : memref<64xi32, #tpu.memory_space<vmem>>) target_semaphore(%run_scoped3A : memref<!tpu.dma_semaphore, #tpu.memory_space<semaphore_mem>>)
        %dma_wait3A = tpu.memref_slice %arg5[%add3A, %multiple_of3A] : memref<32x10368xi32, #tpu.memory_space<hbm>> -> memref<1x64xi32, #tpu.memory_space<hbm>>
        %dma_wait3A_69 = tpu.memref_squeeze %dma_wait3A : memref<1x64xi32, #tpu.memory_space<hbm>> -> memref<64xi32, #tpu.memory_space<hbm>>
        %dma_wait3A_70 = tpu.memref_slice %arg5[%add3A, %multiple_of3A] : memref<32x10368xi32, #tpu.memory_space<hbm>> -> memref<1x64xi32, #tpu.memory_space<hbm>>
        %dma_wait3A_71 = tpu.memref_squeeze %dma_wait3A_70 : memref<1x64xi32, #tpu.memory_space<hbm>> -> memref<64xi32, #tpu.memory_space<hbm>>
        tpu.wait_dma2 semaphore(%run_scoped3A : memref<!tpu.dma_semaphore, #tpu.memory_space<semaphore_mem>>) src(%dma_wait3A_71 : memref<64xi32, #tpu.memory_space<hbm>>) dst(%arg9 : memref<64xi32, #tpu.memory_space<vmem>>)
        tpu.yield
      }) : () -> ()
      "tpu.region"() ({
        %run_scoped3A = tpu.sem_alloc : memref<!tpu.dma_semaphore, #tpu.memory_space<semaphore_mem>>
        %dma_start3A = tpu.memref_slice %arg6[%add3A, %multiple_of3A] : memref<32x10368xi32, #tpu.memory_space<hbm>> -> memref<1x64xi32, #tpu.memory_space<hbm>>
        %dma_start3A_66 = tpu.memref_squeeze %dma_start3A : memref<1x64xi32, #tpu.memory_space<hbm>> -> memref<64xi32, #tpu.memory_space<hbm>>
        %dma_start3A_67 = tpu.memref_slice %arg6[%add3A, %multiple_of3A] : memref<32x10368xi32, #tpu.memory_space<hbm>> -> memref<1x64xi32, #tpu.memory_space<hbm>>
        %dma_start3A_68 = tpu.memref_squeeze %dma_start3A_67 : memref<1x64xi32, #tpu.memory_space<hbm>> -> memref<64xi32, #tpu.memory_space<hbm>>
        tpu.enqueue_dma source(%dma_start3A_68 : memref<64xi32, #tpu.memory_space<hbm>>) target(%arg10 : memref<64xi32, #tpu.memory_space<vmem>>) target_semaphore(%run_scoped3A : memref<!tpu.dma_semaphore, #tpu.memory_space<semaphore_mem>>)
        %dma_wait3A = tpu.memref_slice %arg6[%add3A, %multiple_of3A] : memref<32x10368xi32, #tpu.memory_space<hbm>> -> memref<1x64xi32, #tpu.memory_space<hbm>>
        %dma_wait3A_69 = tpu.memref_squeeze %dma_wait3A : memref<1x64xi32, #tpu.memory_space<hbm>> -> memref<64xi32, #tpu.memory_space<hbm>>
        %dma_wait3A_70 = tpu.memref_slice %arg6[%add3A, %multiple_of3A] : memref<32x10368xi32, #tpu.memory_space<hbm>> -> memref<1x64xi32, #tpu.memory_space<hbm>>
        %dma_wait3A_71 = tpu.memref_squeeze %dma_wait3A_70 : memref<1x64xi32, #tpu.memory_space<hbm>> -> memref<64xi32, #tpu.memory_space<hbm>>
        tpu.wait_dma2 semaphore(%run_scoped3A : memref<!tpu.dma_semaphore, #tpu.memory_space<semaphore_mem>>) src(%dma_wait3A_71 : memref<64xi32, #tpu.memory_space<hbm>>) dst(%arg10 : memref<64xi32, #tpu.memory_space<vmem>>)
        tpu.yield
      }) : () -> ()
      "tpu.region"() ({
        %run_scoped3A = tpu.sem_alloc : memref<!tpu.dma_semaphore, #tpu.memory_space<semaphore_mem>>
        %dma_start3A = arith.constant 0 : i32
        %dma_start3A_66 = arith.constant 0 : i32
        %dma_start3A_67 = tpu.memref_slice %arg3[%dma_start3A, %dma_start3A_66] : memref<10240x16xf32, #tpu.memory_space<hbm>> -> memref<10240x16xf32, #tpu.memory_space<hbm>>
        tpu.enqueue_indirect_dma source(%dma_start3A_67 : memref<10240x16xf32, #tpu.memory_space<hbm>>) target(%arg11 : memref<64x16xf32, #tpu.memory_space<vmem>>) offsets(%arg9 : memref<64xi32, #tpu.memory_space<vmem>>) semaphore(%run_scoped3A : memref<!tpu.dma_semaphore, #tpu.memory_space<semaphore_mem>>)
        %dma_wait3A = arith.constant 0 : i32
        %dma_wait3A_68 = arith.constant 0 : i32
        %dma_wait3A_69 = tpu.memref_slice %arg3[%dma_wait3A, %dma_wait3A_68] : memref<10240x16xf32, #tpu.memory_space<hbm>> -> memref<10240x16xf32, #tpu.memory_space<hbm>>
        tpu.wait_indirect_dma semaphore(%run_scoped3A : memref<!tpu.dma_semaphore, #tpu.memory_space<semaphore_mem>>) src(%dma_wait3A_69 : memref<10240x16xf32, #tpu.memory_space<hbm>>) dst(%arg11 : memref<64x16xf32, #tpu.memory_space<vmem>>)
        tpu.yield
      }) : () -> ()
      "tpu.region"() ({
        %run_scoped3A = tpu.sem_alloc : memref<!tpu.dma_semaphore, #tpu.memory_space<semaphore_mem>>
        %dma_start3A = arith.constant 0 : i32
        %dma_start3A_66 = arith.constant 0 : i32
        %dma_start3A_67 = tpu.memref_slice %arg4[%dma_start3A, %dma_start3A_66] : memref<10240x16xf32, #tpu.memory_space<hbm>> -> memref<10240x16xf32, #tpu.memory_space<hbm>>
        tpu.enqueue_indirect_dma source(%dma_start3A_67 : memref<10240x16xf32, #tpu.memory_space<hbm>>) target(%arg12 : memref<64x16xf32, #tpu.memory_space<vmem>>) offsets(%arg10 : memref<64xi32, #tpu.memory_space<vmem>>) semaphore(%run_scoped3A : memref<!tpu.dma_semaphore, #tpu.memory_space<semaphore_mem>>)
        %dma_wait3A = arith.constant 0 : i32
        %dma_wait3A_68 = arith.constant 0 : i32
        %dma_wait3A_69 = tpu.memref_slice %arg4[%dma_wait3A, %dma_wait3A_68] : memref<10240x16xf32, #tpu.memory_space<hbm>> -> memref<10240x16xf32, #tpu.memory_space<hbm>>
        tpu.wait_indirect_dma semaphore(%run_scoped3A : memref<!tpu.dma_semaphore, #tpu.memory_space<semaphore_mem>>) src(%dma_wait3A_69 : memref<10240x16xf32, #tpu.memory_space<hbm>>) dst(%arg12 : memref<64x16xf32, #tpu.memory_space<vmem>>)
        tpu.yield
      }) : () -> ()
      "tpu.region"() ({
        %run_scoped3A = tpu.sem_alloc : memref<!tpu.dma_semaphore, #tpu.memory_space<semaphore_mem>>
        %dma_start3A = arith.constant 0 : i32
        %dma_start3A_66 = arith.constant 0 : i32
        %dma_start3A_67 = tpu.memref_slice %arg2[%dma_start3A, %dma_start3A_66] : memref<10000x128xf32, #tpu.memory_space<hbm>> -> memref<10000x128xf32, #tpu.memory_space<hbm>>
        tpu.enqueue_indirect_dma source(%dma_start3A_67 : memref<10000x128xf32, #tpu.memory_space<hbm>>) target(%arg14 : memref<64x128xf32, #tpu.memory_space<vmem>>) offsets(%arg9 : memref<64xi32, #tpu.memory_space<vmem>>) semaphore(%run_scoped3A : memref<!tpu.dma_semaphore, #tpu.memory_space<semaphore_mem>>)
        %dma_wait3A = arith.constant 0 : i32
        %dma_wait3A_68 = arith.constant 0 : i32
        %dma_wait3A_69 = tpu.memref_slice %arg2[%dma_wait3A, %dma_wait3A_68] : memref<10000x128xf32, #tpu.memory_space<hbm>> -> memref<10000x128xf32, #tpu.memory_space<hbm>>
        tpu.wait_indirect_dma semaphore(%run_scoped3A : memref<!tpu.dma_semaphore, #tpu.memory_space<semaphore_mem>>) src(%dma_wait3A_69 : memref<10000x128xf32, #tpu.memory_space<hbm>>) dst(%arg14 : memref<64x128xf32, #tpu.memory_space<vmem>>)
        tpu.yield
      }) : () -> ()
      %scan3A_60 = arith.constant 0 : i32
      %scan3A_61 = arith.constant 0 : i32
      %scan3A_62 = arith.constant 64 : i32
      %scan3A_63 = arith.addi %scan3A_61, %scan3A_62 : i32
      %scan3A_64 = arith.constant 1 : i32
      scf.for %scan3A_66 = %scan3A_61 to %scan3A_63 step %scan3A_64  : i32 {
        %get3A = arith.index_cast %scan3A_66 : i32 to index
        %get3A_67 = arith.constant 0 : index
        %get3A_68 = tpu.vector_load %arg11[%get3A, %get3A_67] {strides = array<i32>} : memref<64x16xf32, #tpu.memory_space<vmem>>, vector<1x16xf32>,
        %get3A_69 = vector.shape_cast %get3A_68 : vector<1x16xf32> to vector<16xf32>
        %get3A_70 = arith.index_cast %scan3A_66 : i32 to index
        %get3A_71 = arith.constant 0 : index
        %get3A_72 = tpu.vector_load %arg12[%get3A_70, %get3A_71] {strides = array<i32>} : memref<64x16xf32, #tpu.memory_space<vmem>>, vector<1x16xf32>,
        %get3A_73 = vector.shape_cast %get3A_72 : vector<1x16xf32> to vector<16xf32>
        %add3A_74 = arith.addf %get3A_69, %get3A_73 : vector<16xf32>
        %mul3A_75 = arith.constant 2.000000e-01 : f32
        %mul3A_76 = vector.broadcast %mul3A_75 : f32 to vector<16xf32>
        %mul3A_77 = arith.mulf %add3A_74, %mul3A_76 : vector<16xf32>
        %max3A = arith.maximumf %add3A_74, %mul3A_77 : vector<16xf32>
        %exp3A = math.exp %max3A : vector<16xf32>
        %swap3A = arith.index_cast %scan3A_66 : i32 to index
        %swap3A_78 = arith.constant 0 : index
        %swap3A_79 = tpu.vector_load %arg13[%swap3A, %swap3A_78] {strides = array<i32>} : memref<64x16xf32, #tpu.memory_space<vmem>>, vector<1x16xf32>,
        %swap3A_80 = vector.shape_cast %swap3A_79 : vector<1x16xf32> to vector<16xf32>
        %swap3A_81 = vector.shape_cast %exp3A : vector<16xf32> to vector<1x16xf32>
        tpu.vector_store %arg13[%swap3A, %swap3A_78], %swap3A_81 {strides = array<i32>} : memref<64x16xf32, #tpu.memory_space<vmem>>, vector<1x16xf32>,
        %slice3A = vector.extract_strided_slice %exp3A {offsets = [0], sizes = [1], strides = [1]} : vector<16xf32> to vector<1xf32>
        %squeeze3A = vector.extract %slice3A[0] : f32 from vector<1xf32>
        %get3A_82 = arith.index_cast %scan3A_66 : i32 to index
        %get3A_83 = arith.constant 0 : index
        %get3A_84 = tpu.vector_load %arg14[%get3A_82, %get3A_83] {strides = array<i32>} : memref<64x128xf32, #tpu.memory_space<vmem>>, vector<1x16xf32>,
        %get3A_85 = vector.shape_cast %get3A_84 : vector<1x16xf32> to vector<16xf32>
        %mul3A_86 = vector.broadcast %squeeze3A : f32 to vector<16xf32>
        %mul3A_87 = arith.mulf %get3A_85, %mul3A_86 : vector<16xf32>
        %swap3A_88 = arith.index_cast %scan3A_66 : i32 to index
        %swap3A_89 = arith.constant 0 : index
        %swap3A_90 = tpu.vector_load %arg14[%swap3A_88, %swap3A_89] {strides = array<i32>} : memref<64x128xf32, #tpu.memory_space<vmem>>, vector<1x16xf32>,
        %swap3A_91 = vector.shape_cast %swap3A_90 : vector<1x16xf32> to vector<16xf32>
        %swap3A_92 = vector.shape_cast %mul3A_87 : vector<16xf32> to vector<1x16xf32>
        tpu.vector_store %arg14[%swap3A_88, %swap3A_89], %swap3A_92 {strides = array<i32>} : memref<64x128xf32, #tpu.memory_space<vmem>>, vector<1x16xf32>,
        %slice3A_93 = vector.extract_strided_slice %exp3A {offsets = [1], sizes = [1], strides = [1]} : vector<16xf32> to vector<1xf32>
        %squeeze3A_94 = vector.extract %slice3A_93[0] : f32 from vector<1xf32>
        %get3A_95 = arith.index_cast %scan3A_66 : i32 to index
        %get3A_96 = arith.constant 16 : index
        %get3A_97 = tpu.vector_load %arg14[%get3A_95, %get3A_96] {strides = array<i32>} : memref<64x128xf32, #tpu.memory_space<vmem>>, vector<1x16xf32>,
        %get3A_98 = vector.shape_cast %get3A_97 : vector<1x16xf32> to vector<16xf32>
        %mul3A_99 = vector.broadcast %squeeze3A_94 : f32 to vector<16xf32>
        %mul3A_100 = arith.mulf %get3A_98, %mul3A_99 : vector<16xf32>
        %swap3A_101 = arith.index_cast %scan3A_66 : i32 to index
        %swap3A_102 = arith.constant 16 : index
        %swap3A_103 = tpu.vector_load %arg14[%swap3A_101, %swap3A_102] {strides = array<i32>} : memref<64x128xf32, #tpu.memory_space<vmem>>, vector<1x16xf32>,
        %swap3A_104 = vector.shape_cast %swap3A_103 : vector<1x16xf32> to vector<16xf32>
        %swap3A_105 = vector.shape_cast %mul3A_100 : vector<16xf32> to vector<1x16xf32>
        tpu.vector_store %arg14[%swap3A_101, %swap3A_102], %swap3A_105 {strides = array<i32>} : memref<64x128xf32, #tpu.memory_space<vmem>>, vector<1x16xf32>,
        %slice3A_106 = vector.extract_strided_slice %exp3A {offsets = [2], sizes = [1], strides = [1]} : vector<16xf32> to vector<1xf32>
        %squeeze3A_107 = vector.extract %slice3A_106[0] : f32 from vector<1xf32>
        %get3A_108 = arith.index_cast %scan3A_66 : i32 to index
        %get3A_109 = arith.constant 32 : index
        %get3A_110 = tpu.vector_load %arg14[%get3A_108, %get3A_109] {strides = array<i32>} : memref<64x128xf32, #tpu.memory_space<vmem>>, vector<1x16xf32>,
        %get3A_111 = vector.shape_cast %get3A_110 : vector<1x16xf32> to vector<16xf32>
        %mul3A_112 = vector.broadcast %squeeze3A_107 : f32 to vector<16xf32>
        %mul3A_113 = arith.mulf %get3A_111, %mul3A_112 : vector<16xf32>
        %swap3A_114 = arith.index_cast %scan3A_66 : i32 to index
        %swap3A_115 = arith.constant 32 : index
        %swap3A_116 = tpu.vector_load %arg14[%swap3A_114, %swap3A_115] {strides = array<i32>} : memref<64x128xf32, #tpu.memory_space<vmem>>, vector<1x16xf32>,
        %swap3A_117 = vector.shape_cast %swap3A_116 : vector<1x16xf32> to vector<16xf32>
        %swap3A_118 = vector.shape_cast %mul3A_113 : vector<16xf32> to vector<1x16xf32>
        tpu.vector_store %arg14[%swap3A_114, %swap3A_115], %swap3A_118 {strides = array<i32>} : memref<64x128xf32, #tpu.memory_space<vmem>>, vector<1x16xf32>,
        %slice3A_119 = vector.extract_strided_slice %exp3A {offsets = [3], sizes = [1], strides = [1]} : vector<16xf32> to vector<1xf32>
        %squeeze3A_120 = vector.extract %slice3A_119[0] : f32 from vector<1xf32>
        %get3A_121 = arith.index_cast %scan3A_66 : i32 to index
        %get3A_122 = arith.constant 48 : index
        %get3A_123 = tpu.vector_load %arg14[%get3A_121, %get3A_122] {strides = array<i32>} : memref<64x128xf32, #tpu.memory_space<vmem>>, vector<1x16xf32>,
        %get3A_124 = vector.shape_cast %get3A_123 : vector<1x16xf32> to vector<16xf32>
        %mul3A_125 = vector.broadcast %squeeze3A_120 : f32 to vector<16xf32>
        %mul3A_126 = arith.mulf %get3A_124, %mul3A_125 : vector<16xf32>
        %swap3A_127 = arith.index_cast %scan3A_66 : i32 to index
        %swap3A_128 = arith.constant 48 : index
        %swap3A_129 = tpu.vector_load %arg14[%swap3A_127, %swap3A_128] {strides = array<i32>} : memref<64x128xf32, #tpu.memory_space<vmem>>, vector<1x16xf32>,
        %swap3A_130 = vector.shape_cast %swap3A_129 : vector<1x16xf32> to vector<16xf32>
        %swap3A_131 = vector.shape_cast %mul3A_126 : vector<16xf32> to vector<1x16xf32>
        tpu.vector_store %arg14[%swap3A_127, %swap3A_128], %swap3A_131 {strides = array<i32>} : memref<64x128xf32, #tpu.memory_space<vmem>>, vector<1x16xf32>,
        %slice3A_132 = vector.extract_strided_slice %exp3A {offsets = [4], sizes = [1], strides = [1]} : vector<16xf32> to vector<1xf32>
        %squeeze3A_133 = vector.extract %slice3A_132[0] : f32 from vector<1xf32>
        %get3A_134 = arith.index_cast %scan3A_66 : i32 to index
        %get3A_135 = arith.constant 64 : index
        %get3A_136 = tpu.vector_load %arg14[%get3A_134, %get3A_135] {strides = array<i32>} : memref<64x128xf32, #tpu.memory_space<vmem>>, vector<1x16xf32>,
        %get3A_137 = vector.shape_cast %get3A_136 : vector<1x16xf32> to vector<16xf32>
        %mul3A_138 = vector.broadcast %squeeze3A_133 : f32 to vector<16xf32>
        %mul3A_139 = arith.mulf %get3A_137, %mul3A_138 : vector<16xf32>
        %swap3A_140 = arith.index_cast %scan3A_66 : i32 to index
        %swap3A_141 = arith.constant 64 : index
        %swap3A_142 = tpu.vector_load %arg14[%swap3A_140, %swap3A_141] {strides = array<i32>} : memref<64x128xf32, #tpu.memory_space<vmem>>, vector<1x16xf32>,
        %swap3A_143 = vector.shape_cast %swap3A_142 : vector<1x16xf32> to vector<16xf32>
        %swap3A_144 = vector.shape_cast %mul3A_139 : vector<16xf32> to vector<1x16xf32>
        tpu.vector_store %arg14[%swap3A_140, %swap3A_141], %swap3A_144 {strides = array<i32>} : memref<64x128xf32, #tpu.memory_space<vmem>>, vector<1x16xf32>,
        %slice3A_145 = vector.extract_strided_slice %exp3A {offsets = [5], sizes = [1], strides = [1]} : vector<16xf32> to vector<1xf32>
        %squeeze3A_146 = vector.extract %slice3A_145[0] : f32 from vector<1xf32>
        %get3A_147 = arith.index_cast %scan3A_66 : i32 to index
        %get3A_148 = arith.constant 80 : index
        %get3A_149 = tpu.vector_load %arg14[%get3A_147, %get3A_148] {strides = array<i32>} : memref<64x128xf32, #tpu.memory_space<vmem>>, vector<1x16xf32>,
        %get3A_150 = vector.shape_cast %get3A_149 : vector<1x16xf32> to vector<16xf32>
        %mul3A_151 = vector.broadcast %squeeze3A_146 : f32 to vector<16xf32>
        %mul3A_152 = arith.mulf %get3A_150, %mul3A_151 : vector<16xf32>
        %swap3A_153 = arith.index_cast %scan3A_66 : i32 to index
        %swap3A_154 = arith.constant 80 : index
        %swap3A_155 = tpu.vector_load %arg14[%swap3A_153, %swap3A_154] {strides = array<i32>} : memref<64x128xf32, #tpu.memory_space<vmem>>, vector<1x16xf32>,
        %swap3A_156 = vector.shape_cast %swap3A_155 : vector<1x16xf32> to vector<16xf32>
        %swap3A_157 = vector.shape_cast %mul3A_152 : vector<16xf32> to vector<1x16xf32>
        tpu.vector_store %arg14[%swap3A_153, %swap3A_154], %swap3A_157 {strides = array<i32>} : memref<64x128xf32, #tpu.memory_space<vmem>>, vector<1x16xf32>,
        %slice3A_158 = vector.extract_strided_slice %exp3A {offsets = [6], sizes = [1], strides = [1]} : vector<16xf32> to vector<1xf32>
        %squeeze3A_159 = vector.extract %slice3A_158[0] : f32 from vector<1xf32>
        %get3A_160 = arith.index_cast %scan3A_66 : i32 to index
        %get3A_161 = arith.constant 96 : index
        %get3A_162 = tpu.vector_load %arg14[%get3A_160, %get3A_161] {strides = array<i32>} : memref<64x128xf32, #tpu.memory_space<vmem>>, vector<1x16xf32>,
        %get3A_163 = vector.shape_cast %get3A_162 : vector<1x16xf32> to vector<16xf32>
        %mul3A_164 = vector.broadcast %squeeze3A_159 : f32 to vector<16xf32>
        %mul3A_165 = arith.mulf %get3A_163, %mul3A_164 : vector<16xf32>
        %swap3A_166 = arith.index_cast %scan3A_66 : i32 to index
        %swap3A_167 = arith.constant 96 : index
        %swap3A_168 = tpu.vector_load %arg14[%swap3A_166, %swap3A_167] {strides = array<i32>} : memref<64x128xf32, #tpu.memory_space<vmem>>, vector<1x16xf32>,
        %swap3A_169 = vector.shape_cast %swap3A_168 : vector<1x16xf32> to vector<16xf32>
        %swap3A_170 = vector.shape_cast %mul3A_165 : vector<16xf32> to vector<1x16xf32>
        tpu.vector_store %arg14[%swap3A_166, %swap3A_167], %swap3A_170 {strides = array<i32>} : memref<64x128xf32, #tpu.memory_space<vmem>>, vector<1x16xf32>,
        %slice3A_171 = vector.extract_strided_slice %exp3A {offsets = [7], sizes = [1], strides = [1]} : vector<16xf32> to vector<1xf32>
        %squeeze3A_172 = vector.extract %slice3A_171[0] : f32 from vector<1xf32>
        %get3A_173 = arith.index_cast %scan3A_66 : i32 to index
        %get3A_174 = arith.constant 112 : index
        %get3A_175 = tpu.vector_load %arg14[%get3A_173, %get3A_174] {strides = array<i32>} : memref<64x128xf32, #tpu.memory_space<vmem>>, vector<1x16xf32>,
        %get3A_176 = vector.shape_cast %get3A_175 : vector<1x16xf32> to vector<16xf32>
        %mul3A_177 = vector.broadcast %squeeze3A_172 : f32 to vector<16xf32>
        %mul3A_178 = arith.mulf %get3A_176, %mul3A_177 : vector<16xf32>
        %swap3A_179 = arith.index_cast %scan3A_66 : i32 to index
        %swap3A_180 = arith.constant 112 : index
        %swap3A_181 = tpu.vector_load %arg14[%swap3A_179, %swap3A_180] {strides = array<i32>} : memref<64x128xf32, #tpu.memory_space<vmem>>, vector<1x16xf32>,
        %swap3A_182 = vector.shape_cast %swap3A_181 : vector<1x16xf32> to vector<16xf32>
        %swap3A_183 = vector.shape_cast %mul3A_178 : vector<16xf32> to vector<1x16xf32>
        tpu.vector_store %arg14[%swap3A_179, %swap3A_180], %swap3A_183 {strides = array<i32>} : memref<64x128xf32, #tpu.memory_space<vmem>>, vector<1x16xf32>,
      }
      %scan3A_65 = arith.constant 64 : i32
      "tpu.region"() ({
        %run_scoped3A = tpu.sem_alloc : memref<!tpu.dma_semaphore, #tpu.memory_space<semaphore_mem>>
        %dma_start3A = arith.constant 0 : i32
        %dma_start3A_66 = arith.constant 0 : i32
        %dma_start3A_67 = tpu.memref_slice %arg16[%dma_start3A, %dma_start3A_66] : memref<10240x16xf32, #tpu.memory_space<vmem_shared>> -> memref<10240x16xf32, #tpu.memory_space<vmem_shared>>
        tpu.enqueue_indirect_dma source(%arg13 : memref<64x16xf32, #tpu.memory_space<vmem>>) target(%dma_start3A_67 : memref<10240x16xf32, #tpu.memory_space<vmem_shared>>) offsets(%arg10 : memref<64xi32, #tpu.memory_space<vmem>>) semaphore(%run_scoped3A : memref<!tpu.dma_semaphore, #tpu.memory_space<semaphore_mem>>) {add = true}
        %dma_wait3A = arith.constant 0 : i32
        %dma_wait3A_68 = arith.constant 0 : i32
        %dma_wait3A_69 = tpu.memref_slice %arg16[%dma_wait3A, %dma_wait3A_68] : memref<10240x16xf32, #tpu.memory_space<vmem_shared>> -> memref<10240x16xf32, #tpu.memory_space<vmem_shared>>
        tpu.wait_indirect_dma semaphore(%run_scoped3A : memref<!tpu.dma_semaphore, #tpu.memory_space<semaphore_mem>>) src(%arg13 : memref<64x16xf32, #tpu.memory_space<vmem>>) dst(%dma_wait3A_69 : memref<10240x16xf32, #tpu.memory_space<vmem_shared>>)
        tpu.yield
      }) : () -> ()
      "tpu.region"() ({
        %run_scoped3A = tpu.sem_alloc : memref<!tpu.dma_semaphore, #tpu.memory_space<semaphore_mem>>
        %dma_start3A = arith.constant 0 : i32
        %dma_start3A_66 = arith.constant 0 : i32
        %dma_start3A_67 = tpu.memref_slice %arg15[%dma_start3A, %dma_start3A_66] : memref<10240x128xf32, #tpu.memory_space<vmem_shared>> -> memref<10240x128xf32, #tpu.memory_space<vmem_shared>>
        tpu.enqueue_indirect_dma source(%arg14 : memref<64x128xf32, #tpu.memory_space<vmem>>) target(%dma_start3A_67 : memref<10240x128xf32, #tpu.memory_space<vmem_shared>>) offsets(%arg10 : memref<64xi32, #tpu.memory_space<vmem>>) semaphore(%run_scoped3A : memref<!tpu.dma_semaphore, #tpu.memory_space<semaphore_mem>>) {add = true}
        %dma_wait3A = arith.constant 0 : i32
        %dma_wait3A_68 = arith.constant 0 : i32
        %dma_wait3A_69 = tpu.memref_slice %arg15[%dma_wait3A, %dma_wait3A_68] : memref<10240x128xf32, #tpu.memory_space<vmem_shared>> -> memref<10240x128xf32, #tpu.memory_space<vmem_shared>>
        tpu.wait_indirect_dma semaphore(%run_scoped3A : memref<!tpu.dma_semaphore, #tpu.memory_space<semaphore_mem>>) src(%arg14 : memref<64x128xf32, #tpu.memory_space<vmem>>) dst(%dma_wait3A_69 : memref<10240x128xf32, #tpu.memory_space<vmem_shared>>)
        tpu.yield
      }) : () -> ()
    }
    %scan3A_53 = arith.constant 162 : i32
    %barrier3A_54 = arith.constant 0 : index
    tpu.barrier barrier_id(%barrier3A_54)
    %mul3A_55 = arith.constant 640 : i32
    %mul3A_56 = arith.muli %arg1, %mul3A_55 : i32
    "tpu.region"() ({
      %run_scoped3A = tpu.sem_alloc : memref<!tpu.dma_semaphore, #tpu.memory_space<semaphore_mem>>
      %dma_start3A = arith.constant 0 : i32
      %dma_start3A_57 = tpu.memref_slice %arg7[%arg0, %mul3A_56, %dma_start3A] : memref<2x10240x128xf32, #tpu.memory_space<hbm>> -> memref<1x640x128xf32, #tpu.memory_space<hbm>>
      %dma_start3A_58 = tpu.memref_squeeze %dma_start3A_57 : memref<1x640x128xf32, #tpu.memory_space<hbm>> -> memref<640x128xf32, #tpu.memory_space<hbm>>
      %dma_start3A_59 = arith.constant 0 : i32
      %dma_start3A_60 = tpu.memref_slice %arg15[%mul3A_56, %dma_start3A_59] : memref<10240x128xf32, #tpu.memory_space<vmem_shared>> -> memref<640x128xf32, #tpu.memory_space<vmem_shared>>
      tpu.enqueue_dma source(%dma_start3A_60 : memref<640x128xf32, #tpu.memory_space<vmem_shared>>) target(%dma_start3A_58 : memref<640x128xf32, #tpu.memory_space<hbm>>) target_semaphore(%run_scoped3A : memref<!tpu.dma_semaphore, #tpu.memory_space<semaphore_mem>>)
      %dma_wait3A = arith.constant 0 : i32
      %dma_wait3A_61 = tpu.memref_slice %arg7[%arg0, %mul3A_56, %dma_wait3A] : memref<2x10240x128xf32, #tpu.memory_space<hbm>> -> memref<1x640x128xf32, #tpu.memory_space<hbm>>
      %dma_wait3A_62 = tpu.memref_squeeze %dma_wait3A_61 : memref<1x640x128xf32, #tpu.memory_space<hbm>> -> memref<640x128xf32, #tpu.memory_space<hbm>>
      %dma_wait3A_63 = arith.constant 0 : i32
      %dma_wait3A_64 = tpu.memref_slice %arg15[%mul3A_56, %dma_wait3A_63] : memref<10240x128xf32, #tpu.memory_space<vmem_shared>> -> memref<640x128xf32, #tpu.memory_space<vmem_shared>>
      tpu.wait_dma2 semaphore(%run_scoped3A : memref<!tpu.dma_semaphore, #tpu.memory_space<semaphore_mem>>) src(%dma_wait3A_64 : memref<640x128xf32, #tpu.memory_space<vmem_shared>>) dst(%dma_wait3A_62 : memref<640x128xf32, #tpu.memory_space<hbm>>)
      tpu.yield
    }) : () -> ()
    "tpu.region"() ({
      %run_scoped3A = tpu.sem_alloc : memref<!tpu.dma_semaphore, #tpu.memory_space<semaphore_mem>>
      %dma_start3A = arith.constant 0 : i32
      %dma_start3A_57 = tpu.memref_slice %arg8[%arg0, %mul3A_56, %dma_start3A] : memref<2x10240x16xf32, #tpu.memory_space<hbm>> -> memref<1x640x16xf32, #tpu.memory_space<hbm>>
      %dma_start3A_58 = tpu.memref_squeeze %dma_start3A_57 : memref<1x640x16xf32, #tpu.memory_space<hbm>> -> memref<640x16xf32, #tpu.memory_space<hbm>>
      %dma_start3A_59 = arith.constant 0 : i32
      %dma_start3A_60 = tpu.memref_slice %arg16[%mul3A_56, %dma_start3A_59] : memref<10240x16xf32, #tpu.memory_space<vmem_shared>> -> memref<640x16xf32, #tpu.memory_space<vmem_shared>>
      tpu.enqueue_dma source(%dma_start3A_60 : memref<640x16xf32, #tpu.memory_space<vmem_shared>>) target(%dma_start3A_58 : memref<640x16xf32, #tpu.memory_space<hbm>>) target_semaphore(%run_scoped3A : memref<!tpu.dma_semaphore, #tpu.memory_space<semaphore_mem>>)
      %dma_wait3A = arith.constant 0 : i32
      %dma_wait3A_61 = tpu.memref_slice %arg8[%arg0, %mul3A_56, %dma_wait3A] : memref<2x10240x16xf32, #tpu.memory_space<hbm>> -> memref<1x640x16xf32, #tpu.memory_space<hbm>>
      %dma_wait3A_62 = tpu.memref_squeeze %dma_wait3A_61 : memref<1x640x16xf32, #tpu.memory_space<hbm>> -> memref<640x16xf32, #tpu.memory_space<hbm>>
      %dma_wait3A_63 = arith.constant 0 : i32
      %dma_wait3A_64 = tpu.memref_slice %arg16[%mul3A_56, %dma_wait3A_63] : memref<10240x16xf32, #tpu.memory_space<vmem_shared>> -> memref<640x16xf32, #tpu.memory_space<vmem_shared>>
      tpu.wait_dma2 semaphore(%run_scoped3A : memref<!tpu.dma_semaphore, #tpu.memory_space<semaphore_mem>>) src(%dma_wait3A_64 : memref<640x16xf32, #tpu.memory_space<vmem_shared>>) dst(%dma_wait3A_62 : memref<640x16xf32, #tpu.memory_space<hbm>>)
      tpu.yield
    }) : () -> ()
    return
  }
}

#map = affine_map<(d0, d1) -> (0, 0)>
#map1 = affine_map<(d0, d1) -> (0, 0, 0)>
module attributes {stable_mosaic.version = 14 : i64} {
  func.func @k(%arg0: i32, %arg1: i32, %arg2: memref<10000x128xf32, #tpu.memory_space<hbm>>, %arg3: memref<10240x16xf32, #tpu.memory_space<hbm>>, %arg4: memref<10240x16xf32, #tpu.memory_space<hbm>>, %arg5: memref<32x10368xi32, #tpu.memory_space<hbm>>, %arg6: memref<32x10368xi32, #tpu.memory_space<hbm>>, %arg7: memref<2x10240x128xf32, #tpu.memory_space<hbm>>, %arg8: memref<2x10240x16xf32, #tpu.memory_space<hbm>>, %arg9: memref<64xi32, #tpu.memory_space<vmem>>, %arg10: memref<64xi32, #tpu.memory_space<vmem>>, %arg11: memref<64x16xf32, #tpu.memory_space<vmem>>, %arg12: memref<64x16xf32, #tpu.memory_space<vmem>>, %arg13: memref<64x16xf32, #tpu.memory_space<vmem>>, %arg14: memref<64x128xf32, #tpu.memory_space<vmem>>, %arg15: memref<10240x128xf32, #tpu.memory_space<vmem_shared>>, %arg16: memref<10240x16xf32, #tpu.memory_space<vmem_shared>>) attributes {dimension_semantics = [#tpu.dimension_semantics<core_parallel>, #tpu.dimension_semantics<subcore_parallel>], iteration_bounds = array<i64: 2, 16>, scalar_prefetch = 0 : i64, scratch_operands = 8 : i64, tpu.core_type = #tpu.core_type<sc_vector_subcore>, window_params = [{transform_indices = #map}, {transform_indices = #map}, {transform_indices = #map}, {transform_indices = #map}, {transform_indices = #map}, {transform_indices = #map1}, {transform_indices = #map1}]} {
    %mul3A = arith.constant 2 : i32
    %mul3A_0 = arith.muli %arg1, %mul3A : i32
    %add3A = arith.addi %mul3A_0, %arg0 : i32
    %scan3A = arith.constant 0 : i32
    %scan3A_1 = arith.constant 0 : i32
    %scan3A_2 = arith.constant 64 : i32
    %scan3A_3 = arith.addi %scan3A_1, %scan3A_2 : i32
    %scan3A_4 = arith.constant 1 : i32
    scf.for %scan3A_57 = %scan3A_1 to %scan3A_3 step %scan3A_4  : i32 {
      %broadcast_in_dim3A = arith.constant 0.000000e+00 : f32
      %broadcast_in_dim3A_58 = vector.broadcast %broadcast_in_dim3A : f32 to vector<16xf32>
      %swap3A = arith.index_cast %scan3A_57 : i32 to index
      %swap3A_59 = arith.constant 0 : index
      %swap3A_60 = tpu.vector_load %arg14[%swap3A, %swap3A_59] {strides = array<i32>} : memref<64x128xf32, #tpu.memory_space<vmem>>, vector<1x16xf32>,
      %swap3A_61 = vector.shape_cast %swap3A_60 : vector<1x16xf32> to vector<16xf32>
      %swap3A_62 = vector.shape_cast %broadcast_in_dim3A_58 : vector<16xf32> to vector<1x16xf32>
      tpu.vector_store %arg14[%swap3A, %swap3A_59], %swap3A_62 {strides = array<i32>} : memref<64x128xf32, #tpu.memory_space<vmem>>, vector<1x16xf32>,
      %broadcast_in_dim3A_63 = arith.constant 0.000000e+00 : f32
      %broadcast_in_dim3A_64 = vector.broadcast %broadcast_in_dim3A_63 : f32 to vector<16xf32>
      %swap3A_65 = arith.index_cast %scan3A_57 : i32 to index
      %swap3A_66 = arith.constant 16 : index
      %swap3A_67 = tpu.vector_load %arg14[%swap3A_65, %swap3A_66] {strides = array<i32>} : memref<64x128xf32, #tpu.memory_space<vmem>>, vector<1x16xf32>,
      %swap3A_68 = vector.shape_cast %swap3A_67 : vector<1x16xf32> to vector<16xf32>
      %swap3A_69 = vector.shape_cast %broadcast_in_dim3A_64 : vector<16xf32> to vector<1x16xf32>
      tpu.vector_store %arg14[%swap3A_65, %swap3A_66], %swap3A_69 {strides = array<i32>} : memref<64x128xf32, #tpu.memory_space<vmem>>, vector<1x16xf32>,
      %broadcast_in_dim3A_70 = arith.constant 0.000000e+00 : f32
      %broadcast_in_dim3A_71 = vector.broadcast %broadcast_in_dim3A_70 : f32 to vector<16xf32>
      %swap3A_72 = arith.index_cast %scan3A_57 : i32 to index
      %swap3A_73 = arith.constant 32 : index
      %swap3A_74 = tpu.vector_load %arg14[%swap3A_72, %swap3A_73] {strides = array<i32>} : memref<64x128xf32, #tpu.memory_space<vmem>>, vector<1x16xf32>,
      %swap3A_75 = vector.shape_cast %swap3A_74 : vector<1x16xf32> to vector<16xf32>
      %swap3A_76 = vector.shape_cast %broadcast_in_dim3A_71 : vector<16xf32> to vector<1x16xf32>
      tpu.vector_store %arg14[%swap3A_72, %swap3A_73], %swap3A_76 {strides = array<i32>} : memref<64x128xf32, #tpu.memory_space<vmem>>, vector<1x16xf32>,
      %broadcast_in_dim3A_77 = arith.constant 0.000000e+00 : f32
      %broadcast_in_dim3A_78 = vector.broadcast %broadcast_in_dim3A_77 : f32 to vector<16xf32>
      %swap3A_79 = arith.index_cast %scan3A_57 : i32 to index
      %swap3A_80 = arith.constant 48 : index
      %swap3A_81 = tpu.vector_load %arg14[%swap3A_79, %swap3A_80] {strides = array<i32>} : memref<64x128xf32, #tpu.memory_space<vmem>>, vector<1x16xf32>,
      %swap3A_82 = vector.shape_cast %swap3A_81 : vector<1x16xf32> to vector<16xf32>
      %swap3A_83 = vector.shape_cast %broadcast_in_dim3A_78 : vector<16xf32> to vector<1x16xf32>
      tpu.vector_store %arg14[%swap3A_79, %swap3A_80], %swap3A_83 {strides = array<i32>} : memref<64x128xf32, #tpu.memory_space<vmem>>, vector<1x16xf32>,
      %broadcast_in_dim3A_84 = arith.constant 0.000000e+00 : f32
      %broadcast_in_dim3A_85 = vector.broadcast %broadcast_in_dim3A_84 : f32 to vector<16xf32>
      %swap3A_86 = arith.index_cast %scan3A_57 : i32 to index
      %swap3A_87 = arith.constant 64 : index
      %swap3A_88 = tpu.vector_load %arg14[%swap3A_86, %swap3A_87] {strides = array<i32>} : memref<64x128xf32, #tpu.memory_space<vmem>>, vector<1x16xf32>,
      %swap3A_89 = vector.shape_cast %swap3A_88 : vector<1x16xf32> to vector<16xf32>
      %swap3A_90 = vector.shape_cast %broadcast_in_dim3A_85 : vector<16xf32> to vector<1x16xf32>
      tpu.vector_store %arg14[%swap3A_86, %swap3A_87], %swap3A_90 {strides = array<i32>} : memref<64x128xf32, #tpu.memory_space<vmem>>, vector<1x16xf32>,
      %broadcast_in_dim3A_91 = arith.constant 0.000000e+00 : f32
      %broadcast_in_dim3A_92 = vector.broadcast %broadcast_in_dim3A_91 : f32 to vector<16xf32>
      %swap3A_93 = arith.index_cast %scan3A_57 : i32 to index
      %swap3A_94 = arith.constant 80 : index
      %swap3A_95 = tpu.vector_load %arg14[%swap3A_93, %swap3A_94] {strides = array<i32>} : memref<64x128xf32, #tpu.memory_space<vmem>>, vector<1x16xf32>,
      %swap3A_96 = vector.shape_cast %swap3A_95 : vector<1x16xf32> to vector<16xf32>
      %swap3A_97 = vector.shape_cast %broadcast_in_dim3A_92 : vector<16xf32> to vector<1x16xf32>
      tpu.vector_store %arg14[%swap3A_93, %swap3A_94], %swap3A_97 {strides = array<i32>} : memref<64x128xf32, #tpu.memory_space<vmem>>, vector<1x16xf32>,
      %broadcast_in_dim3A_98 = arith.constant 0.000000e+00 : f32
      %broadcast_in_dim3A_99 = vector.broadcast %broadcast_in_dim3A_98 : f32 to vector<16xf32>
      %swap3A_100 = arith.index_cast %scan3A_57 : i32 to index
      %swap3A_101 = arith.constant 96 : index
      %swap3A_102 = tpu.vector_load %arg14[%swap3A_100, %swap3A_101] {strides = array<i32>} : memref<64x128xf32, #tpu.memory_space<vmem>>, vector<1x16xf32>,
      %swap3A_103 = vector.shape_cast %swap3A_102 : vector<1x16xf32> to vector<16xf32>
      %swap3A_104 = vector.shape_cast %broadcast_in_dim3A_99 : vector<16xf32> to vector<1x16xf32>
      tpu.vector_store %arg14[%swap3A_100, %swap3A_101], %swap3A_104 {strides = array<i32>} : memref<64x128xf32, #tpu.memory_space<vmem>>, vector<1x16xf32>,
      %broadcast_in_dim3A_105 = arith.constant 0.000000e+00 : f32
      %broadcast_in_dim3A_106 = vector.broadcast %broadcast_in_dim3A_105 : f32 to vector<16xf32>
      %swap3A_107 = arith.index_cast %scan3A_57 : i32 to index
      %swap3A_108 = arith.constant 112 : index
      %swap3A_109 = tpu.vector_load %arg14[%swap3A_107, %swap3A_108] {strides = array<i32>} : memref<64x128xf32, #tpu.memory_space<vmem>>, vector<1x16xf32>,
      %swap3A_110 = vector.shape_cast %swap3A_109 : vector<1x16xf32> to vector<16xf32>
      %swap3A_111 = vector.shape_cast %broadcast_in_dim3A_106 : vector<16xf32> to vector<1x16xf32>
      tpu.vector_store %arg14[%swap3A_107, %swap3A_108], %swap3A_111 {strides = array<i32>} : memref<64x128xf32, #tpu.memory_space<vmem>>, vector<1x16xf32>,
      %broadcast_in_dim3A_112 = arith.constant 0.000000e+00 : f32
      %broadcast_in_dim3A_113 = vector.broadcast %broadcast_in_dim3A_112 : f32 to vector<16xf32>
      %swap3A_114 = arith.index_cast %scan3A_57 : i32 to index
      %swap3A_115 = arith.constant 0 : index
      %swap3A_116 = tpu.vector_load %arg13[%swap3A_114, %swap3A_115] {strides = array<i32>} : memref<64x16xf32, #tpu.memory_space<vmem>>, vector<1x16xf32>,
      %swap3A_117 = vector.shape_cast %swap3A_116 : vector<1x16xf32> to vector<16xf32>
      %swap3A_118 = vector.shape_cast %broadcast_in_dim3A_113 : vector<16xf32> to vector<1x16xf32>
      tpu.vector_store %arg13[%swap3A_114, %swap3A_115], %swap3A_118 {strides = array<i32>} : memref<64x16xf32, #tpu.memory_space<vmem>>, vector<1x16xf32>,
    }
    %scan3A_5 = arith.constant 64 : i32
    %mul3A_6 = arith.constant 640 : i32
    %mul3A_7 = arith.muli %arg1, %mul3A_6 : i32
    %add3A_8 = arith.constant 0 : i32
    %add3A_9 = arith.addi %mul3A_7, %add3A_8 : i32
    "tpu.region"() ({
      %run_scoped3A = tpu.sem_alloc : memref<!tpu.dma_semaphore, #tpu.memory_space<semaphore_mem>>
      %dma_start3A = arith.constant 0 : i32
      %dma_start3A_57 = tpu.memref_slice %arg15[%add3A_9, %dma_start3A] : memref<10240x128xf32, #tpu.memory_space<vmem_shared>> -> memref<64x128xf32, #tpu.memory_space<vmem_shared>>
      %dma_start3A_58 = arith.constant 0 : i32
      %dma_start3A_59 = tpu.memref_slice %arg15[%add3A_9, %dma_start3A_58] : memref<10240x128xf32, #tpu.memory_space<vmem_shared>> -> memref<64x128xf32, #tpu.memory_space<vmem_shared>>
      tpu.enqueue_dma source(%arg14 : memref<64x128xf32, #tpu.memory_space<vmem>>) target(%dma_start3A_59 : memref<64x128xf32, #tpu.memory_space<vmem_shared>>) target_semaphore(%run_scoped3A : memref<!tpu.dma_semaphore, #tpu.memory_space<semaphore_mem>>)
      %dma_wait3A = arith.constant 0 : i32
      %dma_wait3A_60 = tpu.memref_slice %arg15[%add3A_9, %dma_wait3A] : memref<10240x128xf32, #tpu.memory_space<vmem_shared>> -> memref<64x128xf32, #tpu.memory_space<vmem_shared>>
      %dma_wait3A_61 = arith.constant 0 : i32
      %dma_wait3A_62 = tpu.memref_slice %arg15[%add3A_9, %dma_wait3A_61] : memref<10240x128xf32, #tpu.memory_space<vmem_shared>> -> memref<64x128xf32, #tpu.memory_space<vmem_shared>>
      tpu.wait_dma2 semaphore(%run_scoped3A : memref<!tpu.dma_semaphore, #tpu.memory_space<semaphore_mem>>) src(%arg14 : memref<64x128xf32, #tpu.memory_space<vmem>>) dst(%dma_wait3A_62 : memref<64x128xf32, #tpu.memory_space<vmem_shared>>)
      tpu.yield
    }) : () -> ()
    %add3A_10 = arith.constant 0 : i32
    %add3A_11 = arith.addi %mul3A_7, %add3A_10 : i32
    "tpu.region"() ({
      %run_scoped3A = tpu.sem_alloc : memref<!tpu.dma_semaphore, #tpu.memory_space<semaphore_mem>>
      %dma_start3A = arith.constant 0 : i32
      %dma_start3A_57 = tpu.memref_slice %arg16[%add3A_11, %dma_start3A] : memref<10240x16xf32, #tpu.memory_space<vmem_shared>> -> memref<64x16xf32, #tpu.memory_space<vmem_shared>>
      %dma_start3A_58 = arith.constant 0 : i32
      %dma_start3A_59 = tpu.memref_slice %arg16[%add3A_11, %dma_start3A_58] : memref<10240x16xf32, #tpu.memory_space<vmem_shared>> -> memref<64x16xf32, #tpu.memory_space<vmem_shared>>
      tpu.enqueue_dma source(%arg13 : memref<64x16xf32, #tpu.memory_space<vmem>>) target(%dma_start3A_59 : memref<64x16xf32, #tpu.memory_space<vmem_shared>>) target_semaphore(%run_scoped3A : memref<!tpu.dma_semaphore, #tpu.memory_space<semaphore_mem>>)
      %dma_wait3A = arith.constant 0 : i32
      %dma_wait3A_60 = tpu.memref_slice %arg16[%add3A_11, %dma_wait3A] : memref<10240x16xf32, #tpu.memory_space<vmem_shared>> -> memref<64x16xf32, #tpu.memory_space<vmem_shared>>
      %dma_wait3A_61 = arith.constant 0 : i32
      %dma_wait3A_62 = tpu.memref_slice %arg16[%add3A_11, %dma_wait3A_61] : memref<10240x16xf32, #tpu.memory_space<vmem_shared>> -> memref<64x16xf32, #tpu.memory_space<vmem_shared>>
      tpu.wait_dma2 semaphore(%run_scoped3A : memref<!tpu.dma_semaphore, #tpu.memory_space<semaphore_mem>>) src(%arg13 : memref<64x16xf32, #tpu.memory_space<vmem>>) dst(%dma_wait3A_62 : memref<64x16xf32, #tpu.memory_space<vmem_shared>>)
      tpu.yield
    }) : () -> ()
    %add3A_12 = arith.constant 64 : i32
    %add3A_13 = arith.addi %mul3A_7, %add3A_12 : i32
    "tpu.region"() ({
      %run_scoped3A = tpu.sem_alloc : memref<!tpu.dma_semaphore, #tpu.memory_space<semaphore_mem>>
      %dma_start3A = arith.constant 0 : i32
      %dma_start3A_57 = tpu.memref_slice %arg15[%add3A_13, %dma_start3A] : memref<10240x128xf32, #tpu.memory_space<vmem_shared>> -> memref<64x128xf32, #tpu.memory_space<vmem_shared>>
      %dma_start3A_58 = arith.constant 0 : i32
      %dma_start3A_59 = tpu.memref_slice %arg15[%add3A_13, %dma_start3A_58] : memref<10240x128xf32, #tpu.memory_space<vmem_shared>> -> memref<64x128xf32, #tpu.memory_space<vmem_shared>>
      tpu.enqueue_dma source(%arg14 : memref<64x128xf32, #tpu.memory_space<vmem>>) target(%dma_start3A_59 : memref<64x128xf32, #tpu.memory_space<vmem_shared>>) target_semaphore(%run_scoped3A : memref<!tpu.dma_semaphore, #tpu.memory_space<semaphore_mem>>)
      %dma_wait3A = arith.constant 0 : i32
      %dma_wait3A_60 = tpu.memref_slice %arg15[%add3A_13, %dma_wait3A] : memref<10240x128xf32, #tpu.memory_space<vmem_shared>> -> memref<64x128xf32, #tpu.memory_space<vmem_shared>>
      %dma_wait3A_61 = arith.constant 0 : i32
      %dma_wait3A_62 = tpu.memref_slice %arg15[%add3A_13, %dma_wait3A_61] : memref<10240x128xf32, #tpu.memory_space<vmem_shared>> -> memref<64x128xf32, #tpu.memory_space<vmem_shared>>
      tpu.wait_dma2 semaphore(%run_scoped3A : memref<!tpu.dma_semaphore, #tpu.memory_space<semaphore_mem>>) src(%arg14 : memref<64x128xf32, #tpu.memory_space<vmem>>) dst(%dma_wait3A_62 : memref<64x128xf32, #tpu.memory_space<vmem_shared>>)
      tpu.yield
    }) : () -> ()
    %add3A_14 = arith.constant 64 : i32
    %add3A_15 = arith.addi %mul3A_7, %add3A_14 : i32
    "tpu.region"() ({
      %run_scoped3A = tpu.sem_alloc : memref<!tpu.dma_semaphore, #tpu.memory_space<semaphore_mem>>
      %dma_start3A = arith.constant 0 : i32
      %dma_start3A_57 = tpu.memref_slice %arg16[%add3A_15, %dma_start3A] : memref<10240x16xf32, #tpu.memory_space<vmem_shared>> -> memref<64x16xf32, #tpu.memory_space<vmem_shared>>
      %dma_start3A_58 = arith.constant 0 : i32
      %dma_start3A_59 = tpu.memref_slice %arg16[%add3A_15, %dma_start3A_58] : memref<10240x16xf32, #tpu.memory_space<vmem_shared>> -> memref<64x16xf32, #tpu.memory_space<vmem_shared>>
      tpu.enqueue_dma source(%arg13 : memref<64x16xf32, #tpu.memory_space<vmem>>) target(%dma_start3A_59 : memref<64x16xf32, #tpu.memory_space<vmem_shared>>) target_semaphore(%run_scoped3A : memref<!tpu.dma_semaphore, #tpu.memory_space<semaphore_mem>>)
      %dma_wait3A = arith.constant 0 : i32
      %dma_wait3A_60 = tpu.memref_slice %arg16[%add3A_15, %dma_wait3A] : memref<10240x16xf32, #tpu.memory_space<vmem_shared>> -> memref<64x16xf32, #tpu.memory_space<vmem_shared>>
      %dma_wait3A_61 = arith.constant 0 : i32
      %dma_wait3A_62 = tpu.memref_slice %arg16[%add3A_15, %dma_wait3A_61] : memref<10240x16xf32, #tpu.memory_space<vmem_shared>> -> memref<64x16xf32, #tpu.memory_space<vmem_shared>>
      tpu.wait_dma2 semaphore(%run_scoped3A : memref<!tpu.dma_semaphore, #tpu.memory_space<semaphore_mem>>) src(%arg13 : memref<64x16xf32, #tpu.memory_space<vmem>>) dst(%dma_wait3A_62 : memref<64x16xf32, #tpu.memory_space<vmem_shared>>)
      tpu.yield
    }) : () -> ()
    %add3A_16 = arith.constant 128 : i32
    %add3A_17 = arith.addi %mul3A_7, %add3A_16 : i32
    "tpu.region"() ({
      %run_scoped3A = tpu.sem_alloc : memref<!tpu.dma_semaphore, #tpu.memory_space<semaphore_mem>>
      %dma_start3A = arith.constant 0 : i32
      %dma_start3A_57 = tpu.memref_slice %arg15[%add3A_17, %dma_start3A] : memref<10240x128xf32, #tpu.memory_space<vmem_shared>> -> memref<64x128xf32, #tpu.memory_space<vmem_shared>>
      %dma_start3A_58 = arith.constant 0 : i32
      %dma_start3A_59 = tpu.memref_slice %arg15[%add3A_17, %dma_start3A_58] : memref<10240x128xf32, #tpu.memory_space<vmem_shared>> -> memref<64x128xf32, #tpu.memory_space<vmem_shared>>
      tpu.enqueue_dma source(%arg14 : memref<64x128xf32, #tpu.memory_space<vmem>>) target(%dma_start3A_59 : memref<64x128xf32, #tpu.memory_space<vmem_shared>>) target_semaphore(%run_scoped3A : memref<!tpu.dma_semaphore, #tpu.memory_space<semaphore_mem>>)
      %dma_wait3A = arith.constant 0 : i32
      %dma_wait3A_60 = tpu.memref_slice %arg15[%add3A_17, %dma_wait3A] : memref<10240x128xf32, #tpu.memory_space<vmem_shared>> -> memref<64x128xf32, #tpu.memory_space<vmem_shared>>
      %dma_wait3A_61 = arith.constant 0 : i32
      %dma_wait3A_62 = tpu.memref_slice %arg15[%add3A_17, %dma_wait3A_61] : memref<10240x128xf32, #tpu.memory_space<vmem_shared>> -> memref<64x128xf32, #tpu.memory_space<vmem_shared>>
      tpu.wait_dma2 semaphore(%run_scoped3A : memref<!tpu.dma_semaphore, #tpu.memory_space<semaphore_mem>>) src(%arg14 : memref<64x128xf32, #tpu.memory_space<vmem>>) dst(%dma_wait3A_62 : memref<64x128xf32, #tpu.memory_space<vmem_shared>>)
      tpu.yield
    }) : () -> ()
    %add3A_18 = arith.constant 128 : i32
    %add3A_19 = arith.addi %mul3A_7, %add3A_18 : i32
    "tpu.region"() ({
      %run_scoped3A = tpu.sem_alloc : memref<!tpu.dma_semaphore, #tpu.memory_space<semaphore_mem>>
      %dma_start3A = arith.constant 0 : i32
      %dma_start3A_57 = tpu.memref_slice %arg16[%add3A_19, %dma_start3A] : memref<10240x16xf32, #tpu.memory_space<vmem_shared>> -> memref<64x16xf32, #tpu.memory_space<vmem_shared>>
      %dma_start3A_58 = arith.constant 0 : i32
      %dma_start3A_59 = tpu.memref_slice %arg16[%add3A_19, %dma_start3A_58] : memref<10240x16xf32, #tpu.memory_space<vmem_shared>> -> memref<64x16xf32, #tpu.memory_space<vmem_shared>>
      tpu.enqueue_dma source(%arg13 : memref<64x16xf32, #tpu.memory_space<vmem>>) target(%dma_start3A_59 : memref<64x16xf32, #tpu.memory_space<vmem_shared>>) target_semaphore(%run_scoped3A : memref<!tpu.dma_semaphore, #tpu.memory_space<semaphore_mem>>)
      %dma_wait3A = arith.constant 0 : i32
      %dma_wait3A_60 = tpu.memref_slice %arg16[%add3A_19, %dma_wait3A] : memref<10240x16xf32, #tpu.memory_space<vmem_shared>> -> memref<64x16xf32, #tpu.memory_space<vmem_shared>>
      %dma_wait3A_61 = arith.constant 0 : i32
      %dma_wait3A_62 = tpu.memref_slice %arg16[%add3A_19, %dma_wait3A_61] : memref<10240x16xf32, #tpu.memory_space<vmem_shared>> -> memref<64x16xf32, #tpu.memory_space<vmem_shared>>
      tpu.wait_dma2 semaphore(%run_scoped3A : memref<!tpu.dma_semaphore, #tpu.memory_space<semaphore_mem>>) src(%arg13 : memref<64x16xf32, #tpu.memory_space<vmem>>) dst(%dma_wait3A_62 : memref<64x16xf32, #tpu.memory_space<vmem_shared>>)
      tpu.yield
    }) : () -> ()
    %add3A_20 = arith.constant 192 : i32
    %add3A_21 = arith.addi %mul3A_7, %add3A_20 : i32
    "tpu.region"() ({
      %run_scoped3A = tpu.sem_alloc : memref<!tpu.dma_semaphore, #tpu.memory_space<semaphore_mem>>
      %dma_start3A = arith.constant 0 : i32
      %dma_start3A_57 = tpu.memref_slice %arg15[%add3A_21, %dma_start3A] : memref<10240x128xf32, #tpu.memory_space<vmem_shared>> -> memref<64x128xf32, #tpu.memory_space<vmem_shared>>
      %dma_start3A_58 = arith.constant 0 : i32
      %dma_start3A_59 = tpu.memref_slice %arg15[%add3A_21, %dma_start3A_58] : memref<10240x128xf32, #tpu.memory_space<vmem_shared>> -> memref<64x128xf32, #tpu.memory_space<vmem_shared>>
      tpu.enqueue_dma source(%arg14 : memref<64x128xf32, #tpu.memory_space<vmem>>) target(%dma_start3A_59 : memref<64x128xf32, #tpu.memory_space<vmem_shared>>) target_semaphore(%run_scoped3A : memref<!tpu.dma_semaphore, #tpu.memory_space<semaphore_mem>>)
      %dma_wait3A = arith.constant 0 : i32
      %dma_wait3A_60 = tpu.memref_slice %arg15[%add3A_21, %dma_wait3A] : memref<10240x128xf32, #tpu.memory_space<vmem_shared>> -> memref<64x128xf32, #tpu.memory_space<vmem_shared>>
      %dma_wait3A_61 = arith.constant 0 : i32
      %dma_wait3A_62 = tpu.memref_slice %arg15[%add3A_21, %dma_wait3A_61] : memref<10240x128xf32, #tpu.memory_space<vmem_shared>> -> memref<64x128xf32, #tpu.memory_space<vmem_shared>>
      tpu.wait_dma2 semaphore(%run_scoped3A : memref<!tpu.dma_semaphore, #tpu.memory_space<semaphore_mem>>) src(%arg14 : memref<64x128xf32, #tpu.memory_space<vmem>>) dst(%dma_wait3A_62 : memref<64x128xf32, #tpu.memory_space<vmem_shared>>)
      tpu.yield
    }) : () -> ()
    %add3A_22 = arith.constant 192 : i32
    %add3A_23 = arith.addi %mul3A_7, %add3A_22 : i32
    "tpu.region"() ({
      %run_scoped3A = tpu.sem_alloc : memref<!tpu.dma_semaphore, #tpu.memory_space<semaphore_mem>>
      %dma_start3A = arith.constant 0 : i32
      %dma_start3A_57 = tpu.memref_slice %arg16[%add3A_23, %dma_start3A] : memref<10240x16xf32, #tpu.memory_space<vmem_shared>> -> memref<64x16xf32, #tpu.memory_space<vmem_shared>>
      %dma_start3A_58 = arith.constant 0 : i32
      %dma_start3A_59 = tpu.memref_slice %arg16[%add3A_23, %dma_start3A_58] : memref<10240x16xf32, #tpu.memory_space<vmem_shared>> -> memref<64x16xf32, #tpu.memory_space<vmem_shared>>
      tpu.enqueue_dma source(%arg13 : memref<64x16xf32, #tpu.memory_space<vmem>>) target(%dma_start3A_59 : memref<64x16xf32, #tpu.memory_space<vmem_shared>>) target_semaphore(%run_scoped3A : memref<!tpu.dma_semaphore, #tpu.memory_space<semaphore_mem>>)
      %dma_wait3A = arith.constant 0 : i32
      %dma_wait3A_60 = tpu.memref_slice %arg16[%add3A_23, %dma_wait3A] : memref<10240x16xf32, #tpu.memory_space<vmem_shared>> -> memref<64x16xf32, #tpu.memory_space<vmem_shared>>
      %dma_wait3A_61 = arith.constant 0 : i32
      %dma_wait3A_62 = tpu.memref_slice %arg16[%add3A_23, %dma_wait3A_61] : memref<10240x16xf32, #tpu.memory_space<vmem_shared>> -> memref<64x16xf32, #tpu.memory_space<vmem_shared>>
      tpu.wait_dma2 semaphore(%run_scoped3A : memref<!tpu.dma_semaphore, #tpu.memory_space<semaphore_mem>>) src(%arg13 : memref<64x16xf32, #tpu.memory_space<vmem>>) dst(%dma_wait3A_62 : memref<64x16xf32, #tpu.memory_space<vmem_shared>>)
      tpu.yield
    }) : () -> ()
    %add3A_24 = arith.constant 256 : i32
    %add3A_25 = arith.addi %mul3A_7, %add3A_24 : i32
    "tpu.region"() ({
      %run_scoped3A = tpu.sem_alloc : memref<!tpu.dma_semaphore, #tpu.memory_space<semaphore_mem>>
      %dma_start3A = arith.constant 0 : i32
      %dma_start3A_57 = tpu.memref_slice %arg15[%add3A_25, %dma_start3A] : memref<10240x128xf32, #tpu.memory_space<vmem_shared>> -> memref<64x128xf32, #tpu.memory_space<vmem_shared>>
      %dma_start3A_58 = arith.constant 0 : i32
      %dma_start3A_59 = tpu.memref_slice %arg15[%add3A_25, %dma_start3A_58] : memref<10240x128xf32, #tpu.memory_space<vmem_shared>> -> memref<64x128xf32, #tpu.memory_space<vmem_shared>>
      tpu.enqueue_dma source(%arg14 : memref<64x128xf32, #tpu.memory_space<vmem>>) target(%dma_start3A_59 : memref<64x128xf32, #tpu.memory_space<vmem_shared>>) target_semaphore(%run_scoped3A : memref<!tpu.dma_semaphore, #tpu.memory_space<semaphore_mem>>)
      %dma_wait3A = arith.constant 0 : i32
      %dma_wait3A_60 = tpu.memref_slice %arg15[%add3A_25, %dma_wait3A] : memref<10240x128xf32, #tpu.memory_space<vmem_shared>> -> memref<64x128xf32, #tpu.memory_space<vmem_shared>>
      %dma_wait3A_61 = arith.constant 0 : i32
      %dma_wait3A_62 = tpu.memref_slice %arg15[%add3A_25, %dma_wait3A_61] : memref<10240x128xf32, #tpu.memory_space<vmem_shared>> -> memref<64x128xf32, #tpu.memory_space<vmem_shared>>
      tpu.wait_dma2 semaphore(%run_scoped3A : memref<!tpu.dma_semaphore, #tpu.memory_space<semaphore_mem>>) src(%arg14 : memref<64x128xf32, #tpu.memory_space<vmem>>) dst(%dma_wait3A_62 : memref<64x128xf32, #tpu.memory_space<vmem_shared>>)
      tpu.yield
    }) : () -> ()
    %add3A_26 = arith.constant 256 : i32
    %add3A_27 = arith.addi %mul3A_7, %add3A_26 : i32
    "tpu.region"() ({
      %run_scoped3A = tpu.sem_alloc : memref<!tpu.dma_semaphore, #tpu.memory_space<semaphore_mem>>
      %dma_start3A = arith.constant 0 : i32
      %dma_start3A_57 = tpu.memref_slice %arg16[%add3A_27, %dma_start3A] : memref<10240x16xf32, #tpu.memory_space<vmem_shared>> -> memref<64x16xf32, #tpu.memory_space<vmem_shared>>
      %dma_start3A_58 = arith.constant 0 : i32
      %dma_start3A_59 = tpu.memref_slice %arg16[%add3A_27, %dma_start3A_58] : memref<10240x16xf32, #tpu.memory_space<vmem_shared>> -> memref<64x16xf32, #tpu.memory_space<vmem_shared>>
      tpu.enqueue_dma source(%arg13 : memref<64x16xf32, #tpu.memory_space<vmem>>) target(%dma_start3A_59 : memref<64x16xf32, #tpu.memory_space<vmem_shared>>) target_semaphore(%run_scoped3A : memref<!tpu.dma_semaphore, #tpu.memory_space<semaphore_mem>>)
      %dma_wait3A = arith.constant 0 : i32
      %dma_wait3A_60 = tpu.memref_slice %arg16[%add3A_27, %dma_wait3A] : memref<10240x16xf32, #tpu.memory_space<vmem_shared>> -> memref<64x16xf32, #tpu.memory_space<vmem_shared>>
      %dma_wait3A_61 = arith.constant 0 : i32
      %dma_wait3A_62 = tpu.memref_slice %arg16[%add3A_27, %dma_wait3A_61] : memref<10240x16xf32, #tpu.memory_space<vmem_shared>> -> memref<64x16xf32, #tpu.memory_space<vmem_shared>>
      tpu.wait_dma2 semaphore(%run_scoped3A : memref<!tpu.dma_semaphore, #tpu.memory_space<semaphore_mem>>) src(%arg13 : memref<64x16xf32, #tpu.memory_space<vmem>>) dst(%dma_wait3A_62 : memref<64x16xf32, #tpu.memory_space<vmem_shared>>)
      tpu.yield
    }) : () -> ()
    %add3A_28 = arith.constant 320 : i32
    %add3A_29 = arith.addi %mul3A_7, %add3A_28 : i32
    "tpu.region"() ({
      %run_scoped3A = tpu.sem_alloc : memref<!tpu.dma_semaphore, #tpu.memory_space<semaphore_mem>>
      %dma_start3A = arith.constant 0 : i32
      %dma_start3A_57 = tpu.memref_slice %arg15[%add3A_29, %dma_start3A] : memref<10240x128xf32, #tpu.memory_space<vmem_shared>> -> memref<64x128xf32, #tpu.memory_space<vmem_shared>>
      %dma_start3A_58 = arith.constant 0 : i32
      %dma_start3A_59 = tpu.memref_slice %arg15[%add3A_29, %dma_start3A_58] : memref<10240x128xf32, #tpu.memory_space<vmem_shared>> -> memref<64x128xf32, #tpu.memory_space<vmem_shared>>
      tpu.enqueue_dma source(%arg14 : memref<64x128xf32, #tpu.memory_space<vmem>>) target(%dma_start3A_59 : memref<64x128xf32, #tpu.memory_space<vmem_shared>>) target_semaphore(%run_scoped3A : memref<!tpu.dma_semaphore, #tpu.memory_space<semaphore_mem>>)
      %dma_wait3A = arith.constant 0 : i32
      %dma_wait3A_60 = tpu.memref_slice %arg15[%add3A_29, %dma_wait3A] : memref<10240x128xf32, #tpu.memory_space<vmem_shared>> -> memref<64x128xf32, #tpu.memory_space<vmem_shared>>
      %dma_wait3A_61 = arith.constant 0 : i32
      %dma_wait3A_62 = tpu.memref_slice %arg15[%add3A_29, %dma_wait3A_61] : memref<10240x128xf32, #tpu.memory_space<vmem_shared>> -> memref<64x128xf32, #tpu.memory_space<vmem_shared>>
      tpu.wait_dma2 semaphore(%run_scoped3A : memref<!tpu.dma_semaphore, #tpu.memory_space<semaphore_mem>>) src(%arg14 : memref<64x128xf32, #tpu.memory_space<vmem>>) dst(%dma_wait3A_62 : memref<64x128xf32, #tpu.memory_space<vmem_shared>>)
      tpu.yield
    }) : () -> ()
    %add3A_30 = arith.constant 320 : i32
    %add3A_31 = arith.addi %mul3A_7, %add3A_30 : i32
    "tpu.region"() ({
      %run_scoped3A = tpu.sem_alloc : memref<!tpu.dma_semaphore, #tpu.memory_space<semaphore_mem>>
      %dma_start3A = arith.constant 0 : i32
      %dma_start3A_57 = tpu.memref_slice %arg16[%add3A_31, %dma_start3A] : memref<10240x16xf32, #tpu.memory_space<vmem_shared>> -> memref<64x16xf32, #tpu.memory_space<vmem_shared>>
      %dma_start3A_58 = arith.constant 0 : i32
      %dma_start3A_59 = tpu.memref_slice %arg16[%add3A_31, %dma_start3A_58] : memref<10240x16xf32, #tpu.memory_space<vmem_shared>> -> memref<64x16xf32, #tpu.memory_space<vmem_shared>>
      tpu.enqueue_dma source(%arg13 : memref<64x16xf32, #tpu.memory_space<vmem>>) target(%dma_start3A_59 : memref<64x16xf32, #tpu.memory_space<vmem_shared>>) target_semaphore(%run_scoped3A : memref<!tpu.dma_semaphore, #tpu.memory_space<semaphore_mem>>)
      %dma_wait3A = arith.constant 0 : i32
      %dma_wait3A_60 = tpu.memref_slice %arg16[%add3A_31, %dma_wait3A] : memref<10240x16xf32, #tpu.memory_space<vmem_shared>> -> memref<64x16xf32, #tpu.memory_space<vmem_shared>>
      %dma_wait3A_61 = arith.constant 0 : i32
      %dma_wait3A_62 = tpu.memref_slice %arg16[%add3A_31, %dma_wait3A_61] : memref<10240x16xf32, #tpu.memory_space<vmem_shared>> -> memref<64x16xf32, #tpu.memory_space<vmem_shared>>
      tpu.wait_dma2 semaphore(%run_scoped3A : memref<!tpu.dma_semaphore, #tpu.memory_space<semaphore_mem>>) src(%arg13 : memref<64x16xf32, #tpu.memory_space<vmem>>) dst(%dma_wait3A_62 : memref<64x16xf32, #tpu.memory_space<vmem_shared>>)
      tpu.yield
    }) : () -> ()
    %add3A_32 = arith.constant 384 : i32
    %add3A_33 = arith.addi %mul3A_7, %add3A_32 : i32
    "tpu.region"() ({
      %run_scoped3A = tpu.sem_alloc : memref<!tpu.dma_semaphore, #tpu.memory_space<semaphore_mem>>
      %dma_start3A = arith.constant 0 : i32
      %dma_start3A_57 = tpu.memref_slice %arg15[%add3A_33, %dma_start3A] : memref<10240x128xf32, #tpu.memory_space<vmem_shared>> -> memref<64x128xf32, #tpu.memory_space<vmem_shared>>
      %dma_start3A_58 = arith.constant 0 : i32
      %dma_start3A_59 = tpu.memref_slice %arg15[%add3A_33, %dma_start3A_58] : memref<10240x128xf32, #tpu.memory_space<vmem_shared>> -> memref<64x128xf32, #tpu.memory_space<vmem_shared>>
      tpu.enqueue_dma source(%arg14 : memref<64x128xf32, #tpu.memory_space<vmem>>) target(%dma_start3A_59 : memref<64x128xf32, #tpu.memory_space<vmem_shared>>) target_semaphore(%run_scoped3A : memref<!tpu.dma_semaphore, #tpu.memory_space<semaphore_mem>>)
      %dma_wait3A = arith.constant 0 : i32
      %dma_wait3A_60 = tpu.memref_slice %arg15[%add3A_33, %dma_wait3A] : memref<10240x128xf32, #tpu.memory_space<vmem_shared>> -> memref<64x128xf32, #tpu.memory_space<vmem_shared>>
      %dma_wait3A_61 = arith.constant 0 : i32
      %dma_wait3A_62 = tpu.memref_slice %arg15[%add3A_33, %dma_wait3A_61] : memref<10240x128xf32, #tpu.memory_space<vmem_shared>> -> memref<64x128xf32, #tpu.memory_space<vmem_shared>>
      tpu.wait_dma2 semaphore(%run_scoped3A : memref<!tpu.dma_semaphore, #tpu.memory_space<semaphore_mem>>) src(%arg14 : memref<64x128xf32, #tpu.memory_space<vmem>>) dst(%dma_wait3A_62 : memref<64x128xf32, #tpu.memory_space<vmem_shared>>)
      tpu.yield
    }) : () -> ()
    %add3A_34 = arith.constant 384 : i32
    %add3A_35 = arith.addi %mul3A_7, %add3A_34 : i32
    "tpu.region"() ({
      %run_scoped3A = tpu.sem_alloc : memref<!tpu.dma_semaphore, #tpu.memory_space<semaphore_mem>>
      %dma_start3A = arith.constant 0 : i32
      %dma_start3A_57 = tpu.memref_slice %arg16[%add3A_35, %dma_start3A] : memref<10240x16xf32, #tpu.memory_space<vmem_shared>> -> memref<64x16xf32, #tpu.memory_space<vmem_shared>>
      %dma_start3A_58 = arith.constant 0 : i32
      %dma_start3A_59 = tpu.memref_slice %arg16[%add3A_35, %dma_start3A_58] : memref<10240x16xf32, #tpu.memory_space<vmem_shared>> -> memref<64x16xf32, #tpu.memory_space<vmem_shared>>
      tpu.enqueue_dma source(%arg13 : memref<64x16xf32, #tpu.memory_space<vmem>>) target(%dma_start3A_59 : memref<64x16xf32, #tpu.memory_space<vmem_shared>>) target_semaphore(%run_scoped3A : memref<!tpu.dma_semaphore, #tpu.memory_space<semaphore_mem>>)
      %dma_wait3A = arith.constant 0 : i32
      %dma_wait3A_60 = tpu.memref_slice %arg16[%add3A_35, %dma_wait3A] : memref<10240x16xf32, #tpu.memory_space<vmem_shared>> -> memref<64x16xf32, #tpu.memory_space<vmem_shared>>
      %dma_wait3A_61 = arith.constant 0 : i32
      %dma_wait3A_62 = tpu.memref_slice %arg16[%add3A_35, %dma_wait3A_61] : memref<10240x16xf32, #tpu.memory_space<vmem_shared>> -> memref<64x16xf32, #tpu.memory_space<vmem_shared>>
      tpu.wait_dma2 semaphore(%run_scoped3A : memref<!tpu.dma_semaphore, #tpu.memory_space<semaphore_mem>>) src(%arg13 : memref<64x16xf32, #tpu.memory_space<vmem>>) dst(%dma_wait3A_62 : memref<64x16xf32, #tpu.memory_space<vmem_shared>>)
      tpu.yield
    }) : () -> ()
    %add3A_36 = arith.constant 448 : i32
    %add3A_37 = arith.addi %mul3A_7, %add3A_36 : i32
    "tpu.region"() ({
      %run_scoped3A = tpu.sem_alloc : memref<!tpu.dma_semaphore, #tpu.memory_space<semaphore_mem>>
      %dma_start3A = arith.constant 0 : i32
      %dma_start3A_57 = tpu.memref_slice %arg15[%add3A_37, %dma_start3A] : memref<10240x128xf32, #tpu.memory_space<vmem_shared>> -> memref<64x128xf32, #tpu.memory_space<vmem_shared>>
      %dma_start3A_58 = arith.constant 0 : i32
      %dma_start3A_59 = tpu.memref_slice %arg15[%add3A_37, %dma_start3A_58] : memref<10240x128xf32, #tpu.memory_space<vmem_shared>> -> memref<64x128xf32, #tpu.memory_space<vmem_shared>>
      tpu.enqueue_dma source(%arg14 : memref<64x128xf32, #tpu.memory_space<vmem>>) target(%dma_start3A_59 : memref<64x128xf32, #tpu.memory_space<vmem_shared>>) target_semaphore(%run_scoped3A : memref<!tpu.dma_semaphore, #tpu.memory_space<semaphore_mem>>)
      %dma_wait3A = arith.constant 0 : i32
      %dma_wait3A_60 = tpu.memref_slice %arg15[%add3A_37, %dma_wait3A] : memref<10240x128xf32, #tpu.memory_space<vmem_shared>> -> memref<64x128xf32, #tpu.memory_space<vmem_shared>>
      %dma_wait3A_61 = arith.constant 0 : i32
      %dma_wait3A_62 = tpu.memref_slice %arg15[%add3A_37, %dma_wait3A_61] : memref<10240x128xf32, #tpu.memory_space<vmem_shared>> -> memref<64x128xf32, #tpu.memory_space<vmem_shared>>
      tpu.wait_dma2 semaphore(%run_scoped3A : memref<!tpu.dma_semaphore, #tpu.memory_space<semaphore_mem>>) src(%arg14 : memref<64x128xf32, #tpu.memory_space<vmem>>) dst(%dma_wait3A_62 : memref<64x128xf32, #tpu.memory_space<vmem_shared>>)
      tpu.yield
    }) : () -> ()
    %add3A_38 = arith.constant 448 : i32
    %add3A_39 = arith.addi %mul3A_7, %add3A_38 : i32
    "tpu.region"() ({
      %run_scoped3A = tpu.sem_alloc : memref<!tpu.dma_semaphore, #tpu.memory_space<semaphore_mem>>
      %dma_start3A = arith.constant 0 : i32
      %dma_start3A_57 = tpu.memref_slice %arg16[%add3A_39, %dma_start3A] : memref<10240x16xf32, #tpu.memory_space<vmem_shared>> -> memref<64x16xf32, #tpu.memory_space<vmem_shared>>
      %dma_start3A_58 = arith.constant 0 : i32
      %dma_start3A_59 = tpu.memref_slice %arg16[%add3A_39, %dma_start3A_58] : memref<10240x16xf32, #tpu.memory_space<vmem_shared>> -> memref<64x16xf32, #tpu.memory_space<vmem_shared>>
      tpu.enqueue_dma source(%arg13 : memref<64x16xf32, #tpu.memory_space<vmem>>) target(%dma_start3A_59 : memref<64x16xf32, #tpu.memory_space<vmem_shared>>) target_semaphore(%run_scoped3A : memref<!tpu.dma_semaphore, #tpu.memory_space<semaphore_mem>>)
      %dma_wait3A = arith.constant 0 : i32
      %dma_wait3A_60 = tpu.memref_slice %arg16[%add3A_39, %dma_wait3A] : memref<10240x16xf32, #tpu.memory_space<vmem_shared>> -> memref<64x16xf32, #tpu.memory_space<vmem_shared>>
      %dma_wait3A_61 = arith.constant 0 : i32
      %dma_wait3A_62 = tpu.memref_slice %arg16[%add3A_39, %dma_wait3A_61] : memref<10240x16xf32, #tpu.memory_space<vmem_shared>> -> memref<64x16xf32, #tpu.memory_space<vmem_shared>>
      tpu.wait_dma2 semaphore(%run_scoped3A : memref<!tpu.dma_semaphore, #tpu.memory_space<semaphore_mem>>) src(%arg13 : memref<64x16xf32, #tpu.memory_space<vmem>>) dst(%dma_wait3A_62 : memref<64x16xf32, #tpu.memory_space<vmem_shared>>)
      tpu.yield
    }) : () -> ()
    %add3A_40 = arith.constant 512 : i32
    %add3A_41 = arith.addi %mul3A_7, %add3A_40 : i32
    "tpu.region"() ({
      %run_scoped3A = tpu.sem_alloc : memref<!tpu.dma_semaphore, #tpu.memory_space<semaphore_mem>>
      %dma_start3A = arith.constant 0 : i32
      %dma_start3A_57 = tpu.memref_slice %arg15[%add3A_41, %dma_start3A] : memref<10240x128xf32, #tpu.memory_space<vmem_shared>> -> memref<64x128xf32, #tpu.memory_space<vmem_shared>>
      %dma_start3A_58 = arith.constant 0 : i32
      %dma_start3A_59 = tpu.memref_slice %arg15[%add3A_41, %dma_start3A_58] : memref<10240x128xf32, #tpu.memory_space<vmem_shared>> -> memref<64x128xf32, #tpu.memory_space<vmem_shared>>
      tpu.enqueue_dma source(%arg14 : memref<64x128xf32, #tpu.memory_space<vmem>>) target(%dma_start3A_59 : memref<64x128xf32, #tpu.memory_space<vmem_shared>>) target_semaphore(%run_scoped3A : memref<!tpu.dma_semaphore, #tpu.memory_space<semaphore_mem>>)
      %dma_wait3A = arith.constant 0 : i32
      %dma_wait3A_60 = tpu.memref_slice %arg15[%add3A_41, %dma_wait3A] : memref<10240x128xf32, #tpu.memory_space<vmem_shared>> -> memref<64x128xf32, #tpu.memory_space<vmem_shared>>
      %dma_wait3A_61 = arith.constant 0 : i32
      %dma_wait3A_62 = tpu.memref_slice %arg15[%add3A_41, %dma_wait3A_61] : memref<10240x128xf32, #tpu.memory_space<vmem_shared>> -> memref<64x128xf32, #tpu.memory_space<vmem_shared>>
      tpu.wait_dma2 semaphore(%run_scoped3A : memref<!tpu.dma_semaphore, #tpu.memory_space<semaphore_mem>>) src(%arg14 : memref<64x128xf32, #tpu.memory_space<vmem>>) dst(%dma_wait3A_62 : memref<64x128xf32, #tpu.memory_space<vmem_shared>>)
      tpu.yield
    }) : () -> ()
    %add3A_42 = arith.constant 512 : i32
    %add3A_43 = arith.addi %mul3A_7, %add3A_42 : i32
    "tpu.region"() ({
      %run_scoped3A = tpu.sem_alloc : memref<!tpu.dma_semaphore, #tpu.memory_space<semaphore_mem>>
      %dma_start3A = arith.constant 0 : i32
      %dma_start3A_57 = tpu.memref_slice %arg16[%add3A_43, %dma_start3A] : memref<10240x16xf32, #tpu.memory_space<vmem_shared>> -> memref<64x16xf32, #tpu.memory_space<vmem_shared>>
      %dma_start3A_58 = arith.constant 0 : i32
      %dma_start3A_59 = tpu.memref_slice %arg16[%add3A_43, %dma_start3A_58] : memref<10240x16xf32, #tpu.memory_space<vmem_shared>> -> memref<64x16xf32, #tpu.memory_space<vmem_shared>>
      tpu.enqueue_dma source(%arg13 : memref<64x16xf32, #tpu.memory_space<vmem>>) target(%dma_start3A_59 : memref<64x16xf32, #tpu.memory_space<vmem_shared>>) target_semaphore(%run_scoped3A : memref<!tpu.dma_semaphore, #tpu.memory_space<semaphore_mem>>)
      %dma_wait3A = arith.constant 0 : i32
      %dma_wait3A_60 = tpu.memref_slice %arg16[%add3A_43, %dma_wait3A] : memref<10240x16xf32, #tpu.memory_space<vmem_shared>> -> memref<64x16xf32, #tpu.memory_space<vmem_shared>>
      %dma_wait3A_61 = arith.constant 0 : i32
      %dma_wait3A_62 = tpu.memref_slice %arg16[%add3A_43, %dma_wait3A_61] : memref<10240x16xf32, #tpu.memory_space<vmem_shared>> -> memref<64x16xf32, #tpu.memory_space<vmem_shared>>
      tpu.wait_dma2 semaphore(%run_scoped3A : memref<!tpu.dma_semaphore, #tpu.memory_space<semaphore_mem>>) src(%arg13 : memref<64x16xf32, #tpu.memory_space<vmem>>) dst(%dma_wait3A_62 : memref<64x16xf32, #tpu.memory_space<vmem_shared>>)
      tpu.yield
    }) : () -> ()
    %add3A_44 = arith.constant 576 : i32
    %add3A_45 = arith.addi %mul3A_7, %add3A_44 : i32
    "tpu.region"() ({
      %run_scoped3A = tpu.sem_alloc : memref<!tpu.dma_semaphore, #tpu.memory_space<semaphore_mem>>
      %dma_start3A = arith.constant 0 : i32
      %dma_start3A_57 = tpu.memref_slice %arg15[%add3A_45, %dma_start3A] : memref<10240x128xf32, #tpu.memory_space<vmem_shared>> -> memref<64x128xf32, #tpu.memory_space<vmem_shared>>
      %dma_start3A_58 = arith.constant 0 : i32
      %dma_start3A_59 = tpu.memref_slice %arg15[%add3A_45, %dma_start3A_58] : memref<10240x128xf32, #tpu.memory_space<vmem_shared>> -> memref<64x128xf32, #tpu.memory_space<vmem_shared>>
      tpu.enqueue_dma source(%arg14 : memref<64x128xf32, #tpu.memory_space<vmem>>) target(%dma_start3A_59 : memref<64x128xf32, #tpu.memory_space<vmem_shared>>) target_semaphore(%run_scoped3A : memref<!tpu.dma_semaphore, #tpu.memory_space<semaphore_mem>>)
      %dma_wait3A = arith.constant 0 : i32
      %dma_wait3A_60 = tpu.memref_slice %arg15[%add3A_45, %dma_wait3A] : memref<10240x128xf32, #tpu.memory_space<vmem_shared>> -> memref<64x128xf32, #tpu.memory_space<vmem_shared>>
      %dma_wait3A_61 = arith.constant 0 : i32
      %dma_wait3A_62 = tpu.memref_slice %arg15[%add3A_45, %dma_wait3A_61] : memref<10240x128xf32, #tpu.memory_space<vmem_shared>> -> memref<64x128xf32, #tpu.memory_space<vmem_shared>>
      tpu.wait_dma2 semaphore(%run_scoped3A : memref<!tpu.dma_semaphore, #tpu.memory_space<semaphore_mem>>) src(%arg14 : memref<64x128xf32, #tpu.memory_space<vmem>>) dst(%dma_wait3A_62 : memref<64x128xf32, #tpu.memory_space<vmem_shared>>)
      tpu.yield
    }) : () -> ()
    %add3A_46 = arith.constant 576 : i32
    %add3A_47 = arith.addi %mul3A_7, %add3A_46 : i32
    "tpu.region"() ({
      %run_scoped3A = tpu.sem_alloc : memref<!tpu.dma_semaphore, #tpu.memory_space<semaphore_mem>>
      %dma_start3A = arith.constant 0 : i32
      %dma_start3A_57 = tpu.memref_slice %arg16[%add3A_47, %dma_start3A] : memref<10240x16xf32, #tpu.memory_space<vmem_shared>> -> memref<64x16xf32, #tpu.memory_space<vmem_shared>>
      %dma_start3A_58 = arith.constant 0 : i32
      %dma_start3A_59 = tpu.memref_slice %arg16[%add3A_47, %dma_start3A_58] : memref<10240x16xf32, #tpu.memory_space<vmem_shared>> -> memref<64x16xf32, #tpu.memory_space<vmem_shared>>
      tpu.enqueue_dma source(%arg13 : memref<64x16xf32, #tpu.memory_space<vmem>>) target(%dma_start3A_59 : memref<64x16xf32, #tpu.memory_space<vmem_shared>>) target_semaphore(%run_scoped3A : memref<!tpu.dma_semaphore, #tpu.memory_space<semaphore_mem>>)
      %dma_wait3A = arith.constant 0 : i32
      %dma_wait3A_60 = tpu.memref_slice %arg16[%add3A_47, %dma_wait3A] : memref<10240x16xf32, #tpu.memory_space<vmem_shared>> -> memref<64x16xf32, #tpu.memory_space<vmem_shared>>
      %dma_wait3A_61 = arith.constant 0 : i32
      %dma_wait3A_62 = tpu.memref_slice %arg16[%add3A_47, %dma_wait3A_61] : memref<10240x16xf32, #tpu.memory_space<vmem_shared>> -> memref<64x16xf32, #tpu.memory_space<vmem_shared>>
      tpu.wait_dma2 semaphore(%run_scoped3A : memref<!tpu.dma_semaphore, #tpu.memory_space<semaphore_mem>>) src(%arg13 : memref<64x16xf32, #tpu.memory_space<vmem>>) dst(%dma_wait3A_62 : memref<64x16xf32, #tpu.memory_space<vmem_shared>>)
      tpu.yield
    }) : () -> ()
    %barrier3A = arith.constant 0 : index
    tpu.barrier barrier_id(%barrier3A)
    %scan3A_48 = arith.constant 0 : i32
    %scan3A_49 = arith.constant 0 : i32
    %scan3A_50 = arith.constant 162 : i32
    %scan3A_51 = arith.addi %scan3A_49, %scan3A_50 : i32
    %scan3A_52 = arith.constant 1 : i32
    scf.for %scan3A_57 = %scan3A_49 to %scan3A_51 step %scan3A_52  : i32 {
      %mul3A_58 = arith.constant 64 : i32
      %mul3A_59 = arith.muli %scan3A_57, %mul3A_58 : i32
      %multiple_of3A = tpu.assume_multiple %mul3A_59, 64 : i32
      "tpu.region"() ({
        %run_scoped3A = tpu.sem_alloc : memref<!tpu.dma_semaphore, #tpu.memory_space<semaphore_mem>>
        %dma_start3A = tpu.memref_slice %arg5[%add3A, %multiple_of3A] : memref<32x10368xi32, #tpu.memory_space<hbm>> -> memref<1x64xi32, #tpu.memory_space<hbm>>
        %dma_start3A_66 = tpu.memref_squeeze %dma_start3A : memref<1x64xi32, #tpu.memory_space<hbm>> -> memref<64xi32, #tpu.memory_space<hbm>>
        %dma_start3A_67 = tpu.memref_slice %arg5[%add3A, %multiple_of3A] : memref<32x10368xi32, #tpu.memory_space<hbm>> -> memref<1x64xi32, #tpu.memory_space<hbm>>
        %dma_start3A_68 = tpu.memref_squeeze %dma_start3A_67 : memref<1x64xi32, #tpu.memory_space<hbm>> -> memref<64xi32, #tpu.memory_space<hbm>>
        tpu.enqueue_dma source(%dma_start3A_68 : memref<64xi32, #tpu.memory_space<hbm>>) target(%arg9 : memref<64xi32, #tpu.memory_space<vmem>>) target_semaphore(%run_scoped3A : memref<!tpu.dma_semaphore, #tpu.memory_space<semaphore_mem>>)
        %dma_wait3A = tpu.memref_slice %arg5[%add3A, %multiple_of3A] : memref<32x10368xi32, #tpu.memory_space<hbm>> -> memref<1x64xi32, #tpu.memory_space<hbm>>
        %dma_wait3A_69 = tpu.memref_squeeze %dma_wait3A : memref<1x64xi32, #tpu.memory_space<hbm>> -> memref<64xi32, #tpu.memory_space<hbm>>
        %dma_wait3A_70 = tpu.memref_slice %arg5[%add3A, %multiple_of3A] : memref<32x10368xi32, #tpu.memory_space<hbm>> -> memref<1x64xi32, #tpu.memory_space<hbm>>
        %dma_wait3A_71 = tpu.memref_squeeze %dma_wait3A_70 : memref<1x64xi32, #tpu.memory_space<hbm>> -> memref<64xi32, #tpu.memory_space<hbm>>
        tpu.wait_dma2 semaphore(%run_scoped3A : memref<!tpu.dma_semaphore, #tpu.memory_space<semaphore_mem>>) src(%dma_wait3A_71 : memref<64xi32, #tpu.memory_space<hbm>>) dst(%arg9 : memref<64xi32, #tpu.memory_space<vmem>>)
        tpu.yield
      }) : () -> ()
      "tpu.region"() ({
        %run_scoped3A = tpu.sem_alloc : memref<!tpu.dma_semaphore, #tpu.memory_space<semaphore_mem>>
        %dma_start3A = tpu.memref_slice %arg6[%add3A, %multiple_of3A] : memref<32x10368xi32, #tpu.memory_space<hbm>> -> memref<1x64xi32, #tpu.memory_space<hbm>>
        %dma_start3A_66 = tpu.memref_squeeze %dma_start3A : memref<1x64xi32, #tpu.memory_space<hbm>> -> memref<64xi32, #tpu.memory_space<hbm>>
        %dma_start3A_67 = tpu.memref_slice %arg6[%add3A, %multiple_of3A] : memref<32x10368xi32, #tpu.memory_space<hbm>> -> memref<1x64xi32, #tpu.memory_space<hbm>>
        %dma_start3A_68 = tpu.memref_squeeze %dma_start3A_67 : memref<1x64xi32, #tpu.memory_space<hbm>> -> memref<64xi32, #tpu.memory_space<hbm>>
        tpu.enqueue_dma source(%dma_start3A_68 : memref<64xi32, #tpu.memory_space<hbm>>) target(%arg10 : memref<64xi32, #tpu.memory_space<vmem>>) target_semaphore(%run_scoped3A : memref<!tpu.dma_semaphore, #tpu.memory_space<semaphore_mem>>)
        %dma_wait3A = tpu.memref_slice %arg6[%add3A, %multiple_of3A] : memref<32x10368xi32, #tpu.memory_space<hbm>> -> memref<1x64xi32, #tpu.memory_space<hbm>>
        %dma_wait3A_69 = tpu.memref_squeeze %dma_wait3A : memref<1x64xi32, #tpu.memory_space<hbm>> -> memref<64xi32, #tpu.memory_space<hbm>>
        %dma_wait3A_70 = tpu.memref_slice %arg6[%add3A, %multiple_of3A] : memref<32x10368xi32, #tpu.memory_space<hbm>> -> memref<1x64xi32, #tpu.memory_space<hbm>>
        %dma_wait3A_71 = tpu.memref_squeeze %dma_wait3A_70 : memref<1x64xi32, #tpu.memory_space<hbm>> -> memref<64xi32, #tpu.memory_space<hbm>>
        tpu.wait_dma2 semaphore(%run_scoped3A : memref<!tpu.dma_semaphore, #tpu.memory_space<semaphore_mem>>) src(%dma_wait3A_71 : memref<64xi32, #tpu.memory_space<hbm>>) dst(%arg10 : memref<64xi32, #tpu.memory_space<vmem>>)
        tpu.yield
      }) : () -> ()
      "tpu.region"() ({
        %run_scoped3A = tpu.sem_alloc : memref<!tpu.dma_semaphore, #tpu.memory_space<semaphore_mem>>
        %dma_start3A = arith.constant 0 : i32
        %dma_start3A_66 = arith.constant 0 : i32
        %dma_start3A_67 = tpu.memref_slice %arg3[%dma_start3A, %dma_start3A_66] : memref<10240x16xf32, #tpu.memory_space<hbm>> -> memref<10240x16xf32, #tpu.memory_space<hbm>>
        tpu.enqueue_indirect_dma source(%dma_start3A_67 : memref<10240x16xf32, #tpu.memory_space<hbm>>) target(%arg11 : memref<64x16xf32, #tpu.memory_space<vmem>>) offsets(%arg9 : memref<64xi32, #tpu.memory_space<vmem>>) semaphore(%run_scoped3A : memref<!tpu.dma_semaphore, #tpu.memory_space<semaphore_mem>>)
        %dma_wait3A = arith.constant 0 : i32
        %dma_wait3A_68 = arith.constant 0 : i32
        %dma_wait3A_69 = tpu.memref_slice %arg3[%dma_wait3A, %dma_wait3A_68] : memref<10240x16xf32, #tpu.memory_space<hbm>> -> memref<10240x16xf32, #tpu.memory_space<hbm>>
        tpu.wait_indirect_dma semaphore(%run_scoped3A : memref<!tpu.dma_semaphore, #tpu.memory_space<semaphore_mem>>) src(%dma_wait3A_69 : memref<10240x16xf32, #tpu.memory_space<hbm>>) dst(%arg11 : memref<64x16xf32, #tpu.memory_space<vmem>>)
        tpu.yield
      }) : () -> ()
      "tpu.region"() ({
        %run_scoped3A = tpu.sem_alloc : memref<!tpu.dma_semaphore, #tpu.memory_space<semaphore_mem>>
        %dma_start3A = arith.constant 0 : i32
        %dma_start3A_66 = arith.constant 0 : i32
        %dma_start3A_67 = tpu.memref_slice %arg4[%dma_start3A, %dma_start3A_66] : memref<10240x16xf32, #tpu.memory_space<hbm>> -> memref<10240x16xf32, #tpu.memory_space<hbm>>
        tpu.enqueue_indirect_dma source(%dma_start3A_67 : memref<10240x16xf32, #tpu.memory_space<hbm>>) target(%arg12 : memref<64x16xf32, #tpu.memory_space<vmem>>) offsets(%arg10 : memref<64xi32, #tpu.memory_space<vmem>>) semaphore(%run_scoped3A : memref<!tpu.dma_semaphore, #tpu.memory_space<semaphore_mem>>)
        %dma_wait3A = arith.constant 0 : i32
        %dma_wait3A_68 = arith.constant 0 : i32
        %dma_wait3A_69 = tpu.memref_slice %arg4[%dma_wait3A, %dma_wait3A_68] : memref<10240x16xf32, #tpu.memory_space<hbm>> -> memref<10240x16xf32, #tpu.memory_space<hbm>>
        tpu.wait_indirect_dma semaphore(%run_scoped3A : memref<!tpu.dma_semaphore, #tpu.memory_space<semaphore_mem>>) src(%dma_wait3A_69 : memref<10240x16xf32, #tpu.memory_space<hbm>>) dst(%arg12 : memref<64x16xf32, #tpu.memory_space<vmem>>)
        tpu.yield
      }) : () -> ()
      "tpu.region"() ({
        %run_scoped3A = tpu.sem_alloc : memref<!tpu.dma_semaphore, #tpu.memory_space<semaphore_mem>>
        %dma_start3A = arith.constant 0 : i32
        %dma_start3A_66 = arith.constant 0 : i32
        %dma_start3A_67 = tpu.memref_slice %arg2[%dma_start3A, %dma_start3A_66] : memref<10000x128xf32, #tpu.memory_space<hbm>> -> memref<10000x128xf32, #tpu.memory_space<hbm>>
        tpu.enqueue_indirect_dma source(%dma_start3A_67 : memref<10000x128xf32, #tpu.memory_space<hbm>>) target(%arg14 : memref<64x128xf32, #tpu.memory_space<vmem>>) offsets(%arg9 : memref<64xi32, #tpu.memory_space<vmem>>) semaphore(%run_scoped3A : memref<!tpu.dma_semaphore, #tpu.memory_space<semaphore_mem>>)
        %dma_wait3A = arith.constant 0 : i32
        %dma_wait3A_68 = arith.constant 0 : i32
        %dma_wait3A_69 = tpu.memref_slice %arg2[%dma_wait3A, %dma_wait3A_68] : memref<10000x128xf32, #tpu.memory_space<hbm>> -> memref<10000x128xf32, #tpu.memory_space<hbm>>
        tpu.wait_indirect_dma semaphore(%run_scoped3A : memref<!tpu.dma_semaphore, #tpu.memory_space<semaphore_mem>>) src(%dma_wait3A_69 : memref<10000x128xf32, #tpu.memory_space<hbm>>) dst(%arg14 : memref<64x128xf32, #tpu.memory_space<vmem>>)
        tpu.yield
      }) : () -> ()
      %scan3A_60 = arith.constant 0 : i32
      %scan3A_61 = arith.constant 0 : i32
      %scan3A_62 = arith.constant 64 : i32
      %scan3A_63 = arith.addi %scan3A_61, %scan3A_62 : i32
      %scan3A_64 = arith.constant 1 : i32
      scf.for %scan3A_66 = %scan3A_61 to %scan3A_63 step %scan3A_64  : i32 {
        %get3A = arith.index_cast %scan3A_66 : i32 to index
        %get3A_67 = arith.constant 0 : index
        %get3A_68 = tpu.vector_load %arg11[%get3A, %get3A_67] {strides = array<i32>} : memref<64x16xf32, #tpu.memory_space<vmem>>, vector<1x16xf32>,
        %get3A_69 = vector.shape_cast %get3A_68 : vector<1x16xf32> to vector<16xf32>
        %get3A_70 = arith.index_cast %scan3A_66 : i32 to index
        %get3A_71 = arith.constant 0 : index
        %get3A_72 = tpu.vector_load %arg12[%get3A_70, %get3A_71] {strides = array<i32>} : memref<64x16xf32, #tpu.memory_space<vmem>>, vector<1x16xf32>,
        %get3A_73 = vector.shape_cast %get3A_72 : vector<1x16xf32> to vector<16xf32>
        %add3A_74 = arith.addf %get3A_69, %get3A_73 : vector<16xf32>
        %mul3A_75 = arith.constant 2.000000e-01 : f32
        %mul3A_76 = vector.broadcast %mul3A_75 : f32 to vector<16xf32>
        %mul3A_77 = arith.mulf %add3A_74, %mul3A_76 : vector<16xf32>
        %max3A = arith.maximumf %add3A_74, %mul3A_77 : vector<16xf32>
        %exp3A = math.exp %max3A : vector<16xf32>
        %swap3A = arith.index_cast %scan3A_66 : i32 to index
        %swap3A_78 = arith.constant 0 : index
        %swap3A_79 = tpu.vector_load %arg13[%swap3A, %swap3A_78] {strides = array<i32>} : memref<64x16xf32, #tpu.memory_space<vmem>>, vector<1x16xf32>,
        %swap3A_80 = vector.shape_cast %swap3A_79 : vector<1x16xf32> to vector<16xf32>
        %swap3A_81 = vector.shape_cast %exp3A : vector<16xf32> to vector<1x16xf32>
        tpu.vector_store %arg13[%swap3A, %swap3A_78], %swap3A_81 {strides = array<i32>} : memref<64x16xf32, #tpu.memory_space<vmem>>, vector<1x16xf32>,
        %slice3A = vector.extract_strided_slice %exp3A {offsets = [0], sizes = [1], strides = [1]} : vector<16xf32> to vector<1xf32>
        %squeeze3A = vector.extract %slice3A[0] : f32 from vector<1xf32>
        %get3A_82 = arith.index_cast %scan3A_66 : i32 to index
        %get3A_83 = arith.constant 0 : index
        %get3A_84 = tpu.vector_load %arg14[%get3A_82, %get3A_83] {strides = array<i32>} : memref<64x128xf32, #tpu.memory_space<vmem>>, vector<1x16xf32>,
        %get3A_85 = vector.shape_cast %get3A_84 : vector<1x16xf32> to vector<16xf32>
        %mul3A_86 = vector.broadcast %squeeze3A : f32 to vector<16xf32>
        %mul3A_87 = arith.mulf %get3A_85, %mul3A_86 : vector<16xf32>
        %swap3A_88 = arith.index_cast %scan3A_66 : i32 to index
        %swap3A_89 = arith.constant 0 : index
        %swap3A_90 = tpu.vector_load %arg14[%swap3A_88, %swap3A_89] {strides = array<i32>} : memref<64x128xf32, #tpu.memory_space<vmem>>, vector<1x16xf32>,
        %swap3A_91 = vector.shape_cast %swap3A_90 : vector<1x16xf32> to vector<16xf32>
        %swap3A_92 = vector.shape_cast %mul3A_87 : vector<16xf32> to vector<1x16xf32>
        tpu.vector_store %arg14[%swap3A_88, %swap3A_89], %swap3A_92 {strides = array<i32>} : memref<64x128xf32, #tpu.memory_space<vmem>>, vector<1x16xf32>,
        %slice3A_93 = vector.extract_strided_slice %exp3A {offsets = [0], sizes = [1], strides = [1]} : vector<16xf32> to vector<1xf32>
        %squeeze3A_94 = vector.extract %slice3A_93[0] : f32 from vector<1xf32>
        %get3A_95 = arith.index_cast %scan3A_66 : i32 to index
        %get3A_96 = arith.constant 16 : index
        %get3A_97 = tpu.vector_load %arg14[%get3A_95, %get3A_96] {strides = array<i32>} : memref<64x128xf32, #tpu.memory_space<vmem>>, vector<1x16xf32>,
        %get3A_98 = vector.shape_cast %get3A_97 : vector<1x16xf32> to vector<16xf32>
        %mul3A_99 = vector.broadcast %squeeze3A_94 : f32 to vector<16xf32>
        %mul3A_100 = arith.mulf %get3A_98, %mul3A_99 : vector<16xf32>
        %swap3A_101 = arith.index_cast %scan3A_66 : i32 to index
        %swap3A_102 = arith.constant 16 : index
        %swap3A_103 = tpu.vector_load %arg14[%swap3A_101, %swap3A_102] {strides = array<i32>} : memref<64x128xf32, #tpu.memory_space<vmem>>, vector<1x16xf32>,
        %swap3A_104 = vector.shape_cast %swap3A_103 : vector<1x16xf32> to vector<16xf32>
        %swap3A_105 = vector.shape_cast %mul3A_100 : vector<16xf32> to vector<1x16xf32>
        tpu.vector_store %arg14[%swap3A_101, %swap3A_102], %swap3A_105 {strides = array<i32>} : memref<64x128xf32, #tpu.memory_space<vmem>>, vector<1x16xf32>,
        %slice3A_106 = vector.extract_strided_slice %exp3A {offsets = [0], sizes = [1], strides = [1]} : vector<16xf32> to vector<1xf32>
        %squeeze3A_107 = vector.extract %slice3A_106[0] : f32 from vector<1xf32>
        %get3A_108 = arith.index_cast %scan3A_66 : i32 to index
        %get3A_109 = arith.constant 32 : index
        %get3A_110 = tpu.vector_load %arg14[%get3A_108, %get3A_109] {strides = array<i32>} : memref<64x128xf32, #tpu.memory_space<vmem>>, vector<1x16xf32>,
        %get3A_111 = vector.shape_cast %get3A_110 : vector<1x16xf32> to vector<16xf32>
        %mul3A_112 = vector.broadcast %squeeze3A_107 : f32 to vector<16xf32>
        %mul3A_113 = arith.mulf %get3A_111, %mul3A_112 : vector<16xf32>
        %swap3A_114 = arith.index_cast %scan3A_66 : i32 to index
        %swap3A_115 = arith.constant 32 : index
        %swap3A_116 = tpu.vector_load %arg14[%swap3A_114, %swap3A_115] {strides = array<i32>} : memref<64x128xf32, #tpu.memory_space<vmem>>, vector<1x16xf32>,
        %swap3A_117 = vector.shape_cast %swap3A_116 : vector<1x16xf32> to vector<16xf32>
        %swap3A_118 = vector.shape_cast %mul3A_113 : vector<16xf32> to vector<1x16xf32>
        tpu.vector_store %arg14[%swap3A_114, %swap3A_115], %swap3A_118 {strides = array<i32>} : memref<64x128xf32, #tpu.memory_space<vmem>>, vector<1x16xf32>,
        %slice3A_119 = vector.extract_strided_slice %exp3A {offsets = [0], sizes = [1], strides = [1]} : vector<16xf32> to vector<1xf32>
        %squeeze3A_120 = vector.extract %slice3A_119[0] : f32 from vector<1xf32>
        %get3A_121 = arith.index_cast %scan3A_66 : i32 to index
        %get3A_122 = arith.constant 48 : index
        %get3A_123 = tpu.vector_load %arg14[%get3A_121, %get3A_122] {strides = array<i32>} : memref<64x128xf32, #tpu.memory_space<vmem>>, vector<1x16xf32>,
        %get3A_124 = vector.shape_cast %get3A_123 : vector<1x16xf32> to vector<16xf32>
        %mul3A_125 = vector.broadcast %squeeze3A_120 : f32 to vector<16xf32>
        %mul3A_126 = arith.mulf %get3A_124, %mul3A_125 : vector<16xf32>
        %swap3A_127 = arith.index_cast %scan3A_66 : i32 to index
        %swap3A_128 = arith.constant 48 : index
        %swap3A_129 = tpu.vector_load %arg14[%swap3A_127, %swap3A_128] {strides = array<i32>} : memref<64x128xf32, #tpu.memory_space<vmem>>, vector<1x16xf32>,
        %swap3A_130 = vector.shape_cast %swap3A_129 : vector<1x16xf32> to vector<16xf32>
        %swap3A_131 = vector.shape_cast %mul3A_126 : vector<16xf32> to vector<1x16xf32>
        tpu.vector_store %arg14[%swap3A_127, %swap3A_128], %swap3A_131 {strides = array<i32>} : memref<64x128xf32, #tpu.memory_space<vmem>>, vector<1x16xf32>,
        %slice3A_132 = vector.extract_strided_slice %exp3A {offsets = [0], sizes = [1], strides = [1]} : vector<16xf32> to vector<1xf32>
        %squeeze3A_133 = vector.extract %slice3A_132[0] : f32 from vector<1xf32>
        %get3A_134 = arith.index_cast %scan3A_66 : i32 to index
        %get3A_135 = arith.constant 64 : index
        %get3A_136 = tpu.vector_load %arg14[%get3A_134, %get3A_135] {strides = array<i32>} : memref<64x128xf32, #tpu.memory_space<vmem>>, vector<1x16xf32>,
        %get3A_137 = vector.shape_cast %get3A_136 : vector<1x16xf32> to vector<16xf32>
        %mul3A_138 = vector.broadcast %squeeze3A_133 : f32 to vector<16xf32>
        %mul3A_139 = arith.mulf %get3A_137, %mul3A_138 : vector<16xf32>
        %swap3A_140 = arith.index_cast %scan3A_66 : i32 to index
        %swap3A_141 = arith.constant 64 : index
        %swap3A_142 = tpu.vector_load %arg14[%swap3A_140, %swap3A_141] {strides = array<i32>} : memref<64x128xf32, #tpu.memory_space<vmem>>, vector<1x16xf32>,
        %swap3A_143 = vector.shape_cast %swap3A_142 : vector<1x16xf32> to vector<16xf32>
        %swap3A_144 = vector.shape_cast %mul3A_139 : vector<16xf32> to vector<1x16xf32>
        tpu.vector_store %arg14[%swap3A_140, %swap3A_141], %swap3A_144 {strides = array<i32>} : memref<64x128xf32, #tpu.memory_space<vmem>>, vector<1x16xf32>,
        %slice3A_145 = vector.extract_strided_slice %exp3A {offsets = [0], sizes = [1], strides = [1]} : vector<16xf32> to vector<1xf32>
        %squeeze3A_146 = vector.extract %slice3A_145[0] : f32 from vector<1xf32>
        %get3A_147 = arith.index_cast %scan3A_66 : i32 to index
        %get3A_148 = arith.constant 80 : index
        %get3A_149 = tpu.vector_load %arg14[%get3A_147, %get3A_148] {strides = array<i32>} : memref<64x128xf32, #tpu.memory_space<vmem>>, vector<1x16xf32>,
        %get3A_150 = vector.shape_cast %get3A_149 : vector<1x16xf32> to vector<16xf32>
        %mul3A_151 = vector.broadcast %squeeze3A_146 : f32 to vector<16xf32>
        %mul3A_152 = arith.mulf %get3A_150, %mul3A_151 : vector<16xf32>
        %swap3A_153 = arith.index_cast %scan3A_66 : i32 to index
        %swap3A_154 = arith.constant 80 : index
        %swap3A_155 = tpu.vector_load %arg14[%swap3A_153, %swap3A_154] {strides = array<i32>} : memref<64x128xf32, #tpu.memory_space<vmem>>, vector<1x16xf32>,
        %swap3A_156 = vector.shape_cast %swap3A_155 : vector<1x16xf32> to vector<16xf32>
        %swap3A_157 = vector.shape_cast %mul3A_152 : vector<16xf32> to vector<1x16xf32>
        tpu.vector_store %arg14[%swap3A_153, %swap3A_154], %swap3A_157 {strides = array<i32>} : memref<64x128xf32, #tpu.memory_space<vmem>>, vector<1x16xf32>,
        %slice3A_158 = vector.extract_strided_slice %exp3A {offsets = [0], sizes = [1], strides = [1]} : vector<16xf32> to vector<1xf32>
        %squeeze3A_159 = vector.extract %slice3A_158[0] : f32 from vector<1xf32>
        %get3A_160 = arith.index_cast %scan3A_66 : i32 to index
        %get3A_161 = arith.constant 96 : index
        %get3A_162 = tpu.vector_load %arg14[%get3A_160, %get3A_161] {strides = array<i32>} : memref<64x128xf32, #tpu.memory_space<vmem>>, vector<1x16xf32>,
        %get3A_163 = vector.shape_cast %get3A_162 : vector<1x16xf32> to vector<16xf32>
        %mul3A_164 = vector.broadcast %squeeze3A_159 : f32 to vector<16xf32>
        %mul3A_165 = arith.mulf %get3A_163, %mul3A_164 : vector<16xf32>
        %swap3A_166 = arith.index_cast %scan3A_66 : i32 to index
        %swap3A_167 = arith.constant 96 : index
        %swap3A_168 = tpu.vector_load %arg14[%swap3A_166, %swap3A_167] {strides = array<i32>} : memref<64x128xf32, #tpu.memory_space<vmem>>, vector<1x16xf32>,
        %swap3A_169 = vector.shape_cast %swap3A_168 : vector<1x16xf32> to vector<16xf32>
        %swap3A_170 = vector.shape_cast %mul3A_165 : vector<16xf32> to vector<1x16xf32>
        tpu.vector_store %arg14[%swap3A_166, %swap3A_167], %swap3A_170 {strides = array<i32>} : memref<64x128xf32, #tpu.memory_space<vmem>>, vector<1x16xf32>,
        %slice3A_171 = vector.extract_strided_slice %exp3A {offsets = [0], sizes = [1], strides = [1]} : vector<16xf32> to vector<1xf32>
        %squeeze3A_172 = vector.extract %slice3A_171[0] : f32 from vector<1xf32>
        %get3A_173 = arith.index_cast %scan3A_66 : i32 to index
        %get3A_174 = arith.constant 112 : index
        %get3A_175 = tpu.vector_load %arg14[%get3A_173, %get3A_174] {strides = array<i32>} : memref<64x128xf32, #tpu.memory_space<vmem>>, vector<1x16xf32>,
        %get3A_176 = vector.shape_cast %get3A_175 : vector<1x16xf32> to vector<16xf32>
        %mul3A_177 = vector.broadcast %squeeze3A_172 : f32 to vector<16xf32>
        %mul3A_178 = arith.mulf %get3A_176, %mul3A_177 : vector<16xf32>
        %swap3A_179 = arith.index_cast %scan3A_66 : i32 to index
        %swap3A_180 = arith.constant 112 : index
        %swap3A_181 = tpu.vector_load %arg14[%swap3A_179, %swap3A_180] {strides = array<i32>} : memref<64x128xf32, #tpu.memory_space<vmem>>, vector<1x16xf32>,
        %swap3A_182 = vector.shape_cast %swap3A_181 : vector<1x16xf32> to vector<16xf32>
        %swap3A_183 = vector.shape_cast %mul3A_178 : vector<16xf32> to vector<1x16xf32>
        tpu.vector_store %arg14[%swap3A_179, %swap3A_180], %swap3A_183 {strides = array<i32>} : memref<64x128xf32, #tpu.memory_space<vmem>>, vector<1x16xf32>,
      }
      %scan3A_65 = arith.constant 64 : i32
      "tpu.region"() ({
        %run_scoped3A = tpu.sem_alloc : memref<!tpu.dma_semaphore, #tpu.memory_space<semaphore_mem>>
        %dma_start3A = arith.constant 0 : i32
        %dma_start3A_66 = arith.constant 0 : i32
        %dma_start3A_67 = tpu.memref_slice %arg16[%dma_start3A, %dma_start3A_66] : memref<10240x16xf32, #tpu.memory_space<vmem_shared>> -> memref<10240x16xf32, #tpu.memory_space<vmem_shared>>
        tpu.enqueue_indirect_dma source(%arg13 : memref<64x16xf32, #tpu.memory_space<vmem>>) target(%dma_start3A_67 : memref<10240x16xf32, #tpu.memory_space<vmem_shared>>) offsets(%arg10 : memref<64xi32, #tpu.memory_space<vmem>>) semaphore(%run_scoped3A : memref<!tpu.dma_semaphore, #tpu.memory_space<semaphore_mem>>) {add = true}
        %dma_wait3A = arith.constant 0 : i32
        %dma_wait3A_68 = arith.constant 0 : i32
        %dma_wait3A_69 = tpu.memref_slice %arg16[%dma_wait3A, %dma_wait3A_68] : memref<10240x16xf32, #tpu.memory_space<vmem_shared>> -> memref<10240x16xf32, #tpu.memory_space<vmem_shared>>
        tpu.wait_indirect_dma semaphore(%run_scoped3A : memref<!tpu.dma_semaphore, #tpu.memory_space<semaphore_mem>>) src(%arg13 : memref<64x16xf32, #tpu.memory_space<vmem>>) dst(%dma_wait3A_69 : memref<10240x16xf32, #tpu.memory_space<vmem_shared>>)
        tpu.yield
      }) : () -> ()
      "tpu.region"() ({
        %run_scoped3A = tpu.sem_alloc : memref<!tpu.dma_semaphore, #tpu.memory_space<semaphore_mem>>
        %dma_start3A = arith.constant 0 : i32
        %dma_start3A_66 = arith.constant 0 : i32
        %dma_start3A_67 = tpu.memref_slice %arg15[%dma_start3A, %dma_start3A_66] : memref<10240x128xf32, #tpu.memory_space<vmem_shared>> -> memref<10240x128xf32, #tpu.memory_space<vmem_shared>>
        tpu.enqueue_indirect_dma source(%arg14 : memref<64x128xf32, #tpu.memory_space<vmem>>) target(%dma_start3A_67 : memref<10240x128xf32, #tpu.memory_space<vmem_shared>>) offsets(%arg10 : memref<64xi32, #tpu.memory_space<vmem>>) semaphore(%run_scoped3A : memref<!tpu.dma_semaphore, #tpu.memory_space<semaphore_mem>>) {add = true}
        %dma_wait3A = arith.constant 0 : i32
        %dma_wait3A_68 = arith.constant 0 : i32
        %dma_wait3A_69 = tpu.memref_slice %arg15[%dma_wait3A, %dma_wait3A_68] : memref<10240x128xf32, #tpu.memory_space<vmem_shared>> -> memref<10240x128xf32, #tpu.memory_space<vmem_shared>>
        tpu.wait_indirect_dma semaphore(%run_scoped3A : memref<!tpu.dma_semaphore, #tpu.memory_space<semaphore_mem>>) src(%arg14 : memref<64x128xf32, #tpu.memory_space<vmem>>) dst(%dma_wait3A_69 : memref<10240x128xf32, #tpu.memory_space<vmem_shared>>)
        tpu.yield
      }) : () -> ()
    }
    %scan3A_53 = arith.constant 162 : i32
    %barrier3A_54 = arith.constant 0 : index
    tpu.barrier barrier_id(%barrier3A_54)
    %mul3A_55 = arith.constant 640 : i32
    %mul3A_56 = arith.muli %arg1, %mul3A_55 : i32
    "tpu.region"() ({
      %run_scoped3A = tpu.sem_alloc : memref<!tpu.dma_semaphore, #tpu.memory_space<semaphore_mem>>
      %dma_start3A = arith.constant 0 : i32
      %dma_start3A_57 = tpu.memref_slice %arg7[%arg0, %mul3A_56, %dma_start3A] : memref<2x10240x128xf32, #tpu.memory_space<hbm>> -> memref<1x640x128xf32, #tpu.memory_space<hbm>>
      %dma_start3A_58 = tpu.memref_squeeze %dma_start3A_57 : memref<1x640x128xf32, #tpu.memory_space<hbm>> -> memref<640x128xf32, #tpu.memory_space<hbm>>
      %dma_start3A_59 = arith.constant 0 : i32
      %dma_start3A_60 = tpu.memref_slice %arg15[%mul3A_56, %dma_start3A_59] : memref<10240x128xf32, #tpu.memory_space<vmem_shared>> -> memref<640x128xf32, #tpu.memory_space<vmem_shared>>
      tpu.enqueue_dma source(%dma_start3A_60 : memref<640x128xf32, #tpu.memory_space<vmem_shared>>) target(%dma_start3A_58 : memref<640x128xf32, #tpu.memory_space<hbm>>) target_semaphore(%run_scoped3A : memref<!tpu.dma_semaphore, #tpu.memory_space<semaphore_mem>>)
      %dma_wait3A = arith.constant 0 : i32
      %dma_wait3A_61 = tpu.memref_slice %arg7[%arg0, %mul3A_56, %dma_wait3A] : memref<2x10240x128xf32, #tpu.memory_space<hbm>> -> memref<1x640x128xf32, #tpu.memory_space<hbm>>
      %dma_wait3A_62 = tpu.memref_squeeze %dma_wait3A_61 : memref<1x640x128xf32, #tpu.memory_space<hbm>> -> memref<640x128xf32, #tpu.memory_space<hbm>>
      %dma_wait3A_63 = arith.constant 0 : i32
      %dma_wait3A_64 = tpu.memref_slice %arg15[%mul3A_56, %dma_wait3A_63] : memref<10240x128xf32, #tpu.memory_space<vmem_shared>> -> memref<640x128xf32, #tpu.memory_space<vmem_shared>>
      tpu.wait_dma2 semaphore(%run_scoped3A : memref<!tpu.dma_semaphore, #tpu.memory_space<semaphore_mem>>) src(%dma_wait3A_64 : memref<640x128xf32, #tpu.memory_space<vmem_shared>>) dst(%dma_wait3A_62 : memref<640x128xf32, #tpu.memory_space<hbm>>)
      tpu.yield
    }) : () -> ()
    "tpu.region"() ({
      %run_scoped3A = tpu.sem_alloc : memref<!tpu.dma_semaphore, #tpu.memory_space<semaphore_mem>>
      %dma_start3A = arith.constant 0 : i32
      %dma_start3A_57 = tpu.memref_slice %arg8[%arg0, %mul3A_56, %dma_start3A] : memref<2x10240x16xf32, #tpu.memory_space<hbm>> -> memref<1x640x16xf32, #tpu.memory_space<hbm>>
      %dma_start3A_58 = tpu.memref_squeeze %dma_start3A_57 : memref<1x640x16xf32, #tpu.memory_space<hbm>> -> memref<640x16xf32, #tpu.memory_space<hbm>>
      %dma_start3A_59 = arith.constant 0 : i32
      %dma_start3A_60 = tpu.memref_slice %arg16[%mul3A_56, %dma_start3A_59] : memref<10240x16xf32, #tpu.memory_space<vmem_shared>> -> memref<640x16xf32, #tpu.memory_space<vmem_shared>>
      tpu.enqueue_dma source(%dma_start3A_60 : memref<640x16xf32, #tpu.memory_space<vmem_shared>>) target(%dma_start3A_58 : memref<640x16xf32, #tpu.memory_space<hbm>>) target_semaphore(%run_scoped3A : memref<!tpu.dma_semaphore, #tpu.memory_space<semaphore_mem>>)
      %dma_wait3A = arith.constant 0 : i32
      %dma_wait3A_61 = tpu.memref_slice %arg8[%arg0, %mul3A_56, %dma_wait3A] : memref<2x10240x16xf32, #tpu.memory_space<hbm>> -> memref<1x640x16xf32, #tpu.memory_space<hbm>>
      %dma_wait3A_62 = tpu.memref_squeeze %dma_wait3A_61 : memref<1x640x16xf32, #tpu.memory_space<hbm>> -> memref<640x16xf32, #tpu.memory_space<hbm>>
      %dma_wait3A_63 = arith.constant 0 : i32
      %dma_wait3A_64 = tpu.memref_slice %arg16[%mul3A_56, %dma_wait3A_63] : memref<10240x16xf32, #tpu.memory_space<vmem_shared>> -> memref<640x16xf32, #tpu.memory_space<vmem_shared>>
      tpu.wait_dma2 semaphore(%run_scoped3A : memref<!tpu.dma_semaphore, #tpu.memory_space<semaphore_mem>>) src(%dma_wait3A_64 : memref<640x16xf32, #tpu.memory_space<vmem_shared>>) dst(%dma_wait3A_62 : memref<640x16xf32, #tpu.memory_space<hbm>>)
      tpu.yield
    }) : () -> ()
    return
  }
}

module attributes {stable_mosaic.version = 14 : i64} {
  func.func @_tc_pre_body(%arg0: memref<10000x128xf32, #tpu.memory_space<vmem>>, %arg1: memref<128x128xf32, #tpu.memory_space<vmem>>, %arg2: memref<1x128xf32, #tpu.memory_space<vmem>>, %arg3: memref<1x128xf32, #tpu.memory_space<vmem>>, %arg4: memref<10000x128xf32, #tpu.memory_space<vmem>>, %arg5: memref<10000x16xf32, #tpu.memory_space<vmem>>, %arg6: memref<10000x16xf32, #tpu.memory_space<vmem>>) attributes {dimension_semantics = [], scalar_prefetch = 0 : i64, scratch_operands = 0 : i64, tpu.core_type = #tpu.core_type<tc>} {
    %get3A = arith.constant 0 : index
    %get3A_0 = arith.constant 0 : index
    %get3A_1 = vector.load %arg0[%get3A, %get3A_0] : memref<10000x128xf32, #tpu.memory_space<vmem>>, vector<10000x128xf32>
    %get3A_2 = arith.constant 0 : index
    %get3A_3 = arith.constant 0 : index
    %get3A_4 = vector.load %arg1[%get3A_2, %get3A_3] : memref<128x128xf32, #tpu.memory_space<vmem>>, vector<128x128xf32>
    %dot_general3A = arith.constant dense<0.000000e+00> : vector<10000x128xf32>
    %dot_general3A_5 = tpu.matmul %get3A_1, %get3A_4, %dot_general3A {dimension_numbers = #tpu.dot_dimension_numbers<[1], [0], [0], [1], [0, 0, 1, 1], [], []>, transpose_lhs_hint = false} : vector<10000x128xf32>, vector<128x128xf32>, vector<10000x128xf32> -> vector<10000x128xf32>
    %swap3A = arith.constant 0 : index
    %swap3A_6 = arith.constant 0 : index
    %swap3A_7 = vector.load %arg4[%swap3A, %swap3A_6] : memref<10000x128xf32, #tpu.memory_space<vmem>>, vector<10000x128xf32>
    tpu.vector_store %arg4[%swap3A, %swap3A_6], %dot_general3A_5 {strides = array<i32>} : memref<10000x128xf32, #tpu.memory_space<vmem>>, vector<10000x128xf32>,
    %iota3A = tpu.iota {dimensions = array<i32: 0>} : vector<128x16xi32>
    %jit3A = arith.constant 16 : i32
    %div3A = vector.broadcast %jit3A : i32 to vector<128x16xi32>
    %div3A_8 = arith.divsi %iota3A, %div3A : vector<128x16xi32>
    %sign3A = arith.constant 0 : i32
    %sign3A_9 = vector.broadcast %sign3A : i32 to vector<128x16xi32>
    %sign3A_10 = arith.cmpi sgt, %iota3A, %sign3A_9 : vector<128x16xi32>
    %sign3A_11 = arith.extui %sign3A_10 : vector<128x16xi1> to vector<128x16xi32>
    %sign3A_12 = arith.constant 0 : i32
    %sign3A_13 = vector.broadcast %sign3A_12 : i32 to vector<128x16xi32>
    %sign3A_14 = arith.cmpi slt, %iota3A, %sign3A_13 : vector<128x16xi32>
    %sign3A_15 = arith.extui %sign3A_14 : vector<128x16xi1> to vector<128x16xi32>
    %sign3A_16 = arith.subi %sign3A_11, %sign3A_15 : vector<128x16xi32>
    %sign3A_17 = arith.constant 0 : i32
    %sign3A_18 = arith.cmpi sgt, %jit3A, %sign3A_17 : i32
    %sign3A_19 = arith.extui %sign3A_18 : i1 to i32
    %sign3A_20 = arith.constant 0 : i32
    %sign3A_21 = arith.cmpi slt, %jit3A, %sign3A_20 : i32
    %sign3A_22 = arith.extui %sign3A_21 : i1 to i32
    %sign3A_23 = arith.subi %sign3A_19, %sign3A_22 : i32
    %ne3A = vector.broadcast %sign3A_23 : i32 to vector<128x16xi32>
    %ne3A_24 = arith.cmpi ne, %sign3A_16, %ne3A : vector<128x16xi32>
    %rem3A = vector.broadcast %jit3A : i32 to vector<128x16xi32>
    %rem3A_25 = arith.remsi %iota3A, %rem3A : vector<128x16xi32>
    %ne3A_26 = arith.constant 0 : i32
    %ne3A_27 = vector.broadcast %ne3A_26 : i32 to vector<128x16xi32>
    %ne3A_28 = arith.cmpi ne, %rem3A_25, %ne3A_27 : vector<128x16xi32>
    %and3A = arith.andi %ne3A_24, %ne3A_28 : vector<128x16xi1>
    %sub3A = arith.constant 1 : i32
    %sub3A_29 = vector.broadcast %sub3A : i32 to vector<128x16xi32>
    %sub3A_30 = arith.subi %div3A_8, %sub3A_29 : vector<128x16xi32>
    %select_n3A = arith.select %and3A, %sub3A_30, %div3A_8 : vector<128x16xi1>, vector<128x16xi32>
    %iota3A_31 = tpu.iota {dimensions = array<i32: 1>} : vector<128x16xi32>
    %eq3A = arith.cmpi eq, %select_n3A, %iota3A_31 : vector<128x16xi32>
    %convert_element_type3A = arith.extui %eq3A : vector<128x16xi1> to vector<128x16xi32>
    %convert_element_type3A_32 = arith.sitofp %convert_element_type3A : vector<128x16xi32> to vector<128x16xf32>
    %get3A_33 = arith.constant 0 : index
    %get3A_34 = arith.constant 0 : index
    %get3A_35 = vector.load %arg2[%get3A_33, %get3A_34] : memref<1x128xf32, #tpu.memory_space<vmem>>, vector<1x128xf32>
    %mul3A = vector.broadcast %get3A_35 : vector<1x128xf32> to vector<10000x128xf32>
    %mul3A_36 = arith.mulf %dot_general3A_5, %mul3A : vector<10000x128xf32>
    %dot_general3A_37 = arith.constant dense<0.000000e+00> : vector<10000x16xf32>
    %dot_general3A_38 = tpu.matmul %mul3A_36, %convert_element_type3A_32, %dot_general3A_37 {dimension_numbers = #tpu.dot_dimension_numbers<[1], [0], [0], [1], [0, 0, 1, 1], [], []>, transpose_lhs_hint = false} : vector<10000x128xf32>, vector<128x16xf32>, vector<10000x16xf32> -> vector<10000x16xf32>
    %swap3A_39 = arith.constant 0 : index
    %swap3A_40 = arith.constant 0 : index
    %swap3A_41 = vector.load %arg5[%swap3A_39, %swap3A_40] : memref<10000x16xf32, #tpu.memory_space<vmem>>, vector<10000x16xf32>
    tpu.vector_store %arg5[%swap3A_39, %swap3A_40], %dot_general3A_38 {strides = array<i32>} : memref<10000x16xf32, #tpu.memory_space<vmem>>, vector<10000x16xf32>,
    %get3A_42 = arith.constant 0 : index
    %get3A_43 = arith.constant 0 : index
    %get3A_44 = vector.load %arg3[%get3A_42, %get3A_43] : memref<1x128xf32, #tpu.memory_space<vmem>>, vector<1x128xf32>
    %mul3A_45 = vector.broadcast %get3A_44 : vector<1x128xf32> to vector<10000x128xf32>
    %mul3A_46 = arith.mulf %dot_general3A_5, %mul3A_45 : vector<10000x128xf32>
    %dot_general3A_47 = arith.constant dense<0.000000e+00> : vector<10000x16xf32>
    %dot_general3A_48 = tpu.matmul %mul3A_46, %convert_element_type3A_32, %dot_general3A_47 {dimension_numbers = #tpu.dot_dimension_numbers<[1], [0], [0], [1], [0, 0, 1, 1], [], []>, transpose_lhs_hint = false} : vector<10000x128xf32>, vector<128x16xf32>, vector<10000x16xf32> -> vector<10000x16xf32>
    %swap3A_49 = arith.constant 0 : index
    %swap3A_50 = arith.constant 0 : index
    %swap3A_51 = vector.load %arg6[%swap3A_49, %swap3A_50] : memref<10000x16xf32, #tpu.memory_space<vmem>>, vector<10000x16xf32>
    tpu.vector_store %arg6[%swap3A_49, %swap3A_50], %dot_general3A_48 {strides = array<i32>} : memref<10000x16xf32, #tpu.memory_space<vmem>>, vector<10000x16xf32>,
    return
  }
}

module attributes {stable_mosaic.version = 14 : i64} {
  func.func @_tc_mid_body(%arg0: memref<2x10240x128xf32, #tpu.memory_space<vmem>>, %arg1: memref<2x10240x16xf32, #tpu.memory_space<vmem>>, %arg2: memref<1x128xf32, #tpu.memory_space<vmem>>, %arg3: memref<128x128xf32, #tpu.memory_space<vmem>>, %arg4: memref<1x128xf32, #tpu.memory_space<vmem>>, %arg5: memref<1x128xf32, #tpu.memory_space<vmem>>, %arg6: memref<1x128xf32, #tpu.memory_space<vmem>>, %arg7: memref<128x128xf32, #tpu.memory_space<vmem>>, %arg8: memref<1x128xf32, #tpu.memory_space<vmem>>, %arg9: memref<1x128xf32, #tpu.memory_space<vmem>>, %arg10: memref<10000x128xf32, #tpu.memory_space<vmem>>, %arg11: memref<10000x16xf32, #tpu.memory_space<vmem>>, %arg12: memref<10000x16xf32, #tpu.memory_space<vmem>>) attributes {dimension_semantics = [], scalar_prefetch = 0 : i64, scratch_operands = 0 : i64, tpu.core_type = #tpu.core_type<tc>} {
    %iota3A = tpu.iota {dimensions = array<i32: 0>} : vector<16x128xi32>
    %iota3A_0 = tpu.iota {dimensions = array<i32: 1>} : vector<16x128xi32>
    %jit3A = arith.constant 16 : i32
    %div3A = vector.broadcast %jit3A : i32 to vector<16x128xi32>
    %div3A_1 = arith.divsi %iota3A_0, %div3A : vector<16x128xi32>
    %sign3A = arith.constant 0 : i32
    %sign3A_2 = vector.broadcast %sign3A : i32 to vector<16x128xi32>
    %sign3A_3 = arith.cmpi sgt, %iota3A_0, %sign3A_2 : vector<16x128xi32>
    %sign3A_4 = arith.extui %sign3A_3 : vector<16x128xi1> to vector<16x128xi32>
    %sign3A_5 = arith.constant 0 : i32
    %sign3A_6 = vector.broadcast %sign3A_5 : i32 to vector<16x128xi32>
    %sign3A_7 = arith.cmpi slt, %iota3A_0, %sign3A_6 : vector<16x128xi32>
    %sign3A_8 = arith.extui %sign3A_7 : vector<16x128xi1> to vector<16x128xi32>
    %sign3A_9 = arith.subi %sign3A_4, %sign3A_8 : vector<16x128xi32>
    %sign3A_10 = arith.constant 0 : i32
    %sign3A_11 = arith.cmpi sgt, %jit3A, %sign3A_10 : i32
    %sign3A_12 = arith.extui %sign3A_11 : i1 to i32
    %sign3A_13 = arith.constant 0 : i32
    %sign3A_14 = arith.cmpi slt, %jit3A, %sign3A_13 : i32
    %sign3A_15 = arith.extui %sign3A_14 : i1 to i32
    %sign3A_16 = arith.subi %sign3A_12, %sign3A_15 : i32
    %ne3A = vector.broadcast %sign3A_16 : i32 to vector<16x128xi32>
    %ne3A_17 = arith.cmpi ne, %sign3A_9, %ne3A : vector<16x128xi32>
    %rem3A = vector.broadcast %jit3A : i32 to vector<16x128xi32>
    %rem3A_18 = arith.remsi %iota3A_0, %rem3A : vector<16x128xi32>
    %ne3A_19 = arith.constant 0 : i32
    %ne3A_20 = vector.broadcast %ne3A_19 : i32 to vector<16x128xi32>
    %ne3A_21 = arith.cmpi ne, %rem3A_18, %ne3A_20 : vector<16x128xi32>
    %and3A = arith.andi %ne3A_17, %ne3A_21 : vector<16x128xi1>
    %sub3A = arith.constant 1 : i32
    %sub3A_22 = vector.broadcast %sub3A : i32 to vector<16x128xi32>
    %sub3A_23 = arith.subi %div3A_1, %sub3A_22 : vector<16x128xi32>
    %select_n3A = arith.select %and3A, %sub3A_23, %div3A_1 : vector<16x128xi1>, vector<16x128xi32>
    %eq3A = arith.cmpi eq, %iota3A, %select_n3A : vector<16x128xi32>
    %convert_element_type3A = arith.extui %eq3A : vector<16x128xi1> to vector<16x128xi32>
    %convert_element_type3A_24 = arith.sitofp %convert_element_type3A : vector<16x128xi32> to vector<16x128xf32>
    %get3A = arith.constant 0 : index
    %get3A_25 = arith.constant 0 : index
    %get3A_26 = arith.constant 0 : index
    %get3A_27 = vector.load %arg0[%get3A, %get3A_25, %get3A_26] : memref<2x10240x128xf32, #tpu.memory_space<vmem>>, vector<2x10240x128xf32>
    %get3A_28 = arith.constant 0 : index
    %get3A_29 = arith.constant 0 : index
    %get3A_30 = arith.constant 0 : index
    %get3A_31 = vector.load %arg1[%get3A_28, %get3A_29, %get3A_30] : memref<2x10240x16xf32, #tpu.memory_space<vmem>>, vector<2x10240x16xf32>
    %get3A_32 = arith.constant 0 : index
    %get3A_33 = arith.constant 0 : index
    %get3A_34 = vector.load %arg2[%get3A_32, %get3A_33] : memref<1x128xf32, #tpu.memory_space<vmem>>, vector<1x128xf32>
    %slice3A = vector.extract_strided_slice %get3A_27 {offsets = [0, 0, 0], sizes = [1, 10000, 128], strides = [1, 1, 1]} : vector<2x10240x128xf32> to vector<1x10000x128xf32>
    %squeeze3A = vector.shape_cast %slice3A : vector<1x10000x128xf32> to vector<10000x128xf32>
    %slice3A_35 = vector.extract_strided_slice %get3A_27 {offsets = [1, 0, 0], sizes = [1, 10000, 128], strides = [1, 1, 1]} : vector<2x10240x128xf32> to vector<1x10000x128xf32>
    %squeeze3A_36 = vector.shape_cast %slice3A_35 : vector<1x10000x128xf32> to vector<10000x128xf32>
    %add3A = arith.addf %squeeze3A, %squeeze3A_36 : vector<10000x128xf32>
    %slice3A_37 = vector.extract_strided_slice %get3A_31 {offsets = [0, 0, 0], sizes = [1, 10000, 16], strides = [1, 1, 1]} : vector<2x10240x16xf32> to vector<1x10000x16xf32>
    %squeeze3A_38 = vector.shape_cast %slice3A_37 : vector<1x10000x16xf32> to vector<10000x16xf32>
    %slice3A_39 = vector.extract_strided_slice %get3A_31 {offsets = [1, 0, 0], sizes = [1, 10000, 16], strides = [1, 1, 1]} : vector<2x10240x16xf32> to vector<1x10000x16xf32>
    %squeeze3A_40 = vector.shape_cast %slice3A_39 : vector<1x10000x16xf32> to vector<10000x16xf32>
    %add3A_41 = arith.addf %squeeze3A_38, %squeeze3A_40 : vector<10000x16xf32>
    %dot_general3A = arith.constant dense<0.000000e+00> : vector<10000x128xf32>
    %dot_general3A_42 = tpu.matmul %add3A_41, %convert_element_type3A_24, %dot_general3A {dimension_numbers = #tpu.dot_dimension_numbers<[1], [0], [0], [1], [0, 0, 1, 1], [], []>, transpose_lhs_hint = false} : vector<10000x16xf32>, vector<16x128xf32>, vector<10000x128xf32> -> vector<10000x128xf32>
    %add3A_43 = arith.constant 1.000000e-16 : f32
    %add3A_44 = vector.broadcast %add3A_43 : f32 to vector<10000x128xf32>
    %add3A_45 = arith.addf %dot_general3A_42, %add3A_44 : vector<10000x128xf32>
    %div3A_46 = arith.divf %add3A, %add3A_45 : vector<10000x128xf32>
    %add3A_47 = vector.broadcast %get3A_34 : vector<1x128xf32> to vector<10000x128xf32>
    %add3A_48 = arith.addf %div3A_46, %add3A_47 : vector<10000x128xf32>
    %get3A_49 = arith.constant 0 : index
    %get3A_50 = arith.constant 0 : index
    %get3A_51 = vector.load %arg3[%get3A_49, %get3A_50] : memref<128x128xf32, #tpu.memory_space<vmem>>, vector<128x128xf32>
    %dot_general3A_52 = arith.constant dense<0.000000e+00> : vector<10000x128xf32>
    %dot_general3A_53 = tpu.matmul %add3A_48, %get3A_51, %dot_general3A_52 {dimension_numbers = #tpu.dot_dimension_numbers<[1], [0], [0], [1], [0, 0, 1, 1], [], []>, transpose_lhs_hint = false} : vector<10000x128xf32>, vector<128x128xf32>, vector<10000x128xf32> -> vector<10000x128xf32>
    %get3A_54 = arith.constant 0 : index
    %get3A_55 = arith.constant 0 : index
    %get3A_56 = vector.load %arg4[%get3A_54, %get3A_55] : memref<1x128xf32, #tpu.memory_space<vmem>>, vector<1x128xf32>
    %add3A_57 = vector.broadcast %get3A_56 : vector<1x128xf32> to vector<10000x128xf32>
    %add3A_58 = arith.addf %dot_general3A_53, %add3A_57 : vector<10000x128xf32>
    %max3A = arith.constant 0.000000e+00 : f32
    %max3A_59 = vector.broadcast %max3A : f32 to vector<10000x128xf32>
    %max3A_60 = arith.maximumf %add3A_58, %max3A_59 : vector<10000x128xf32>
    %get3A_61 = arith.constant 0 : index
    %get3A_62 = arith.constant 0 : index
    %get3A_63 = vector.load %arg5[%get3A_61, %get3A_62] : memref<1x128xf32, #tpu.memory_space<vmem>>, vector<1x128xf32>
    %get3A_64 = arith.constant 0 : index
    %get3A_65 = arith.constant 0 : index
    %get3A_66 = vector.load %arg6[%get3A_64, %get3A_65] : memref<1x128xf32, #tpu.memory_space<vmem>>, vector<1x128xf32>
    %reduce_sum3A = arith.constant dense<0.000000e+00> : vector<128xf32>
    %reduce_sum3A_67 = vector.multi_reduction <add>, %max3A_60, %reduce_sum3A [0] : vector<10000x128xf32> to vector<128xf32>
    %div3A_68 = arith.constant 1.000000e+04 : f32
    %div3A_69 = vector.broadcast %div3A_68 : f32 to vector<128xf32>
    %div3A_70 = arith.divf %reduce_sum3A_67, %div3A_69 : vector<128xf32>
    %broadcast_in_dim3A = vector.shape_cast %div3A_70 : vector<128xf32> to vector<1x128xf32>
    %sub3A_71 = vector.broadcast %broadcast_in_dim3A : vector<1x128xf32> to vector<10000x128xf32>
    %sub3A_72 = arith.subf %max3A_60, %sub3A_71 : vector<10000x128xf32>
    %integer_pow3A = arith.mulf %sub3A_72, %sub3A_72 : vector<10000x128xf32>
    %reduce_sum3A_73 = arith.constant dense<0.000000e+00> : vector<128xf32>
    %reduce_sum3A_74 = vector.multi_reduction <add>, %integer_pow3A, %reduce_sum3A_73 [0] : vector<10000x128xf32> to vector<128xf32>
    %div3A_75 = arith.constant 1.000000e+04 : f32
    %div3A_76 = vector.broadcast %div3A_75 : f32 to vector<128xf32>
    %div3A_77 = arith.divf %reduce_sum3A_74, %div3A_76 : vector<128xf32>
    %broadcast_in_dim3A_78 = vector.shape_cast %div3A_70 : vector<128xf32> to vector<1x128xf32>
    %sub3A_79 = vector.broadcast %broadcast_in_dim3A_78 : vector<1x128xf32> to vector<10000x128xf32>
    %sub3A_80 = arith.subf %max3A_60, %sub3A_79 : vector<10000x128xf32>
    %add3A_81 = arith.constant 9.99999974E-6 : f32
    %add3A_82 = vector.broadcast %add3A_81 : f32 to vector<128xf32>
    %add3A_83 = arith.addf %div3A_77, %add3A_82 : vector<128xf32>
    %sqrt3A = math.sqrt %add3A_83 : vector<128xf32>
    %broadcast_in_dim3A_84 = vector.shape_cast %sqrt3A : vector<128xf32> to vector<1x128xf32>
    %div3A_85 = vector.broadcast %broadcast_in_dim3A_84 : vector<1x128xf32> to vector<10000x128xf32>
    %div3A_86 = arith.divf %sub3A_80, %div3A_85 : vector<10000x128xf32>
    %mul3A = vector.broadcast %get3A_63 : vector<1x128xf32> to vector<10000x128xf32>
    %mul3A_87 = arith.mulf %div3A_86, %mul3A : vector<10000x128xf32>
    %add3A_88 = vector.broadcast %get3A_66 : vector<1x128xf32> to vector<10000x128xf32>
    %add3A_89 = arith.addf %mul3A_87, %add3A_88 : vector<10000x128xf32>
    %get3A_90 = arith.constant 0 : index
    %get3A_91 = arith.constant 0 : index
    %get3A_92 = vector.load %arg7[%get3A_90, %get3A_91] : memref<128x128xf32, #tpu.memory_space<vmem>>, vector<128x128xf32>
    %dot_general3A_93 = arith.constant dense<0.000000e+00> : vector<10000x128xf32>
    %dot_general3A_94 = tpu.matmul %add3A_89, %get3A_92, %dot_general3A_93 {dimension_numbers = #tpu.dot_dimension_numbers<[1], [0], [0], [1], [0, 0, 1, 1], [], []>, transpose_lhs_hint = false} : vector<10000x128xf32>, vector<128x128xf32>, vector<10000x128xf32> -> vector<10000x128xf32>
    %swap3A = arith.constant 0 : index
    %swap3A_95 = arith.constant 0 : index
    %swap3A_96 = vector.load %arg10[%swap3A, %swap3A_95] : memref<10000x128xf32, #tpu.memory_space<vmem>>, vector<10000x128xf32>
    tpu.vector_store %arg10[%swap3A, %swap3A_95], %dot_general3A_94 {strides = array<i32>} : memref<10000x128xf32, #tpu.memory_space<vmem>>, vector<10000x128xf32>,
    %broadcast_in_dim3A_97 = arith.constant 1.000000e+00 : f32
    %broadcast_in_dim3A_98 = vector.broadcast %broadcast_in_dim3A_97 : f32 to vector<128x16xf32>
    %iota3A_99 = tpu.iota {dimensions = array<i32: 1>} : vector<1x16xi32>
    %eq3A_100 = arith.constant 0 : i32
    %eq3A_101 = vector.broadcast %eq3A_100 : i32 to vector<1x16xi32>
    %eq3A_102 = arith.cmpi eq, %iota3A_99, %eq3A_101 : vector<1x16xi32>
    %convert_element_type3A_103 = arith.extui %eq3A_102 : vector<1x16xi1> to vector<1x16xi32>
    %convert_element_type3A_104 = arith.sitofp %convert_element_type3A_103 : vector<1x16xi32> to vector<1x16xf32>
    %get3A_105 = arith.constant 0 : index
    %get3A_106 = arith.constant 0 : index
    %get3A_107 = vector.load %arg8[%get3A_105, %get3A_106] : memref<1x128xf32, #tpu.memory_space<vmem>>, vector<1x128xf32>
    %mul3A_108 = vector.broadcast %get3A_107 : vector<1x128xf32> to vector<10000x128xf32>
    %mul3A_109 = arith.mulf %dot_general3A_94, %mul3A_108 : vector<10000x128xf32>
    %dot_general3A_110 = arith.constant dense<0.000000e+00> : vector<10000x16xf32>
    %dot_general3A_111 = tpu.matmul %mul3A_109, %broadcast_in_dim3A_98, %dot_general3A_110 {dimension_numbers = #tpu.dot_dimension_numbers<[1], [0], [0], [1], [0, 0, 1, 1], [], []>, transpose_lhs_hint = false} : vector<10000x128xf32>, vector<128x16xf32>, vector<10000x16xf32> -> vector<10000x16xf32>
    %mul3A_112 = vector.broadcast %convert_element_type3A_104 : vector<1x16xf32> to vector<10000x16xf32>
    %mul3A_113 = arith.mulf %dot_general3A_111, %mul3A_112 : vector<10000x16xf32>
    %swap3A_114 = arith.constant 0 : index
    %swap3A_115 = arith.constant 0 : index
    %swap3A_116 = vector.load %arg11[%swap3A_114, %swap3A_115] : memref<10000x16xf32, #tpu.memory_space<vmem>>, vector<10000x16xf32>
    tpu.vector_store %arg11[%swap3A_114, %swap3A_115], %mul3A_113 {strides = array<i32>} : memref<10000x16xf32, #tpu.memory_space<vmem>>, vector<10000x16xf32>,
    %get3A_117 = arith.constant 0 : index
    %get3A_118 = arith.constant 0 : index
    %get3A_119 = vector.load %arg9[%get3A_117, %get3A_118] : memref<1x128xf32, #tpu.memory_space<vmem>>, vector<1x128xf32>
    %mul3A_120 = vector.broadcast %get3A_119 : vector<1x128xf32> to vector<10000x128xf32>
    %mul3A_121 = arith.mulf %dot_general3A_94, %mul3A_120 : vector<10000x128xf32>
    %dot_general3A_122 = arith.constant dense<0.000000e+00> : vector<10000x16xf32>
    %dot_general3A_123 = tpu.matmul %mul3A_121, %broadcast_in_dim3A_98, %dot_general3A_122 {dimension_numbers = #tpu.dot_dimension_numbers<[1], [0], [0], [1], [0, 0, 1, 1], [], []>, transpose_lhs_hint = false} : vector<10000x128xf32>, vector<128x16xf32>, vector<10000x16xf32> -> vector<10000x16xf32>
    %mul3A_124 = vector.broadcast %convert_element_type3A_104 : vector<1x16xf32> to vector<10000x16xf32>
    %mul3A_125 = arith.mulf %dot_general3A_123, %mul3A_124 : vector<10000x16xf32>
    %swap3A_126 = arith.constant 0 : index
    %swap3A_127 = arith.constant 0 : index
    %swap3A_128 = vector.load %arg12[%swap3A_126, %swap3A_127] : memref<10000x16xf32, #tpu.memory_space<vmem>>, vector<10000x16xf32>
    tpu.vector_store %arg12[%swap3A_126, %swap3A_127], %mul3A_125 {strides = array<i32>} : memref<10000x16xf32, #tpu.memory_space<vmem>>, vector<10000x16xf32>,
    return
  }
}

module attributes {stable_mosaic.version = 14 : i64} {
  func.func @_tc_fin_body(%arg0: memref<2x10240x128xf32, #tpu.memory_space<vmem>>, %arg1: memref<2x10240x16xf32, #tpu.memory_space<vmem>>, %arg2: memref<1x128xf32, #tpu.memory_space<vmem>>, %arg3: memref<128x128xf32, #tpu.memory_space<vmem>>, %arg4: memref<1x128xf32, #tpu.memory_space<vmem>>, %arg5: memref<1x128xf32, #tpu.memory_space<vmem>>, %arg6: memref<1x128xf32, #tpu.memory_space<vmem>>, %arg7: memref<128x128xf32, #tpu.memory_space<vmem>>, %arg8: memref<1x128xf32, #tpu.memory_space<vmem>>, %arg9: memref<10000x128xf32, #tpu.memory_space<vmem>>) attributes {dimension_semantics = [], scalar_prefetch = 0 : i64, scratch_operands = 0 : i64, tpu.core_type = #tpu.core_type<tc>} {
    %iota3A = tpu.iota {dimensions = array<i32: 0>} : vector<16x128xi32>
    %eq3A = arith.constant 0 : i32
    %eq3A_0 = vector.broadcast %eq3A : i32 to vector<16x128xi32>
    %eq3A_1 = arith.cmpi eq, %iota3A, %eq3A_0 : vector<16x128xi32>
    %convert_element_type3A = arith.extui %eq3A_1 : vector<16x128xi1> to vector<16x128xi32>
    %convert_element_type3A_2 = arith.sitofp %convert_element_type3A : vector<16x128xi32> to vector<16x128xf32>
    %get3A = arith.constant 0 : index
    %get3A_3 = arith.constant 0 : index
    %get3A_4 = arith.constant 0 : index
    %get3A_5 = vector.load %arg0[%get3A, %get3A_3, %get3A_4] : memref<2x10240x128xf32, #tpu.memory_space<vmem>>, vector<2x10240x128xf32>
    %get3A_6 = arith.constant 0 : index
    %get3A_7 = arith.constant 0 : index
    %get3A_8 = arith.constant 0 : index
    %get3A_9 = vector.load %arg1[%get3A_6, %get3A_7, %get3A_8] : memref<2x10240x16xf32, #tpu.memory_space<vmem>>, vector<2x10240x16xf32>
    %get3A_10 = arith.constant 0 : index
    %get3A_11 = arith.constant 0 : index
    %get3A_12 = vector.load %arg2[%get3A_10, %get3A_11] : memref<1x128xf32, #tpu.memory_space<vmem>>, vector<1x128xf32>
    %slice3A = vector.extract_strided_slice %get3A_5 {offsets = [0, 0, 0], sizes = [1, 10000, 128], strides = [1, 1, 1]} : vector<2x10240x128xf32> to vector<1x10000x128xf32>
    %squeeze3A = vector.shape_cast %slice3A : vector<1x10000x128xf32> to vector<10000x128xf32>
    %slice3A_13 = vector.extract_strided_slice %get3A_5 {offsets = [1, 0, 0], sizes = [1, 10000, 128], strides = [1, 1, 1]} : vector<2x10240x128xf32> to vector<1x10000x128xf32>
    %squeeze3A_14 = vector.shape_cast %slice3A_13 : vector<1x10000x128xf32> to vector<10000x128xf32>
    %add3A = arith.addf %squeeze3A, %squeeze3A_14 : vector<10000x128xf32>
    %slice3A_15 = vector.extract_strided_slice %get3A_9 {offsets = [0, 0, 0], sizes = [1, 10000, 16], strides = [1, 1, 1]} : vector<2x10240x16xf32> to vector<1x10000x16xf32>
    %squeeze3A_16 = vector.shape_cast %slice3A_15 : vector<1x10000x16xf32> to vector<10000x16xf32>
    %slice3A_17 = vector.extract_strided_slice %get3A_9 {offsets = [1, 0, 0], sizes = [1, 10000, 16], strides = [1, 1, 1]} : vector<2x10240x16xf32> to vector<1x10000x16xf32>
    %squeeze3A_18 = vector.shape_cast %slice3A_17 : vector<1x10000x16xf32> to vector<10000x16xf32>
    %add3A_19 = arith.addf %squeeze3A_16, %squeeze3A_18 : vector<10000x16xf32>
    %dot_general3A = arith.constant dense<0.000000e+00> : vector<10000x128xf32>
    %dot_general3A_20 = tpu.matmul %add3A_19, %convert_element_type3A_2, %dot_general3A {dimension_numbers = #tpu.dot_dimension_numbers<[1], [0], [0], [1], [0, 0, 1, 1], [], []>, transpose_lhs_hint = false} : vector<10000x16xf32>, vector<16x128xf32>, vector<10000x128xf32> -> vector<10000x128xf32>
    %add3A_21 = arith.constant 1.000000e-16 : f32
    %add3A_22 = vector.broadcast %add3A_21 : f32 to vector<10000x128xf32>
    %add3A_23 = arith.addf %dot_general3A_20, %add3A_22 : vector<10000x128xf32>
    %div3A = arith.divf %add3A, %add3A_23 : vector<10000x128xf32>
    %add3A_24 = vector.broadcast %get3A_12 : vector<1x128xf32> to vector<10000x128xf32>
    %add3A_25 = arith.addf %div3A, %add3A_24 : vector<10000x128xf32>
    %get3A_26 = arith.constant 0 : index
    %get3A_27 = arith.constant 0 : index
    %get3A_28 = vector.load %arg3[%get3A_26, %get3A_27] : memref<128x128xf32, #tpu.memory_space<vmem>>, vector<128x128xf32>
    %dot_general3A_29 = arith.constant dense<0.000000e+00> : vector<10000x128xf32>
    %dot_general3A_30 = tpu.matmul %add3A_25, %get3A_28, %dot_general3A_29 {dimension_numbers = #tpu.dot_dimension_numbers<[1], [0], [0], [1], [0, 0, 1, 1], [], []>, transpose_lhs_hint = false} : vector<10000x128xf32>, vector<128x128xf32>, vector<10000x128xf32> -> vector<10000x128xf32>
    %get3A_31 = arith.constant 0 : index
    %get3A_32 = arith.constant 0 : index
    %get3A_33 = vector.load %arg4[%get3A_31, %get3A_32] : memref<1x128xf32, #tpu.memory_space<vmem>>, vector<1x128xf32>
    %add3A_34 = vector.broadcast %get3A_33 : vector<1x128xf32> to vector<10000x128xf32>
    %add3A_35 = arith.addf %dot_general3A_30, %add3A_34 : vector<10000x128xf32>
    %max3A = arith.constant 0.000000e+00 : f32
    %max3A_36 = vector.broadcast %max3A : f32 to vector<10000x128xf32>
    %max3A_37 = arith.maximumf %add3A_35, %max3A_36 : vector<10000x128xf32>
    %get3A_38 = arith.constant 0 : index
    %get3A_39 = arith.constant 0 : index
    %get3A_40 = vector.load %arg5[%get3A_38, %get3A_39] : memref<1x128xf32, #tpu.memory_space<vmem>>, vector<1x128xf32>
    %get3A_41 = arith.constant 0 : index
    %get3A_42 = arith.constant 0 : index
    %get3A_43 = vector.load %arg6[%get3A_41, %get3A_42] : memref<1x128xf32, #tpu.memory_space<vmem>>, vector<1x128xf32>
    %reduce_sum3A = arith.constant dense<0.000000e+00> : vector<128xf32>
    %reduce_sum3A_44 = vector.multi_reduction <add>, %max3A_37, %reduce_sum3A [0] : vector<10000x128xf32> to vector<128xf32>
    %div3A_45 = arith.constant 1.000000e+04 : f32
    %div3A_46 = vector.broadcast %div3A_45 : f32 to vector<128xf32>
    %div3A_47 = arith.divf %reduce_sum3A_44, %div3A_46 : vector<128xf32>
    %broadcast_in_dim3A = vector.shape_cast %div3A_47 : vector<128xf32> to vector<1x128xf32>
    %sub3A = vector.broadcast %broadcast_in_dim3A : vector<1x128xf32> to vector<10000x128xf32>
    %sub3A_48 = arith.subf %max3A_37, %sub3A : vector<10000x128xf32>
    %integer_pow3A = arith.mulf %sub3A_48, %sub3A_48 : vector<10000x128xf32>
    %reduce_sum3A_49 = arith.constant dense<0.000000e+00> : vector<128xf32>
    %reduce_sum3A_50 = vector.multi_reduction <add>, %integer_pow3A, %reduce_sum3A_49 [0] : vector<10000x128xf32> to vector<128xf32>
    %div3A_51 = arith.constant 1.000000e+04 : f32
    %div3A_52 = vector.broadcast %div3A_51 : f32 to vector<128xf32>
    %div3A_53 = arith.divf %reduce_sum3A_50, %div3A_52 : vector<128xf32>
    %broadcast_in_dim3A_54 = vector.shape_cast %div3A_47 : vector<128xf32> to vector<1x128xf32>
    %sub3A_55 = vector.broadcast %broadcast_in_dim3A_54 : vector<1x128xf32> to vector<10000x128xf32>
    %sub3A_56 = arith.subf %max3A_37, %sub3A_55 : vector<10000x128xf32>
    %add3A_57 = arith.constant 9.99999974E-6 : f32
    %add3A_58 = vector.broadcast %add3A_57 : f32 to vector<128xf32>
    %add3A_59 = arith.addf %div3A_53, %add3A_58 : vector<128xf32>
    %sqrt3A = math.sqrt %add3A_59 : vector<128xf32>
    %broadcast_in_dim3A_60 = vector.shape_cast %sqrt3A : vector<128xf32> to vector<1x128xf32>
    %div3A_61 = vector.broadcast %broadcast_in_dim3A_60 : vector<1x128xf32> to vector<10000x128xf32>
    %div3A_62 = arith.divf %sub3A_56, %div3A_61 : vector<10000x128xf32>
    %mul3A = vector.broadcast %get3A_40 : vector<1x128xf32> to vector<10000x128xf32>
    %mul3A_63 = arith.mulf %div3A_62, %mul3A : vector<10000x128xf32>
    %add3A_64 = vector.broadcast %get3A_43 : vector<1x128xf32> to vector<10000x128xf32>
    %add3A_65 = arith.addf %mul3A_63, %add3A_64 : vector<10000x128xf32>
    %get3A_66 = arith.constant 0 : index
    %get3A_67 = arith.constant 0 : index
    %get3A_68 = vector.load %arg7[%get3A_66, %get3A_67] : memref<128x128xf32, #tpu.memory_space<vmem>>, vector<128x128xf32>
    %dot_general3A_69 = arith.constant dense<0.000000e+00> : vector<10000x128xf32>
    %dot_general3A_70 = tpu.matmul %add3A_65, %get3A_68, %dot_general3A_69 {dimension_numbers = #tpu.dot_dimension_numbers<[1], [0], [0], [1], [0, 0, 1, 1], [], []>, transpose_lhs_hint = false} : vector<10000x128xf32>, vector<128x128xf32>, vector<10000x128xf32> -> vector<10000x128xf32>
    %get3A_71 = arith.constant 0 : index
    %get3A_72 = arith.constant 0 : index
    %get3A_73 = vector.load %arg8[%get3A_71, %get3A_72] : memref<1x128xf32, #tpu.memory_space<vmem>>, vector<1x128xf32>
    %add3A_74 = vector.broadcast %get3A_73 : vector<1x128xf32> to vector<10000x128xf32>
    %add3A_75 = arith.addf %dot_general3A_70, %add3A_74 : vector<10000x128xf32>
    %max3A_76 = arith.constant 0.000000e+00 : f32
    %max3A_77 = vector.broadcast %max3A_76 : f32 to vector<10000x128xf32>
    %max3A_78 = arith.maximumf %add3A_75, %max3A_77 : vector<10000x128xf32>
    %swap3A = arith.constant 0 : index
    %swap3A_79 = arith.constant 0 : index
    %swap3A_80 = vector.load %arg9[%swap3A, %swap3A_79] : memref<10000x128xf32, #tpu.memory_space<vmem>>, vector<10000x128xf32>
    tpu.vector_store %arg9[%swap3A, %swap3A_79], %max3A_78 {strides = array<i32>} : memref<10000x128xf32, #tpu.memory_space<vmem>>, vector<10000x128xf32>,
    return
  }
}

</mosaic_0001>

<sc_bundles>
// kernel: kernel.10.cloned.1.call-start
scs
__scs_entry_jumppad:
0x0: {  	(pc) =	sbr.rel $0x88, $3  }
0x1: {  	(tag) =	ssettag $0x0;
	lr =	simm.s32 $0x1  }
0x2: {  	[smem:$0x3F8D] =	sst lr;
	_ =	strace $0xD0000000  }
0x3: {  	_ = 	snop  }
0x4: {  	_ = 	snop  }
0x5: {  	_ = 	snop  }
0x6: {  	_ = 	snop  }
0x7: {  	_ = 	snop  }
__scs_overlays_trampoline_lowered:
0x8: {  	[smem:$0x3F9C] =	sst s0  }
0x9: {  	[smem:$0x3F9D] =	sst s1  }
0xa: {  	[smem:$0x3F9E] =	sst s2  }
0xb: {  	[smem:$0x3F9F] =	sst s3  }
0xc: {  	[smem:$0x3FA0] =	sst s4  }
0xd: {  	[smem:$0x3FA1] =	sst s5  }
0xe: {  	[smem:$0x3FA2] =	sst s6  }
0xf: {  	[smem:$0x3FA3] =	sst s7  }
0x10: {  	[smem:$0x3FA4] =	sst s8  }
0x11: {  	[smem:$0x3FA5] =	sst s9;
	s0 =	simm.s32 @!p0 $0x0  }
0x12: {  	s1 =	sld [smem:$0x3F8B];
	s0 =	simm.s32 @p0 $0x1  }
0x13: {  	[smem:$0x3FA6] =	sst s0;
	s0 =	simm.s32 @!p1 $0x0  }
0x14: {  	s2 =	sld [smem:$0x3F8A];
	s0 =	simm.s32 @p1 $0x1  }
0x15: {  	[smem:$0x3FA7] =	sst s0;
	s0 =	simm.s32 @!p2 $0x0  }
0x16: {  	s3 =	sld [smem:$0x3FDB];
	s0 =	simm.s32 @p2 $0x1  }
0x17: {  	s4 =	simm.s32 $0x1BF5;
	[smem:$0x3FA9] =	sst s0  }
0x18: {  	s0 =	sld [smem:$0x3F8C];
	_ =	swait.ge [sflag:s4], $0x0  }
0x19: {  	s7 =	sld [smem:$0x3F8D]  }
0x1a: {  	s8 =	sadd.s32 $0xFFFFE003, lr  }
0x1b: {  	s9 =	sadd.s32 $0xFFFFFEF7, lr;
	s5 =	simm.s32 $0xFFFFFFFF;
	p2 =	slt.u32 s8, $0xFFFFF086  }
0x1c: {  	p1 =	slt.u32 s9, $0xF7A;
	s5 =	simm.s32 @!p2 $0x0  }
0x1d: {  	s5 =	simm.s32 @p1 $0x1;
	p0 =	seq.s32 s7, s2  }
0x1e: {  	s7 =	smul.u32 @!p0 $0xF7A, s2;
	p2 =	seq.s32 @!p0 s5, $0x0  }
0x1f: {  	s9 =	smul.u32 $0xF7A, s1;
	s8 =	simm.s32 @!p0 $0x1BF5;
	p2 =	por !p2, p0  }
0x20: {  	[sflag:s8] =	ssyncset.s32 @!p0 $0xFFFFF086;
	s6 =	sadd.s32 @!p0 s3, s7;
	s7 =	simm.s32 @!p0 $0x108  }
0x21: {  	s3 =	sadd.s32 s3, s9;
	s6 =	sadd.s32 @!p0 $0x88, s6;
	s7 =	simm.s32 @p2 $0x1082  }
0x22: {  	[simem:s7], [sflag:s8] =	dma.local @!p0 [hbm:s6], $0xF7A  }
0x23: {  	s9 =	sor.u32 $0xD0000000, s2;
	s6 =	simm.s32 $0x108;
	_ =	swait.ge @!p0 [sflag:s8], $0x0  }
0x24: {  	s3 =	sadd.s32 $0x88, s3;
	s6 =	simm.s32 @!p1 $0x1082;
	[sflag:s4] =	ssyncset.s32 $0xFFFFF086  }
0x25: {  	[simem:s6], [sflag:s4] =	dma.local [hbm:s3], $0xF7A  }
0x26: {  	[smem:$0x3F8D] =	sst s1;
	(tag) =	ssettag s2;
	_ =	strace s9  }
0x27: {  	s1 =	sld [smem:$0x3F9D]  }
0x28: {  	s2 =	sld [smem:$0x3F9E]  }
0x29: {  	s4 =	sld [smem:$0x3FA0]  }
0x2a: {  	p0 =	seq.s32 s5, $0x0;
	s5 =	sld [smem:$0x3FA1]  }
0x2b: {  	s6 =	sld [smem:$0x3FA2]  }
0x2c: {  	s7 =	sld [smem:$0x3FA3]  }
0x2d: {  	s3 =	simm.s32 $0x108;
	s8 =	sld [smem:$0x3FA4]  }
0x2e: {  	s3 =	simm.s32 @!p0 $0x1082;
	s9 =	sld [smem:$0x3FA5]  }
0x2f: {  	lr =	sadd.s32 s0, s3;
	s0 =	sld [smem:$0x3F9C]  }
0x30: {  	s3 =	sld [smem:$0x3F9F]  }
0x31: {  	[smem:$0x3FA8] =	sst s10  }
0x32: {  	s10 =	sld [smem:$0x3FA6];
	_ =	sdelay $0x3  }
0x33: {  	p0 =	seq.s32 s10, $0x1;
	s10 =	sld [smem:$0x3FA8];
	_ =	sdelay $0x3  }
0x34: {  	[smem:$0x3FA8] =	sst s10  }
0x35: {  	s10 =	sld [smem:$0x3FA7];
	_ =	sdelay $0x3  }
0x36: {  	p1 =	seq.s32 s10, $0x1;
	s10 =	sld [smem:$0x3FA8];
	_ =	sdelay $0x3  }
0x37: {  	[smem:$0x3FA8] =	sst s10  }
0x38: {  	s10 =	sld [smem:$0x3FA9]  }
0x39: {  	_ = 	snop;
	(pc) =	sbr.ind lr, $3  }
0x3a: {  	_ = 	snop  }
0x3b: {  	_ = 	snop  }
0x3c: {  	p2 =	seq.s32 s10, $0x1;
	s10 =	sld [smem:$0x3FA8]  }
0x3d: {  	_ =	shalt  }
0x3e: {  	_ =	shalt  }
0x3f: {  	_ =	shalt  }
0x40: {  	_ =	shalt  }
0x41: {  	_ =	shalt  }
0x42: {  	_ =	shalt  }
0x43: {  	_ =	shalt  }
0x44: {  	_ =	shalt  }
0x45: {  	_ =	shalt  }
0x46: {  	_ =	shalt  }
0x47: {  	_ =	shalt  }
0x48: {  	_ =	shalt  }
0x49: {  	_ =	shalt  }
0x4a: {  	_ =	shalt  }
0x4b: {  	_ =	shalt  }
0x4c: {  	_ =	shalt  }
0x4d: {  	_ =	shalt  }
0x4e: {  	_ =	shalt  }
0x4f: {  	_ =	shalt  }
0x50: {  	_ =	shalt  }
0x51: {  	_ =	shalt  }
0x52: {  	_ =	shalt  }
0x53: {  	_ =	shalt  }
0x54: {  	_ =	shalt  }
0x55: {  	_ =	shalt  }
0x56: {  	_ =	shalt  }
0x57: {  	_ =	shalt  }
0x58: {  	_ =	shalt  }
0x59: {  	_ =	shalt  }
0x5a: {  	_ =	shalt  }
0x5b: {  	_ =	shalt  }
0x5c: {  	_ =	shalt  }
0x5d: {  	_ =	shalt  }
0x5e: {  	_ =	shalt  }
0x5f: {  	_ =	shalt  }
0x60: {  	_ =	shalt  }
0x61: {  	_ =	shalt  }
0x62: {  	_ =	shalt  }
0x63: {  	_ =	shalt  }
0x64: {  	_ =	shalt  }
0x65: {  	_ =	shalt  }
0x66: {  	_ =	shalt  }
0x67: {  	_ =	shalt  }
0x68: {  	_ =	shalt  }
0x69: {  	_ =	shalt  }
0x6a: {  	_ =	shalt  }
0x6b: {  	_ =	shalt  }
0x6c: {  	_ =	shalt  }
0x6d: {  	_ =	shalt  }
0x6e: {  	_ =	shalt  }
0x6f: {  	_ =	shalt  }
0x70: {  	_ =	shalt  }
0x71: {  	_ =	shalt  }
0x72: {  	_ =	shalt  }
0x73: {  	_ =	shalt  }
0x74: {  	_ =	shalt  }
0x75: {  	_ =	shalt  }
0x76: {  	_ =	shalt  }
0x77: {  	_ =	shalt  }
0x78: {  	_ =	shalt  }
0x79: {  	_ =	shalt  }
0x7a: {  	_ =	shalt  }
0x7b: {  	_ =	shalt  }
0x7c: {  	_ =	shalt  }
0x7d: {  	_ =	shalt  }
0x7e: {  	_ =	shalt  }
0x7f: {  	_ =	shalt  }
0x80: {  	_ =	shalt  }
0x81: {  	_ =	shalt  }
0x82: {  	_ =	shalt  }
0x83: {  	_ =	shalt  }
0x84: {  	_ =	shalt  }
0x85: {  	_ =	shalt  }
0x86: {  	_ =	shalt  }
0x87: {  	_ =	shalt  }
.Lfunc_end0:
.L_simem_size_0:
called_computation.1_lowered:
.L_overlay_start_0:
0x88: {  	s2 =	sld [smem:$0x3FD9]  }
0x89: {  	s3 =	sld [smem:$0x3FFE];
	_ =	sdelay $0x1  }
0x8a: {  	s1 =	srdreg.scid  }
0x8b: {  	s0 =	sand.u32 $0x1, s1  }
0x8c: {  	s17 =	sshll.u32 s0, $0xA;
	s2 =	sadd.s32 s3, s2  }
0x8d: {  	s2 =	sadd.s32 s2, s17  }
0x8e: {  	[smem:$0x3FB4] =	sst s2  }
0x8f: {  	_ = 	snop  }
0x90: {  	s2 =	sld [smem:$0x3FD0];
	(tm) =	ssettm $0x1  }
0x91: {  	s18 =	sld [smem:$0x3FFB];
	_ =	sdelay $0x3  }
0x92: {  	_ =	strace s18  }
0x93: {  	s3 =	sld [smem:$0x3FFC];
	_ =	sdelay $0x3  }
0x94: {  	_ =	strace s3  }
0x95: {  	s3 =	sld [smem:$0x3FFD];
	_ =	sdelay $0x3  }
0x96: {  	_ =	strace s3  }
0x97: {  	_ =	strace $0x8FFFFFFF  }
0x98: {  	s19 =	sld [smem:$0x3FDB];
	_ =	sdelay $0x1  }
0x99: {  	s4 =	simm.s32 $_scs_section_size  }
0x9a: {  	s5 =	simm.s32 $_size__tile_overlayer_lowered;
	s6 =	simm.s32 $_tile_overlayer_lowered  }
0x9b: {  	s22 =	simm.s32 $0x1BFF;
	s21 =	sshll.u32 s6, $0x1;
	s3 =	sadd.s32 s4, s19  }
0x9c: {  	s7 =	simm.s32 $0x0;
	s20 =	sshll.u32 s5, $0x1;
	s5 =	sadd.s32 s21, s3  }
0x9d: {  	[timem:s7], [sflag:s22] =	dma.local [hbm:s5], s20  }
0x9e: {  	_ =	swait.ge [sflag:s22], s20  }
0x9f: {  	s4 =	ssub.s32 $0x0, s20;
	[sflag:s22] =	ssyncset.done $0x0  }
0xa0: {  	[sflag:s22] =	ssyncadd.s32 s4;
	_ =	sdelay $0x1  }
0xa1: {  	s23 =	simm.s32 $0x1B8B  }
0xa2: {  	_ =	swait.ge [sflag:s23], $0x1  }
0xa3: {  	[sflag:s23] =	ssyncset.done $0x0  }
0xa4: {  	s25 =	simm.s32 $0x1B8E;
	s24 =	sld [smem:$0x3FFE];
	[sflag:s23] =	ssyncadd.s32 $0xFFFFFFFF  }
0xa5: {  	s26 =	simm.s32 $execute0_lowered;
	[smem:$0x3FD2] =	sst s25  }
0xa6: {  	s5 =	sshll.u32 s26, $0x1;
	_ =	strace $0x80000049;
	[dreg:$0x1] =	wrdreg $0xFFFFFFFF  }
0xa7: {  	s28 =	simm.s32 $_size_execute0_lowered;
	s3 =	sadd.s32 s3, s5;
	[dreg:$0x0] =	wrdreg $0x0  }
0xa8: {  	s5 =	sshll.u32 s28, $0x1;
	[dreg:$0x2] =	wrdreg s3  }
0xa9: {  	[dreg:$0x3] =	wrdreg s5  }
0xaa: {  	[dreg:$0x4] =	wrdreg $0xC0  }
0xab: {  	_ =	task [dreg:s7], $0x5FFFF  }
0xac: {  	[dreg:$0x1] =	wrdreg $0xFFFFFFFF  }
0xad: {  	[dreg:$0x0] =	wrdreg $0x60  }
0xae: {  	[dreg:$0x2] =	wrdreg s2  }
0xaf: {  	[dreg:$0x3] =	wrdreg s24  }
0xb0: {  	[dreg:$0x4] =	wrdreg $0x2C800  }
0xb1: {  	[dreg:$0x5] =	wrdreg $0x16C800  }
0xb2: {  	[dreg:$0x6] =	wrdreg $0x9  }
0xb3: {  	_ =	task.clear_ibuf [dreg:s7], $0x7FFFF;
	_ =	strace $0x90000049  }
0xb4: {  	s29 =	simm.s32 $0x9;
	_ =	strace $0x8000004B  }
0xb5: {  	_ =	swait.ge [sflag:s29], $0x1  }
0xb6: {  	[sflag:s29] =	ssyncadd.s32 $0xFFFFFFFF  }
0xb7: {  	_ =	strace $0x9000004B  }
0xb8: {  	_ =	sfence  }
0xb9: {  	s30 =	sld [smem:$0x0];
	_ =	sdelay $0x2  }
0xba: {  	s31 =	sshll.u32 s1, $0xD;
	s1 =	sshrl.u32 s1, $0x2  }
0xbb: {  	s3 =	sand.u32 $0x4000, s31;
	s1 =	sadd.s32 s1, s30  }
0xbc: {  	s0 =	sor.u32 s3, s0;
	s1 =	sshll.u32 s1, $0x11  }
0xbd: {  	s0 =	sor.u32 s1, s0  }
0xbe: {  	s0 =	sadd.s32 $0x8F2B, s0  }
0xbf: {  	[sflag:s0] =	ssyncadd.remote.s32 $0x1  }
0xc0: {  	_ =	sfence.sel $0xFFFF  }
0xc1: {  	[dreg:$0x0] =	wrdreg $0xFFFFFFFF;
	(pc) =	sbr.abs _section_cstart, $3  }
0xc2: {  	[dreg:$0x1] =	wrdreg $0xFFFFFFFF  }
0xc3: {  	_ =	task.clear_ibuf [dreg:s7], $0x2FFFF;
	_ =	strace $0x9FFFFFFF  }
0xc4: {  	(tm) =	ssettm $0x7FFFFFFF  }
0xc5: {  	_ =	shalt  }
tec
execute0_lowered:
.L_overlay_start_1:
0x0: {  	(tag) =	ssettag $0x1  }
0x1: {  	s1 =	rddreg [dreg:$0x0]  }
0x2: {  	s0 =	rddreg [dreg:$0x1]  }
0x3: {  	s3 =	rddreg [dreg:$0x2];
	s2 =	srdreg.scid  }
0x4: {  	s17 =	stileid.u32;
	s4 =	rddreg [dreg:$0x3];
	s5 =	simm.s32 $0x0  }
0x5: {  	s2 =	sand.u32 $0x1, s2;
	s10 =	smul.u32 $0x14000, s17;
	[smem:$0x7FF] =	sst s5  }
0x6: {  	s11 =	smul.u32 $0x2800, s17;
	s6 =	sadd.s32 $0x3400, s0;
	s7 =	sadd.s32 $0x8400, s0  }
0x7: {  	s8 =	sadd.s32 $0x17600, s0;
	s16 =	sshll.u32 s17, $0x1;
	s17 =	smul.u32 $0x280, s17  }
0x8: {  	s9 =	smul.u32 $0x140000, s2;
	_ =	strace $0x8000004A;
	s14 =	ssub.s32 $0x2, s2  }
0x9: {  	s12 =	smul.u32 $0x28000, s2;
	s2 =	sor.u32 s2, s16;
	s15 =	sshrl.u32 s14, $0x1  }
0xa: {  	s23 =	sor.u32 $0x40, s17;
	s25 =	sadd.s32 $0x80, s17;
	s16 =	sadd.s32 $0xC0, s17  }
0xb: {  	s20 =	sadd.s32 $0x100, s17;
	s22 =	sadd.s32 $0x140, s17;
	s31 =	smul.u32 $0x2880, s2  }
0xc: {  	s13 =	sadd.s32 s10, s9;
	s9 =	sadd.s32 $0xD400, s0;
	s12 =	sadd.s32 s11, s12  }
0xd: {  	s10 =	sadd.s32 s10, s3;
	s11 =	sadd.s32 s11, s4;
	s24 =	sshll.u32 s23, $0x7  }
0xe: {  	s26 =	sshll.u32 s25, $0x7;
	s18 =	sshll.u32 s16, $0x7;
	s13 =	sshrl.u32 s13, $0x3  }
0xf: {  	s21 =	sshll.u32 s20, $0x7;
	s12 =	sshrl.u32 s12, $0x3;
	s13 =	sadd.s32 s13, s0  }
0x10: {  	s0 =	sadd.s32 s12, s0;
	s12 =	ssub.s32 s14, s15;
	s14 =	sshll.u32 s23, $0x4  }
0x11: {  	s15 =	sadd.s32 s24, s3;
	s23 =	sshll.u32 s22, $0x7;
	s24 =	sshll.u32 s22, $0x4  }
0x12: {  	[dreg:$0x5] =	wrdreg s15;
	s14 =	sadd.s32 s14, s4;
	s15 =	sshll.u32 s25, $0x4  }
0x13: {  	s25 =	sadd.s32 $0x180, s17;
	s2 =	sadd.s32 $0x2B800, s13;
	s0 =	sadd.s32 $0x21800, s0  }
0x14: {  	s12 =	smax.u32 s12, $0x1;
	[dreg:$0x6] =	wrdreg s14;
	s14 =	sadd.s32 s26, s3  }
0x15: {  	s13 =	simm.s32 $0xC80;
	[dreg:$0x7] =	wrdreg s14;
	s14 =	sadd.s32 s15, s4  }
0x16: {  	s15 =	sshll.u32 s16, $0x4;
	[dreg:$0x8] =	wrdreg s14;
	s14 =	sadd.s32 s18, s3  }
0x17: {  	s26 =	sshll.u32 s25, $0x7;
	s19 =	sadd.s32 s15, s4;
	[dreg:$0x9] =	wrdreg s14  }
0x18: {  	s15 =	sadd.s32 s21, s3;
	s18 =	sadd.s32 $0x1C0, s17;
	[dreg:$0xa] =	wrdreg s19  }
0x19: {  	s14 =	sshll.u32 s20, $0x4;
	[dreg:$0xb] =	wrdreg s15;
	s15 =	sshll.u32 s25, $0x4  }
0x1a: {  	s19 =	sshll.u32 s18, $0x7;
	s20 =	sadd.s32 $0x200, s17;
	s14 =	sadd.s32 s14, s4  }
0x1b: {  	s16 =	sadd.s32 s15, s4;
	s15 =	sadd.s32 s19, s3;
	[dreg:$0xc] =	wrdreg s14  }
0x1c: {  	s21 =	sshll.u32 s20, $0x7;
	s22 =	sshll.u32 s20, $0x4;
	[dreg:$0x10] =	wrdreg s16  }
0x1d: {  	s14 =	sadd.s32 s23, s3;
	[dreg:$0x11] =	wrdreg s15;
	s23 =	sadd.s32 $0x240, s17  }
0x1e: {  	s28 =	sadd.s32 s22, s4;
	s16 =	simm.s32 $0x40;
	s17 =	simm.s32 $0x80  }
0x1f: {  	[dreg:$0xd] =	wrdreg s14;
	s14 =	sadd.s32 s24, s4;
	s24 =	sshll.u32 s23, $0x7  }
0x20: {  	s15 =	sshll.u32 s23, $0x4;
	[dreg:$0xe] =	wrdreg s14;
	s14 =	sadd.s32 s26, s3  }
0x21: {  	s26 =	sadd.s32 s21, s3;
	s29 =	sadd.s32 s24, s3;
	s30 =	sadd.s32 s15, s4  }
0x22: {  	s15 =	simm.s32 $0x880;
	[dreg:$0xf] =	wrdreg s14;
	s14 =	sshll.u32 s18, $0x4  }
0x23: {  	v0 =	vimm.f32 $0.0e+00;
	s18 =	simm.s32 $0x480;
	s25 =	sadd.s32 s14, s4;
	s14 =	simm.s32 $0x1  }
.LBB2_1:
0x24: {  	s19 =	simm.s32 $0xCC0  }
0x25: {  	[tilespmem:s19+$0xFFFFFFD0] =	vst v0  }
0x26: {  	[tilespmem:s19+$0xFFFFFFE0] =	vst v0  }
0x27: {  	[tilespmem:s19+$0xFFFFFFF0] =	vst v0  }
0x28: {  	[tilespmem:s19+$0x0] =	vst v0  }
0x29: {  	[tilespmem:s19+$0x10] =	vst v0  }
0x2a: {  	[tilespmem:s19+$0x20] =	vst v0  }
0x2b: {  	[tilespmem:s19+$0x30] =	vst v0  }
0x2c: {  	s21 =	simm.s32 $0x0;
	s20 =	simm.s32 $0x40;
	[tilespmem:s19+$0xFFFFFFC0] =	vst v0  }
.LBB2_2:
0x2d: {  	p0 =	sne.s32 s20, $0xFC0;
	[tilespmem:s21+$0x880] =	vst v0;
	s19 =	sadd.s32 $0x80, s19  }
0x2e: {  	[tilespmem:s19+$0xFFFFFFD0] =	vst v0  }
0x2f: {  	[tilespmem:s19+$0xFFFFFFE0] =	vst v0  }
0x30: {  	[tilespmem:s19+$0xFFFFFFF0] =	vst v0  }
.Ltmp0:
0x31: {  	[tilespmem:s19+$0x0] =	vst v0;
	(pc) =	sbr.rel @p0 .LBB2_2-.Ltmp0, $4  }
0x32: {  	[tilespmem:s19+$0x10] =	vst v0  }
0x33: {  	[tilespmem:s19+$0x20] =	vst v0  }
0x34: {  	[tilespmem:s19+$0x30] =	vst v0  }
0x35: {  	s21 =	sshra.s32 s20, $0x2;
	s20 =	sadd.s32 $0x40, s20;
	[tilespmem:s19+$0xFFFFFFC0] =	vst v0  }
0x36: {  	[tilespmem:s21+$0x880] =	vst v0  }
0x37: {  	[spmem:s10] =	stream.linear.scatter [tilespmem:s13], [sflag:$0x1], $0x2000, $0x38;
	[tilespmem:$0x19480] =	vst v63  }
0x38: {  	_ =	swait.ge [sflag:s14], $0x2000  }
0x39: {  	[sflag:s14] =	ssyncset.done $0x0  }
0x3a: {  	[sflag:s14] =	ssyncadd.s32 $0xFFFFE000  }
0x3b: {  	[spmem:s11] =	stream.linear.scatter [tilespmem:s15], [sflag:$0x1], $0x400, $0x38;
	[tilespmem:$0x19480] =	vst v63  }
0x3c: {  	_ =	swait.ge [sflag:s14], $0x400  }
0x3d: {  	[sflag:s14] =	ssyncset.done $0x0  }
0x3e: {  	s19 =	rddreg [dreg:$0x5];
	[sflag:s14] =	ssyncadd.s32 $0xFFFFFC00  }
0x3f: {  	[spmem:s19] =	stream.linear.scatter [tilespmem:s13], [sflag:$0x1], $0x2000, $0x38;
	[tilespmem:$0x19480] =	vst v63  }
0x40: {  	_ =	swait.ge [sflag:s14], $0x2000  }
0x41: {  	[sflag:s14] =	ssyncset.done $0x0  }
0x42: {  	s23 =	rddreg [dreg:$0x6];
	[sflag:s14] =	ssyncadd.s32 $0xFFFFE000  }
0x43: {  	[spmem:s23] =	stream.linear.scatter [tilespmem:s15], [sflag:$0x1], $0x400, $0x38;
	[tilespmem:$0x19480] =	vst v63  }
0x44: {  	_ =	swait.ge [sflag:s14], $0x400  }
0x45: {  	[sflag:s14] =	ssyncset.done $0x0  }
0x46: {  	s24 =	rddreg [dreg:$0x7];
	[sflag:s14] =	ssyncadd.s32 $0xFFFFFC00  }
0x47: {  	[spmem:s24] =	stream.linear.scatter [tilespmem:s13], [sflag:$0x1], $0x2000, $0x38;
	[tilespmem:$0x19480] =	vst v63  }
0x48: {  	_ =	swait.ge [sflag:s14], $0x2000  }
0x49: {  	[sflag:s14] =	ssyncset.done $0x0  }
0x4a: {  	s20 =	rddreg [dreg:$0x8];
	[sflag:s14] =	ssyncadd.s32 $0xFFFFE000  }
0x4b: {  	[spmem:s20] =	stream.linear.scatter [tilespmem:s15], [sflag:$0x1], $0x400, $0x38;
	[tilespmem:$0x19480] =	vst v63  }
0x4c: {  	_ =	swait.ge [sflag:s14], $0x400  }
0x4d: {  	[sflag:s14] =	ssyncset.done $0x0  }
0x4e: {  	s21 =	rddreg [dreg:$0x9];
	[sflag:s14] =	ssyncadd.s32 $0xFFFFFC00  }
0x4f: {  	[spmem:s21] =	stream.linear.scatter [tilespmem:s13], [sflag:$0x1], $0x2000, $0x38;
	[tilespmem:$0x19480] =	vst v63  }
0x50: {  	_ =	swait.ge [sflag:s14], $0x2000  }
0x51: {  	[sflag:s14] =	ssyncset.done $0x0  }
0x52: {  	s22 =	rddreg [dreg:$0xa];
	[sflag:s14] =	ssyncadd.s32 $0xFFFFE000  }
0x53: {  	[spmem:s22] =	stream.linear.scatter [tilespmem:s15], [sflag:$0x1], $0x400, $0x38;
	[tilespmem:$0x19480] =	vst v63  }
0x54: {  	_ =	swait.ge [sflag:s14], $0x400  }
0x55: {  	[sflag:s14] =	ssyncset.done $0x0  }
0x56: {  	s23 =	rddreg [dreg:$0xb];
	[sflag:s14] =	ssyncadd.s32 $0xFFFFFC00  }
0x57: {  	[spmem:s23] =	stream.linear.scatter [tilespmem:s13], [sflag:$0x1], $0x2000, $0x38;
	[tilespmem:$0x19480] =	vst v63  }
0x58: {  	_ =	swait.ge [sflag:s14], $0x2000  }
0x59: {  	[sflag:s14] =	ssyncset.done $0x0  }
0x5a: {  	s24 =	rddreg [dreg:$0xc];
	[sflag:s14] =	ssyncadd.s32 $0xFFFFE000  }
0x5b: {  	[spmem:s24] =	stream.linear.scatter [tilespmem:s15], [sflag:$0x1], $0x400, $0x38;
	[tilespmem:$0x19480] =	vst v63  }
0x5c: {  	_ =	swait.ge [sflag:s14], $0x400  }
0x5d: {  	[sflag:s14] =	ssyncset.done $0x0  }
0x5e: {  	s20 =	rddreg [dreg:$0xd];
	[sflag:s14] =	ssyncadd.s32 $0xFFFFFC00  }
0x5f: {  	[spmem:s20] =	stream.linear.scatter [tilespmem:s13], [sflag:$0x1], $0x2000, $0x38;
	[tilespmem:$0x19480] =	vst v63  }
0x60: {  	_ =	swait.ge [sflag:s14], $0x2000  }
0x61: {  	[sflag:s14] =	ssyncset.done $0x0  }
0x62: {  	s21 =	rddreg [dreg:$0xe];
	[sflag:s14] =	ssyncadd.s32 $0xFFFFE000  }
0x63: {  	[spmem:s21] =	stream.linear.scatter [tilespmem:s15], [sflag:$0x1], $0x400, $0x38;
	[tilespmem:$0x19480] =	vst v63  }
0x64: {  	_ =	swait.ge [sflag:s14], $0x400  }
0x65: {  	[sflag:s14] =	ssyncset.done $0x0  }
0x66: {  	s22 =	rddreg [dreg:$0xf];
	[sflag:s14] =	ssyncadd.s32 $0xFFFFFC00  }
0x67: {  	[spmem:s22] =	stream.linear.scatter [tilespmem:s13], [sflag:$0x1], $0x2000, $0x38;
	[tilespmem:$0x19480] =	vst v63  }
0x68: {  	_ =	swait.ge [sflag:s14], $0x2000  }
0x69: {  	[sflag:s14] =	ssyncset.done $0x0  }
0x6a: {  	s23 =	rddreg [dreg:$0x10];
	[sflag:s14] =	ssyncadd.s32 $0xFFFFE000  }
0x6b: {  	[spmem:s23] =	stream.linear.scatter [tilespmem:s15], [sflag:$0x1], $0x400, $0x38;
	[tilespmem:$0x19480] =	vst v63  }
0x6c: {  	_ =	swait.ge [sflag:s14], $0x400  }
0x6d: {  	[sflag:s14] =	ssyncset.done $0x0  }
0x6e: {  	s24 =	rddreg [dreg:$0x11];
	[sflag:s14] =	ssyncadd.s32 $0xFFFFFC00  }
0x6f: {  	[spmem:s24] =	stream.linear.scatter [tilespmem:s13], [sflag:$0x1], $0x2000, $0x38;
	[tilespmem:$0x19480] =	vst v63  }
0x70: {  	_ =	swait.ge [sflag:s14], $0x2000  }
0x71: {  	[sflag:s14] =	ssyncset.done $0x0  }
0x72: {  	[sflag:s14] =	ssyncadd.s32 $0xFFFFE000  }
0x73: {  	[spmem:s25] =	stream.linear.scatter [tilespmem:s15], [sflag:$0x1], $0x400, $0x38;
	[tilespmem:$0x19480] =	vst v63  }
0x74: {  	_ =	swait.ge [sflag:s14], $0x400  }
0x75: {  	[sflag:s14] =	ssyncset.done $0x0  }
0x76: {  	[sflag:s14] =	ssyncadd.s32 $0xFFFFFC00  }
0x77: {  	[spmem:s26] =	stream.linear.scatter [tilespmem:s13], [sflag:$0x1], $0x2000, $0x38;
	[tilespmem:$0x19480] =	vst v63  }
0x78: {  	_ =	swait.ge [sflag:s14], $0x2000  }
0x79: {  	[sflag:s14] =	ssyncset.done $0x0  }
0x7a: {  	[sflag:s14] =	ssyncadd.s32 $0xFFFFE000  }
0x7b: {  	[spmem:s28] =	stream.linear.scatter [tilespmem:s15], [sflag:$0x1], $0x400, $0x38;
	[tilespmem:$0x19480] =	vst v63  }
0x7c: {  	_ =	swait.ge [sflag:s14], $0x400  }
0x7d: {  	[sflag:s14] =	ssyncset.done $0x0  }
0x7e: {  	[sflag:s14] =	ssyncadd.s32 $0xFFFFFC00  }
0x7f: {  	[spmem:s29] =	stream.linear.scatter [tilespmem:s13], [sflag:$0x1], $0x2000, $0x38;
	[tilespmem:$0x19480] =	vst v63  }
0x80: {  	_ =	swait.ge [sflag:s14], $0x2000  }
0x81: {  	[sflag:s14] =	ssyncset.done $0x0  }
0x82: {  	[sflag:s14] =	ssyncadd.s32 $0xFFFFE000  }
0x83: {  	[spmem:s30] =	stream.linear.scatter [tilespmem:s15], [sflag:$0x1], $0x400, $0x38;
	[tilespmem:$0x19480] =	vst v63  }
0x84: {  	_ =	swait.ge [sflag:s14], $0x400  }
0x85: {  	[sflag:s14] =	ssyncset.done $0x0  }
0x86: {  	[sflag:s14] =	ssyncadd.s32 $0xFFFFFC00  }
0x87: {  	s19 =	simm.s32 $0x0;
	s20 =	simm.s32 $0x0;
	[bflag:$0x0] =	sbarrier.arrive $0xFFFF  }
.LBB2_4:
0x88: {  	s21 =	sshll.u32 s20, $0x6  }
0x89: {  	s21 =	sadd.s32 s31, s21  }
0x8a: {  	s21 =	sshrl.u32 s21, $0x3  }
0x8b: {  	s22 =	sadd.s32 s8, s21  }
0x8c: {  	[tilespmem:s19], [sflag:$0x1] =	stream.linear.gather [hbm4b:s22+s19], $0x40, $0x38;
	[tilespmem:$0x19480] =	vst v63  }
0x8d: {  	_ =	swait.ge [sflag:s14], $0x40  }
0x8e: {  	[sflag:s14] =	ssyncset.done $0x0  }
0x8f: {  	s21 =	sadd.s32 s9, s21;
	[sflag:s14] =	ssyncadd.s32 $0xFFFFFFC0  }
0x90: {  	[tilespmem:s16], [sflag:$0x1] =	stream.linear.gather [hbm4b:s21+s19], $0x40, $0x38;
	[tilespmem:$0x19480] =	vst v63  }
0x91: {  	_ =	swait.ge [sflag:s14], $0x40  }
0x92: {  	[sflag:s14] =	ssyncset.done $0x0  }
0x93: {  	[sflag:s14] =	ssyncadd.s32 $0xFFFFFFC0  }
0x94: {  	[tilespmem:s17], [sflag:$0x1] =	stream.indirect.gather [hbm4b:s6+s16], $0x10, s19, s16, $0xb8;
	[tilespmem:$0x19480] =	vst v63  }
0x95: {  	_ =	swait.ge [sflag:s14], $0x400  }
0x96: {  	[sflag:s14] =	ssyncset.done $0x0  }
0x97: {  	[sflag:s14] =	ssyncadd.s32 $0xFFFFFC00  }
0x98: {  	[tilespmem:s18], [sflag:$0x1] =	stream.indirect.gather [hbm4b:s7+s16], $0x10, s16, s16, $0xb8;
	[tilespmem:$0x19480] =	vst v63  }
0x99: {  	_ =	swait.ge [sflag:s14], $0x400  }
0x9a: {  	[sflag:s14] =	ssyncset.done $0x0  }
0x9b: {  	[sflag:s14] =	ssyncadd.s32 $0xFFFFFC00  }
0x9c: {  	[tilespmem:s13], [sflag:$0x1] =	stream.indirect.gather [hbm4b:s1+s16], $0x80, s19, s16, $0xb8;
	[tilespmem:$0x19480] =	vst v63  }
0x9d: {  	_ =	swait.ge [sflag:s14], $0x2000  }
0x9e: {  	[sflag:s14] =	ssyncset.done $0x0  }
0x9f: {  	s24 =	simm.s32 $0x0;
	[sflag:s14] =	ssyncadd.s32 $0xFFFFE000  }
0xa0: {  	v1 =	vld [tilespmem:s24+$0x80]  }
0xa1: {  	v2 =	vld [tilespmem:s24+$0x480];
	_ =	sdelay $0x4  }
0xa2: {  	v1 =	vadd.f32 v2, v1;
	_ =	sdelay $0x1  }
0xa3: {  	v2 =	vmul.f32 $2.000000030e-01, v1;
	_ =	sdelay $0x1  }
0xa4: {  	v1 =	vmax.f32 v1, v2  }
0xa5: {  	v1 =	vmul.f32 $1.442695020e+00, v1;
	_ =	sdelay $0x1  }
0xa6: {  	(erf) = vpow2.f32 v1;
	_ =	sdelay $0x8  }
0xa7: {  	v1 =	vpop (erf)  }
0xa8: {  	s21 =	simm.s32 $0xCC0;
	[tilespmem:s24+$0x880] =	vst v1  }
0xa9: {  	v7 =	vld [tilespmem:s21+$0x30]  }
0xaa: {  	v6 =	vld [tilespmem:s21+$0xFFFFFFE0]  }
0xab: {  	v5 =	vld [tilespmem:s21+$0x10]  }
0xac: {  	v1 =	vbroadcast v1, $0x0;
	v3 =	vld [tilespmem:s21+$0x20]  }
0xad: {  	v4 =	vld [tilespmem:s21+$0xFFFFFFD0]  }
0xae: {  	s23 =	simm.s32 $0xCC0;
	s22 =	simm.s32 $0x40;
	v2 =	vld [tilespmem:s21+$0x0];
	v7 =	vmul.f32 v7, v1  }
.LBB2_5:
0xaf: {  	p0 =	sne.s32 s22, $0xFC0  }
0xb0: {  	v6 =	vmul.f32 v1, v6;
	v8 =	vld [tilespmem:s21+$0xFFFFFFF0];
	s23 =	sadd.s32 $0x80, s23;
	s24 =	smov.u32 s22;
	s22 =	sadd.s32 $0x40, s22  }
0xb1: {  	v9 =	vld [tilespmem:s21+$0xFFFFFFC0];
	v5 =	vmul.f32 v5, v1;
	[tilespmem:s21+$0x30] =	vst v7  }
0xb2: {  	[tilespmem:s21+$0xFFFFFFE0] =	vst v6;
	v3 =	vmul.f32 v3, v1  }
0xb3: {  	v4 =	vmul.f32 v1, v4;
	[tilespmem:s21+$0x10] =	vst v5  }
0xb4: {  	v2 =	vmul.f32 v2, v1;
	[tilespmem:s21+$0x20] =	vst v3  }
0xb5: {  	[tilespmem:s21+$0xFFFFFFD0] =	vst v4;
	v3 =	vmul.f32 v8, v1  }
0xb6: {  	v1 =	vmul.f32 v1, v9;
	[tilespmem:s21+$0x0] =	vst v2  }
0xb7: {  	[tilespmem:s21+$0xFFFFFFF0] =	vst v3  }
0xb8: {  	s24 =	sshra.s32 s24, $0x2;
	[tilespmem:s21+$0xFFFFFFC0] =	vst v1;
	s21 =	smov.u32 s23  }
0xb9: {  	v1 =	vld [tilespmem:s24+$0x80]  }
0xba: {  	v2 =	vld [tilespmem:s24+$0x480];
	_ =	sdelay $0x4  }
0xbb: {  	v1 =	vadd.f32 v2, v1;
	_ =	sdelay $0x1  }
0xbc: {  	v2 =	vmul.f32 $2.000000030e-01, v1;
	_ =	sdelay $0x1  }
0xbd: {  	v1 =	vmax.f32 v1, v2  }
0xbe: {  	v1 =	vmul.f32 $1.442695020e+00, v1;
	_ =	sdelay $0x1  }
0xbf: {  	(erf) = vpow2.f32 v1;
	_ =	sdelay $0x8  }
0xc0: {  	v1 =	vpop (erf)  }
0xc1: {  	[tilespmem:s24+$0x880] =	vst v1  }
0xc2: {  	v7 =	vld [tilespmem:s23+$0x30]  }
.Ltmp1:
0xc3: {  	v6 =	vld [tilespmem:s23+$0xFFFFFFE0];
	(pc) =	sbr.rel @p0 .LBB2_5-.Ltmp1, $4  }
0xc4: {  	v5 =	vld [tilespmem:s23+$0x10]  }
0xc5: {  	v1 =	vbroadcast v1, $0x0;
	v3 =	vld [tilespmem:s23+$0x20]  }
0xc6: {  	v4 =	vld [tilespmem:s23+$0xFFFFFFD0]  }
0xc7: {  	v2 =	vld [tilespmem:s23+$0x0];
	v7 =	vmul.f32 v7, v1  }
0xc8: {  	v6 =	vmul.f32 v1, v6;
	v8 =	vld [tilespmem:s21+$0xFFFFFFF0]  }
0xc9: {  	v9 =	vld [tilespmem:s21+$0xFFFFFFC0];
	v5 =	vmul.f32 v5, v1;
	[tilespmem:s21+$0x30] =	vst v7  }
0xca: {  	[tilespmem:s21+$0xFFFFFFE0] =	vst v6;
	v3 =	vmul.f32 v3, v1  }
0xcb: {  	v4 =	vmul.f32 v1, v4;
	[tilespmem:s21+$0x10] =	vst v5  }
0xcc: {  	v2 =	vmul.f32 v2, v1;
	[tilespmem:s21+$0x20] =	vst v3  }
0xcd: {  	[tilespmem:s21+$0xFFFFFFD0] =	vst v4;
	v3 =	vmul.f32 v8, v1  }
0xce: {  	v1 =	vmul.f32 v1, v9;
	[tilespmem:s21+$0x0] =	vst v2  }
0xcf: {  	[tilespmem:s21+$0xFFFFFFF0] =	vst v3  }
0xd0: {  	[tilespmem:s21+$0xFFFFFFC0] =	vst v1  }
0xd1: {  	[spmem:s4] =	stream.indirect.scatter.add.f32 [tilespmem:s15], [sflag:$0x1], $0x10, s16, s16, $0xb8;
	[tilespmem:$0x19480] =	vst v63  }
0xd2: {  	s20 =	sadd.s32 $0x1, s20;
	_ =	swait.ge [sflag:s14], $0x400  }
0xd3: {  	p0 =	sne.s32 s20, $0xA2;
	[sflag:s14] =	ssyncset.done $0x0  }
.Ltmp2:
0xd4: {  	[sflag:s14] =	ssyncadd.s32 $0xFFFFFC00;
	(pc) =	sbr.rel @p0 .LBB2_4-.Ltmp2, $4  }
0xd5: {  	[spmem:s3] =	stream.indirect.scatter.add.f32 [tilespmem:s13], [sflag:$0x1], $0x80, s16, s16, $0xb8;
	[tilespmem:$0x19480] =	vst v63  }
0xd6: {  	_ =	swait.ge [sflag:s14], $0x2000  }
0xd7: {  	[sflag:s14] =	ssyncset.done $0x0  }
0xd8: {  	[sflag:s14] =	ssyncadd.s32 $0xFFFFE000  }
0xd9: {  	s19 =	stileid.u32  }
0xda: {  	s19 =	sshll.u32 s19, $0x6  }
0xdb: {  	[bflag:$0x0] =	sbarrier.arrive $0xFFFF;
	s20 =	sshrl.u32 s10, $0x3;
	s19 =	sor.u32 $0x1C01, s19  }
0xdc: {  	[hbm:s2], [sflag:s19] =	dma.local [spmem:s20], $0x2800  }
0xdd: {  	s5 =	sadd.s32 $0x1, s5;
	_ =	swait.ge [sflag:s14], $0x2800  }
0xde: {  	p0 =	sne.s32 s5, s12;
	[sflag:s14] =	ssyncset.done $0x0  }
.Ltmp3:
0xdf: {  	s24 =	sshrl.u32 s11, $0x3;
	[sflag:s14] =	ssyncadd.s32 $0xFFFFD800;
	(pc) =	sbr.rel @p0 .LBB2_1-.Ltmp3, $4  }
0xe0: {  	[hbm:s0], [sflag:s19] =	dma.local [spmem:s24], $0x500  }
0xe1: {  	_ =	swait.ge [sflag:s14], $0x500  }
0xe2: {  	[sflag:s14] =	ssyncset.done $0x0  }
0xe3: {  	[sflag:s14] =	ssyncadd.s32 $0xFFFFFB00  }
0xe4: {  	_ =	sfence.sel $0x180000  }
0xe5: {  	[bflag:$0x0] =	sbarrier.arrive $0xFFFF  }
0xe6: {  	_ =	strace $0x9000004A  }
0xe7: {  	s0 =	stileid.u32;
	[bflag:$0x2] =	sbarrier.arrive $0xFFFF  }
0xe8: {  	p0 =	sne.s32 s0, $0x0;
	s0 =	rddreg [dreg:$0x4]  }
0xe9: {  	s0 =	sadd.s32 @!p0 $0x100000, s0  }
0xea: {  	[sflag:s0] =	ssyncadd.tile.s32 @!p0 $0x1;
	_ =	shalt  }
.Lfunc_end2:
_tile_overlayer_lowered:
.L_overlay_start_2:
0xeb: {  	(tag) =	ssettag $0x2  }
0xec: {  	s0 =	rddreg [dreg:$0x0];
	s2 =	stileid.u32  }
0xed: {  	s1 =	rddreg [dreg:$0x1];
	p0 =	sne.s32 s2, $0x0  }
0xee: {  	s3 =	rddreg [dreg:$0x2];
	[bflag:$0x3] =	sbarrier.arrive $0xFFFF;
	s2 =	simm.s32 @!p0 $0x1C01  }
0xef: {  	[timem:s3], [sflag:s2] =	dma.local @!p0 [hbm:s0], s1  }
0xf0: {  	s0 =	simm.s32 @!p0 $0x1  }
0xf1: {  	_ =	swait.ge @!p0 [sflag:s0], s1  }
0xf2: {  	s1 =	ssub.s32 @!p0 $0x0, s1;
	[sflag:s0] =	ssyncset.done @!p0 $0x0  }
0xf3: {  	[sflag:s0] =	ssyncadd.s32 @!p0 s1  }
0xf4: {  	[bflag:$0x3] =	sbarrier.arrive $0xFFFF  }
0xf5: {  	_ =	shalt  }

// kernel: kernel.7.cloned.1.call-start
scs
__scs_entry_jumppad:
0x0: {  	(pc) =	sbr.rel $0x88, $3  }
0x1: {  	(tag) =	ssettag $0x0;
	lr =	simm.s32 $0x1  }
0x2: {  	[smem:$0x3F8D] =	sst lr;
	_ =	strace $0xD0000000  }
0x3: {  	_ = 	snop  }
0x4: {  	_ = 	snop  }
0x5: {  	_ = 	snop  }
0x6: {  	_ = 	snop  }
0x7: {  	_ = 	snop  }
__scs_overlays_trampoline_lowered:
0x8: {  	[smem:$0x3F9C] =	sst s0  }
0x9: {  	[smem:$0x3F9D] =	sst s1  }
0xa: {  	[smem:$0x3F9E] =	sst s2  }
0xb: {  	[smem:$0x3F9F] =	sst s3  }
0xc: {  	[smem:$0x3FA0] =	sst s4  }
0xd: {  	[smem:$0x3FA1] =	sst s5  }
0xe: {  	[smem:$0x3FA2] =	sst s6  }
0xf: {  	[smem:$0x3FA3] =	sst s7  }
0x10: {  	[smem:$0x3FA4] =	sst s8  }
0x11: {  	[smem:$0x3FA5] =	sst s9;
	s0 =	simm.s32 @!p0 $0x0  }
0x12: {  	s1 =	sld [smem:$0x3F8B];
	s0 =	simm.s32 @p0 $0x1  }
0x13: {  	[smem:$0x3FA6] =	sst s0;
	s0 =	simm.s32 @!p1 $0x0  }
0x14: {  	s2 =	sld [smem:$0x3F8A];
	s0 =	simm.s32 @p1 $0x1  }
0x15: {  	[smem:$0x3FA7] =	sst s0;
	s0 =	simm.s32 @!p2 $0x0  }
0x16: {  	s3 =	sld [smem:$0x3FDB];
	s0 =	simm.s32 @p2 $0x1  }
0x17: {  	s4 =	simm.s32 $0x1BF5;
	[smem:$0x3FA9] =	sst s0  }
0x18: {  	s0 =	sld [smem:$0x3F8C];
	_ =	swait.ge [sflag:s4], $0x0  }
0x19: {  	s7 =	sld [smem:$0x3F8D]  }
0x1a: {  	s8 =	sadd.s32 $0xFFFFE003, lr  }
0x1b: {  	s9 =	sadd.s32 $0xFFFFFEF7, lr;
	s5 =	simm.s32 $0xFFFFFFFF;
	p2 =	slt.u32 s8, $0xFFFFF086  }
0x1c: {  	p1 =	slt.u32 s9, $0xF7A;
	s5 =	simm.s32 @!p2 $0x0  }
0x1d: {  	s5 =	simm.s32 @p1 $0x1;
	p0 =	seq.s32 s7, s2  }
0x1e: {  	s7 =	smul.u32 @!p0 $0xF7A, s2;
	p2 =	seq.s32 @!p0 s5, $0x0  }
0x1f: {  	s9 =	smul.u32 $0xF7A, s1;
	s8 =	simm.s32 @!p0 $0x1BF5;
	p2 =	por !p2, p0  }
0x20: {  	[sflag:s8] =	ssyncset.s32 @!p0 $0xFFFFF086;
	s6 =	sadd.s32 @!p0 s3, s7;
	s7 =	simm.s32 @!p0 $0x108  }
0x21: {  	s3 =	sadd.s32 s3, s9;
	s6 =	sadd.s32 @!p0 $0x88, s6;
	s7 =	simm.s32 @p2 $0x1082  }
0x22: {  	[simem:s7], [sflag:s8] =	dma.local @!p0 [hbm:s6], $0xF7A  }
0x23: {  	s9 =	sor.u32 $0xD0000000, s2;
	s6 =	simm.s32 $0x108;
	_ =	swait.ge @!p0 [sflag:s8], $0x0  }
0x24: {  	s3 =	sadd.s32 $0x88, s3;
	s6 =	simm.s32 @!p1 $0x1082;
	[sflag:s4] =	ssyncset.s32 $0xFFFFF086  }
0x25: {  	[simem:s6], [sflag:s4] =	dma.local [hbm:s3], $0xF7A  }
0x26: {  	[smem:$0x3F8D] =	sst s1;
	(tag) =	ssettag s2;
	_ =	strace s9  }
0x27: {  	s1 =	sld [smem:$0x3F9D]  }
0x28: {  	s2 =	sld [smem:$0x3F9E]  }
0x29: {  	s4 =	sld [smem:$0x3FA0]  }
0x2a: {  	p0 =	seq.s32 s5, $0x0;
	s5 =	sld [smem:$0x3FA1]  }
0x2b: {  	s6 =	sld [smem:$0x3FA2]  }
0x2c: {  	s7 =	sld [smem:$0x3FA3]  }
0x2d: {  	s3 =	simm.s32 $0x108;
	s8 =	sld [smem:$0x3FA4]  }
0x2e: {  	s3 =	simm.s32 @!p0 $0x1082;
	s9 =	sld [smem:$0x3FA5]  }
0x2f: {  	lr =	sadd.s32 s0, s3;
	s0 =	sld [smem:$0x3F9C]  }
0x30: {  	s3 =	sld [smem:$0x3F9F]  }
0x31: {  	[smem:$0x3FA8] =	sst s10  }
0x32: {  	s10 =	sld [smem:$0x3FA6];
	_ =	sdelay $0x3  }
0x33: {  	p0 =	seq.s32 s10, $0x1;
	s10 =	sld [smem:$0x3FA8];
	_ =	sdelay $0x3  }
0x34: {  	[smem:$0x3FA8] =	sst s10  }
0x35: {  	s10 =	sld [smem:$0x3FA7];
	_ =	sdelay $0x3  }
0x36: {  	p1 =	seq.s32 s10, $0x1;
	s10 =	sld [smem:$0x3FA8];
	_ =	sdelay $0x3  }
0x37: {  	[smem:$0x3FA8] =	sst s10  }
0x38: {  	s10 =	sld [smem:$0x3FA9]  }
0x39: {  	_ = 	snop;
	(pc) =	sbr.ind lr, $3  }
0x3a: {  	_ = 	snop  }
0x3b: {  	_ = 	snop  }
0x3c: {  	p2 =	seq.s32 s10, $0x1;
	s10 =	sld [smem:$0x3FA8]  }
0x3d: {  	_ =	shalt  }
0x3e: {  	_ =	shalt  }
0x3f: {  	_ =	shalt  }
0x40: {  	_ =	shalt  }
0x41: {  	_ =	shalt  }
0x42: {  	_ =	shalt  }
0x43: {  	_ =	shalt  }
0x44: {  	_ =	shalt  }
0x45: {  	_ =	shalt  }
0x46: {  	_ =	shalt  }
0x47: {  	_ =	shalt  }
0x48: {  	_ =	shalt  }
0x49: {  	_ =	shalt  }
0x4a: {  	_ =	shalt  }
0x4b: {  	_ =	shalt  }
0x4c: {  	_ =	shalt  }
0x4d: {  	_ =	shalt  }
0x4e: {  	_ =	shalt  }
0x4f: {  	_ =	shalt  }
0x50: {  	_ =	shalt  }
0x51: {  	_ =	shalt  }
0x52: {  	_ =	shalt  }
0x53: {  	_ =	shalt  }
0x54: {  	_ =	shalt  }
0x55: {  	_ =	shalt  }
0x56: {  	_ =	shalt  }
0x57: {  	_ =	shalt  }
0x58: {  	_ =	shalt  }
0x59: {  	_ =	shalt  }
0x5a: {  	_ =	shalt  }
0x5b: {  	_ =	shalt  }
0x5c: {  	_ =	shalt  }
0x5d: {  	_ =	shalt  }
0x5e: {  	_ =	shalt  }
0x5f: {  	_ =	shalt  }
0x60: {  	_ =	shalt  }
0x61: {  	_ =	shalt  }
0x62: {  	_ =	shalt  }
0x63: {  	_ =	shalt  }
0x64: {  	_ =	shalt  }
0x65: {  	_ =	shalt  }
0x66: {  	_ =	shalt  }
0x67: {  	_ =	shalt  }
0x68: {  	_ =	shalt  }
0x69: {  	_ =	shalt  }
0x6a: {  	_ =	shalt  }
0x6b: {  	_ =	shalt  }
0x6c: {  	_ =	shalt  }
0x6d: {  	_ =	shalt  }
0x6e: {  	_ =	shalt  }
0x6f: {  	_ =	shalt  }
0x70: {  	_ =	shalt  }
0x71: {  	_ =	shalt  }
0x72: {  	_ =	shalt  }
0x73: {  	_ =	shalt  }
0x74: {  	_ =	shalt  }
0x75: {  	_ =	shalt  }
0x76: {  	_ =	shalt  }
0x77: {  	_ =	shalt  }
0x78: {  	_ =	shalt  }
0x79: {  	_ =	shalt  }
0x7a: {  	_ =	shalt  }
0x7b: {  	_ =	shalt  }
0x7c: {  	_ =	shalt  }
0x7d: {  	_ =	shalt  }
0x7e: {  	_ =	shalt  }
0x7f: {  	_ =	shalt  }
0x80: {  	_ =	shalt  }
0x81: {  	_ =	shalt  }
0x82: {  	_ =	shalt  }
0x83: {  	_ =	shalt  }
0x84: {  	_ =	shalt  }
0x85: {  	_ =	shalt  }
0x86: {  	_ =	shalt  }
0x87: {  	_ =	shalt  }
.Lfunc_end0:
.L_simem_size_0:
called_computation_lowered:
.L_overlay_start_0:
0x88: {  	s2 =	sld [smem:$0x3FD9]  }
0x89: {  	s3 =	sld [smem:$0x3FFE];
	_ =	sdelay $0x1  }
0x8a: {  	s1 =	srdreg.scid  }
0x8b: {  	s0 =	sand.u32 $0x1, s1  }
0x8c: {  	s17 =	sshll.u32 s0, $0xA;
	s2 =	sadd.s32 s3, s2  }
0x8d: {  	s2 =	sadd.s32 s2, s17  }
0x8e: {  	[smem:$0x3FB4] =	sst s2  }
0x8f: {  	_ = 	snop  }
0x90: {  	s2 =	sld [smem:$0x3FD0];
	(tm) =	ssettm $0x1  }
0x91: {  	s18 =	sld [smem:$0x3FFB];
	_ =	sdelay $0x3  }
0x92: {  	_ =	strace s18  }
0x93: {  	s3 =	sld [smem:$0x3FFC];
	_ =	sdelay $0x3  }
0x94: {  	_ =	strace s3  }
0x95: {  	s3 =	sld [smem:$0x3FFD];
	_ =	sdelay $0x3  }
0x96: {  	_ =	strace s3  }
0x97: {  	_ =	strace $0x8FFFFFFF  }
0x98: {  	s19 =	sld [smem:$0x3FDB];
	_ =	sdelay $0x1  }
0x99: {  	s4 =	simm.s32 $_scs_section_size  }
0x9a: {  	s5 =	simm.s32 $_size__tile_overlayer_lowered;
	s6 =	simm.s32 $_tile_overlayer_lowered  }
0x9b: {  	s22 =	simm.s32 $0x1BFF;
	s21 =	sshll.u32 s6, $0x1;
	s3 =	sadd.s32 s4, s19  }
0x9c: {  	s7 =	simm.s32 $0x0;
	s20 =	sshll.u32 s5, $0x1;
	s5 =	sadd.s32 s21, s3  }
0x9d: {  	[timem:s7], [sflag:s22] =	dma.local [hbm:s5], s20  }
0x9e: {  	_ =	swait.ge [sflag:s22], s20  }
0x9f: {  	s4 =	ssub.s32 $0x0, s20;
	[sflag:s22] =	ssyncset.done $0x0  }
0xa0: {  	[sflag:s22] =	ssyncadd.s32 s4;
	_ =	sdelay $0x1  }
0xa1: {  	s23 =	simm.s32 $0x1B8B  }
0xa2: {  	_ =	swait.ge [sflag:s23], $0x1  }
0xa3: {  	[sflag:s23] =	ssyncset.done $0x0  }
0xa4: {  	s25 =	simm.s32 $0x1B8E;
	s24 =	sld [smem:$0x3FFE];
	[sflag:s23] =	ssyncadd.s32 $0xFFFFFFFF  }
0xa5: {  	s26 =	simm.s32 $execute0_lowered;
	[smem:$0x3FD2] =	sst s25  }
0xa6: {  	s5 =	sshll.u32 s26, $0x1;
	_ =	strace $0x80000046;
	[dreg:$0x1] =	wrdreg $0xFFFFFFFF  }
0xa7: {  	s28 =	simm.s32 $_size_execute0_lowered;
	s3 =	sadd.s32 s3, s5;
	[dreg:$0x0] =	wrdreg $0x0  }
0xa8: {  	s5 =	sshll.u32 s28, $0x1;
	[dreg:$0x2] =	wrdreg s3  }
0xa9: {  	[dreg:$0x3] =	wrdreg s5  }
0xaa: {  	[dreg:$0x4] =	wrdreg $0xC0  }
0xab: {  	_ =	task [dreg:s7], $0x5FFFF  }
0xac: {  	[dreg:$0x1] =	wrdreg $0xFFFFFFFF  }
0xad: {  	[dreg:$0x0] =	wrdreg $0x60  }
0xae: {  	[dreg:$0x2] =	wrdreg s2  }
0xaf: {  	[dreg:$0x3] =	wrdreg s24  }
0xb0: {  	[dreg:$0x4] =	wrdreg $0x2C800  }
0xb1: {  	[dreg:$0x5] =	wrdreg $0x16C800  }
0xb2: {  	[dreg:$0x6] =	wrdreg $0x9  }
0xb3: {  	_ =	task.clear_ibuf [dreg:s7], $0x7FFFF;
	_ =	strace $0x90000046  }
0xb4: {  	s29 =	simm.s32 $0x9;
	_ =	strace $0x80000048  }
0xb5: {  	_ =	swait.ge [sflag:s29], $0x1  }
0xb6: {  	[sflag:s29] =	ssyncadd.s32 $0xFFFFFFFF  }
0xb7: {  	_ =	strace $0x90000048  }
0xb8: {  	_ =	sfence  }
0xb9: {  	s30 =	sld [smem:$0x0];
	_ =	sdelay $0x2  }
0xba: {  	s31 =	sshll.u32 s1, $0xD;
	s1 =	sshrl.u32 s1, $0x2  }
0xbb: {  	s3 =	sand.u32 $0x4000, s31;
	s1 =	sadd.s32 s1, s30  }
0xbc: {  	s0 =	sor.u32 s3, s0;
	s1 =	sshll.u32 s1, $0x11  }
0xbd: {  	s0 =	sor.u32 s1, s0  }
0xbe: {  	s0 =	sadd.s32 $0x8F2B, s0  }
0xbf: {  	[sflag:s0] =	ssyncadd.remote.s32 $0x1  }
0xc0: {  	_ =	sfence.sel $0xFFFF  }
0xc1: {  	[dreg:$0x0] =	wrdreg $0xFFFFFFFF;
	(pc) =	sbr.abs _section_cstart, $3  }
0xc2: {  	[dreg:$0x1] =	wrdreg $0xFFFFFFFF  }
0xc3: {  	_ =	task.clear_ibuf [dreg:s7], $0x2FFFF;
	_ =	strace $0x9FFFFFFF  }
0xc4: {  	(tm) =	ssettm $0x7FFFFFFF  }
0xc5: {  	_ =	shalt  }
tec
execute0_lowered:
.L_overlay_start_1:
0x0: {  	(tag) =	ssettag $0x1  }
0x1: {  	s1 =	rddreg [dreg:$0x0]  }
0x2: {  	s0 =	rddreg [dreg:$0x1]  }
0x3: {  	s3 =	rddreg [dreg:$0x2];
	s2 =	srdreg.scid  }
0x4: {  	s17 =	stileid.u32;
	s4 =	rddreg [dreg:$0x3];
	s5 =	simm.s32 $0x0  }
0x5: {  	s2 =	sand.u32 $0x1, s2;
	s10 =	smul.u32 $0x14000, s17;
	[smem:$0x7FF] =	sst s5  }
0x6: {  	s11 =	smul.u32 $0x2800, s17;
	s6 =	sadd.s32 $0x3400, s0;
	s7 =	sadd.s32 $0x8400, s0  }
0x7: {  	s8 =	sadd.s32 $0x17600, s0;
	s16 =	sshll.u32 s17, $0x1;
	s17 =	smul.u32 $0x280, s17  }
0x8: {  	s9 =	smul.u32 $0x140000, s2;
	_ =	strace $0x80000047;
	s14 =	ssub.s32 $0x2, s2  }
0x9: {  	s12 =	smul.u32 $0x28000, s2;
	s2 =	sor.u32 s2, s16;
	s15 =	sshrl.u32 s14, $0x1  }
0xa: {  	s23 =	sor.u32 $0x40, s17;
	s25 =	sadd.s32 $0x80, s17;
	s16 =	sadd.s32 $0xC0, s17  }
0xb: {  	s20 =	sadd.s32 $0x100, s17;
	s22 =	sadd.s32 $0x140, s17;
	s31 =	smul.u32 $0x2880, s2  }
0xc: {  	s13 =	sadd.s32 s10, s9;
	s9 =	sadd.s32 $0xD400, s0;
	s12 =	sadd.s32 s11, s12  }
0xd: {  	s10 =	sadd.s32 s10, s3;
	s11 =	sadd.s32 s11, s4;
	s24 =	sshll.u32 s23, $0x7  }
0xe: {  	s26 =	sshll.u32 s25, $0x7;
	s18 =	sshll.u32 s16, $0x7;
	s13 =	sshrl.u32 s13, $0x3  }
0xf: {  	s21 =	sshll.u32 s20, $0x7;
	s12 =	sshrl.u32 s12, $0x3;
	s13 =	sadd.s32 s13, s0  }
0x10: {  	s0 =	sadd.s32 s12, s0;
	s12 =	ssub.s32 s14, s15;
	s14 =	sshll.u32 s23, $0x4  }
0x11: {  	s15 =	sadd.s32 s24, s3;
	s23 =	sshll.u32 s22, $0x7;
	s24 =	sshll.u32 s22, $0x4  }
0x12: {  	[dreg:$0x5] =	wrdreg s15;
	s14 =	sadd.s32 s14, s4;
	s15 =	sshll.u32 s25, $0x4  }
0x13: {  	s25 =	sadd.s32 $0x180, s17;
	s2 =	sadd.s32 $0x2B800, s13;
	s0 =	sadd.s32 $0x21800, s0  }
0x14: {  	s12 =	smax.u32 s12, $0x1;
	[dreg:$0x6] =	wrdreg s14;
	s14 =	sadd.s32 s26, s3  }
0x15: {  	s13 =	simm.s32 $0xC80;
	[dreg:$0x7] =	wrdreg s14;
	s14 =	sadd.s32 s15, s4  }
0x16: {  	s15 =	sshll.u32 s16, $0x4;
	[dreg:$0x8] =	wrdreg s14;
	s14 =	sadd.s32 s18, s3  }
0x17: {  	s26 =	sshll.u32 s25, $0x7;
	s19 =	sadd.s32 s15, s4;
	[dreg:$0x9] =	wrdreg s14  }
0x18: {  	s15 =	sadd.s32 s21, s3;
	s18 =	sadd.s32 $0x1C0, s17;
	[dreg:$0xa] =	wrdreg s19  }
0x19: {  	s14 =	sshll.u32 s20, $0x4;
	[dreg:$0xb] =	wrdreg s15;
	s15 =	sshll.u32 s25, $0x4  }
0x1a: {  	s19 =	sshll.u32 s18, $0x7;
	s20 =	sadd.s32 $0x200, s17;
	s14 =	sadd.s32 s14, s4  }
0x1b: {  	s16 =	sadd.s32 s15, s4;
	s15 =	sadd.s32 s19, s3;
	[dreg:$0xc] =	wrdreg s14  }
0x1c: {  	s21 =	sshll.u32 s20, $0x7;
	s22 =	sshll.u32 s20, $0x4;
	[dreg:$0x10] =	wrdreg s16  }
0x1d: {  	s14 =	sadd.s32 s23, s3;
	[dreg:$0x11] =	wrdreg s15;
	s23 =	sadd.s32 $0x240, s17  }
0x1e: {  	s28 =	sadd.s32 s22, s4;
	s16 =	simm.s32 $0x40;
	s17 =	simm.s32 $0x80  }
0x1f: {  	[dreg:$0xd] =	wrdreg s14;
	s14 =	sadd.s32 s24, s4;
	s24 =	sshll.u32 s23, $0x7  }
0x20: {  	s15 =	sshll.u32 s23, $0x4;
	[dreg:$0xe] =	wrdreg s14;
	s14 =	sadd.s32 s26, s3  }
0x21: {  	s26 =	sadd.s32 s21, s3;
	s29 =	sadd.s32 s24, s3;
	s30 =	sadd.s32 s15, s4  }
0x22: {  	s15 =	simm.s32 $0x880;
	[dreg:$0xf] =	wrdreg s14;
	s14 =	sshll.u32 s18, $0x4  }
0x23: {  	v0 =	vimm.f32 $0.0e+00;
	s18 =	simm.s32 $0x480;
	s25 =	sadd.s32 s14, s4;
	s14 =	simm.s32 $0x1  }
.LBB2_1:
0x24: {  	s19 =	simm.s32 $0xCC0  }
0x25: {  	[tilespmem:s19+$0xFFFFFFD0] =	vst v0  }
0x26: {  	[tilespmem:s19+$0xFFFFFFE0] =	vst v0  }
0x27: {  	[tilespmem:s19+$0xFFFFFFF0] =	vst v0  }
0x28: {  	[tilespmem:s19+$0x0] =	vst v0  }
0x29: {  	[tilespmem:s19+$0x10] =	vst v0  }
0x2a: {  	[tilespmem:s19+$0x20] =	vst v0  }
0x2b: {  	[tilespmem:s19+$0x30] =	vst v0  }
0x2c: {  	s21 =	simm.s32 $0x0;
	s20 =	simm.s32 $0x40;
	[tilespmem:s19+$0xFFFFFFC0] =	vst v0  }
.LBB2_2:
0x2d: {  	p0 =	sne.s32 s20, $0xFC0;
	[tilespmem:s21+$0x880] =	vst v0;
	s19 =	sadd.s32 $0x80, s19  }
0x2e: {  	[tilespmem:s19+$0xFFFFFFD0] =	vst v0  }
0x2f: {  	[tilespmem:s19+$0xFFFFFFE0] =	vst v0  }
0x30: {  	[tilespmem:s19+$0xFFFFFFF0] =	vst v0  }
.Ltmp0:
0x31: {  	[tilespmem:s19+$0x0] =	vst v0;
	(pc) =	sbr.rel @p0 .LBB2_2-.Ltmp0, $4  }
0x32: {  	[tilespmem:s19+$0x10] =	vst v0  }
0x33: {  	[tilespmem:s19+$0x20] =	vst v0  }
0x34: {  	[tilespmem:s19+$0x30] =	vst v0  }
0x35: {  	s21 =	sshra.s32 s20, $0x2;
	s20 =	sadd.s32 $0x40, s20;
	[tilespmem:s19+$0xFFFFFFC0] =	vst v0  }
0x36: {  	[tilespmem:s21+$0x880] =	vst v0  }
0x37: {  	[spmem:s10] =	stream.linear.scatter [tilespmem:s13], [sflag:$0x1], $0x2000, $0x38;
	[tilespmem:$0x19480] =	vst v63  }
0x38: {  	_ =	swait.ge [sflag:s14], $0x2000  }
0x39: {  	[sflag:s14] =	ssyncset.done $0x0  }
0x3a: {  	[sflag:s14] =	ssyncadd.s32 $0xFFFFE000  }
0x3b: {  	[spmem:s11] =	stream.linear.scatter [tilespmem:s15], [sflag:$0x1], $0x400, $0x38;
	[tilespmem:$0x19480] =	vst v63  }
0x3c: {  	_ =	swait.ge [sflag:s14], $0x400  }
0x3d: {  	[sflag:s14] =	ssyncset.done $0x0  }
0x3e: {  	s19 =	rddreg [dreg:$0x5];
	[sflag:s14] =	ssyncadd.s32 $0xFFFFFC00  }
0x3f: {  	[spmem:s19] =	stream.linear.scatter [tilespmem:s13], [sflag:$0x1], $0x2000, $0x38;
	[tilespmem:$0x19480] =	vst v63  }
0x40: {  	_ =	swait.ge [sflag:s14], $0x2000  }
0x41: {  	[sflag:s14] =	ssyncset.done $0x0  }
0x42: {  	s23 =	rddreg [dreg:$0x6];
	[sflag:s14] =	ssyncadd.s32 $0xFFFFE000  }
0x43: {  	[spmem:s23] =	stream.linear.scatter [tilespmem:s15], [sflag:$0x1], $0x400, $0x38;
	[tilespmem:$0x19480] =	vst v63  }
0x44: {  	_ =	swait.ge [sflag:s14], $0x400  }
0x45: {  	[sflag:s14] =	ssyncset.done $0x0  }
0x46: {  	s24 =	rddreg [dreg:$0x7];
	[sflag:s14] =	ssyncadd.s32 $0xFFFFFC00  }
0x47: {  	[spmem:s24] =	stream.linear.scatter [tilespmem:s13], [sflag:$0x1], $0x2000, $0x38;
	[tilespmem:$0x19480] =	vst v63  }
0x48: {  	_ =	swait.ge [sflag:s14], $0x2000  }
0x49: {  	[sflag:s14] =	ssyncset.done $0x0  }
0x4a: {  	s20 =	rddreg [dreg:$0x8];
	[sflag:s14] =	ssyncadd.s32 $0xFFFFE000  }
0x4b: {  	[spmem:s20] =	stream.linear.scatter [tilespmem:s15], [sflag:$0x1], $0x400, $0x38;
	[tilespmem:$0x19480] =	vst v63  }
0x4c: {  	_ =	swait.ge [sflag:s14], $0x400  }
0x4d: {  	[sflag:s14] =	ssyncset.done $0x0  }
0x4e: {  	s21 =	rddreg [dreg:$0x9];
	[sflag:s14] =	ssyncadd.s32 $0xFFFFFC00  }
0x4f: {  	[spmem:s21] =	stream.linear.scatter [tilespmem:s13], [sflag:$0x1], $0x2000, $0x38;
	[tilespmem:$0x19480] =	vst v63  }
0x50: {  	_ =	swait.ge [sflag:s14], $0x2000  }
0x51: {  	[sflag:s14] =	ssyncset.done $0x0  }
0x52: {  	s22 =	rddreg [dreg:$0xa];
	[sflag:s14] =	ssyncadd.s32 $0xFFFFE000  }
0x53: {  	[spmem:s22] =	stream.linear.scatter [tilespmem:s15], [sflag:$0x1], $0x400, $0x38;
	[tilespmem:$0x19480] =	vst v63  }
0x54: {  	_ =	swait.ge [sflag:s14], $0x400  }
0x55: {  	[sflag:s14] =	ssyncset.done $0x0  }
0x56: {  	s23 =	rddreg [dreg:$0xb];
	[sflag:s14] =	ssyncadd.s32 $0xFFFFFC00  }
0x57: {  	[spmem:s23] =	stream.linear.scatter [tilespmem:s13], [sflag:$0x1], $0x2000, $0x38;
	[tilespmem:$0x19480] =	vst v63  }
0x58: {  	_ =	swait.ge [sflag:s14], $0x2000  }
0x59: {  	[sflag:s14] =	ssyncset.done $0x0  }
0x5a: {  	s24 =	rddreg [dreg:$0xc];
	[sflag:s14] =	ssyncadd.s32 $0xFFFFE000  }
0x5b: {  	[spmem:s24] =	stream.linear.scatter [tilespmem:s15], [sflag:$0x1], $0x400, $0x38;
	[tilespmem:$0x19480] =	vst v63  }
0x5c: {  	_ =	swait.ge [sflag:s14], $0x400  }
0x5d: {  	[sflag:s14] =	ssyncset.done $0x0  }
0x5e: {  	s20 =	rddreg [dreg:$0xd];
	[sflag:s14] =	ssyncadd.s32 $0xFFFFFC00  }
0x5f: {  	[spmem:s20] =	stream.linear.scatter [tilespmem:s13], [sflag:$0x1], $0x2000, $0x38;
	[tilespmem:$0x19480] =	vst v63  }
0x60: {  	_ =	swait.ge [sflag:s14], $0x2000  }
0x61: {  	[sflag:s14] =	ssyncset.done $0x0  }
0x62: {  	s21 =	rddreg [dreg:$0xe];
	[sflag:s14] =	ssyncadd.s32 $0xFFFFE000  }
0x63: {  	[spmem:s21] =	stream.linear.scatter [tilespmem:s15], [sflag:$0x1], $0x400, $0x38;
	[tilespmem:$0x19480] =	vst v63  }
0x64: {  	_ =	swait.ge [sflag:s14], $0x400  }
0x65: {  	[sflag:s14] =	ssyncset.done $0x0  }
0x66: {  	s22 =	rddreg [dreg:$0xf];
	[sflag:s14] =	ssyncadd.s32 $0xFFFFFC00  }
0x67: {  	[spmem:s22] =	stream.linear.scatter [tilespmem:s13], [sflag:$0x1], $0x2000, $0x38;
	[tilespmem:$0x19480] =	vst v63  }
0x68: {  	_ =	swait.ge [sflag:s14], $0x2000  }
0x69: {  	[sflag:s14] =	ssyncset.done $0x0  }
0x6a: {  	s23 =	rddreg [dreg:$0x10];
	[sflag:s14] =	ssyncadd.s32 $0xFFFFE000  }
0x6b: {  	[spmem:s23] =	stream.linear.scatter [tilespmem:s15], [sflag:$0x1], $0x400, $0x38;
	[tilespmem:$0x19480] =	vst v63  }
0x6c: {  	_ =	swait.ge [sflag:s14], $0x400  }
0x6d: {  	[sflag:s14] =	ssyncset.done $0x0  }
0x6e: {  	s24 =	rddreg [dreg:$0x11];
	[sflag:s14] =	ssyncadd.s32 $0xFFFFFC00  }
0x6f: {  	[spmem:s24] =	stream.linear.scatter [tilespmem:s13], [sflag:$0x1], $0x2000, $0x38;
	[tilespmem:$0x19480] =	vst v63  }
0x70: {  	_ =	swait.ge [sflag:s14], $0x2000  }
0x71: {  	[sflag:s14] =	ssyncset.done $0x0  }
0x72: {  	[sflag:s14] =	ssyncadd.s32 $0xFFFFE000  }
0x73: {  	[spmem:s25] =	stream.linear.scatter [tilespmem:s15], [sflag:$0x1], $0x400, $0x38;
	[tilespmem:$0x19480] =	vst v63  }
0x74: {  	_ =	swait.ge [sflag:s14], $0x400  }
0x75: {  	[sflag:s14] =	ssyncset.done $0x0  }
0x76: {  	[sflag:s14] =	ssyncadd.s32 $0xFFFFFC00  }
0x77: {  	[spmem:s26] =	stream.linear.scatter [tilespmem:s13], [sflag:$0x1], $0x2000, $0x38;
	[tilespmem:$0x19480] =	vst v63  }
0x78: {  	_ =	swait.ge [sflag:s14], $0x2000  }
0x79: {  	[sflag:s14] =	ssyncset.done $0x0  }
0x7a: {  	[sflag:s14] =	ssyncadd.s32 $0xFFFFE000  }
0x7b: {  	[spmem:s28] =	stream.linear.scatter [tilespmem:s15], [sflag:$0x1], $0x400, $0x38;
	[tilespmem:$0x19480] =	vst v63  }
0x7c: {  	_ =	swait.ge [sflag:s14], $0x400  }
0x7d: {  	[sflag:s14] =	ssyncset.done $0x0  }
0x7e: {  	[sflag:s14] =	ssyncadd.s32 $0xFFFFFC00  }
0x7f: {  	[spmem:s29] =	stream.linear.scatter [tilespmem:s13], [sflag:$0x1], $0x2000, $0x38;
	[tilespmem:$0x19480] =	vst v63  }
0x80: {  	_ =	swait.ge [sflag:s14], $0x2000  }
0x81: {  	[sflag:s14] =	ssyncset.done $0x0  }
0x82: {  	[sflag:s14] =	ssyncadd.s32 $0xFFFFE000  }
0x83: {  	[spmem:s30] =	stream.linear.scatter [tilespmem:s15], [sflag:$0x1], $0x400, $0x38;
	[tilespmem:$0x19480] =	vst v63  }
0x84: {  	_ =	swait.ge [sflag:s14], $0x400  }
0x85: {  	[sflag:s14] =	ssyncset.done $0x0  }
0x86: {  	[sflag:s14] =	ssyncadd.s32 $0xFFFFFC00  }
0x87: {  	s19 =	simm.s32 $0x0;
	s20 =	simm.s32 $0x0;
	[bflag:$0x0] =	sbarrier.arrive $0xFFFF  }
.LBB2_4:
0x88: {  	s21 =	sshll.u32 s20, $0x6  }
0x89: {  	s21 =	sadd.s32 s31, s21  }
0x8a: {  	s21 =	sshrl.u32 s21, $0x3  }
0x8b: {  	s22 =	sadd.s32 s8, s21  }
0x8c: {  	[tilespmem:s19], [sflag:$0x1] =	stream.linear.gather [hbm4b:s22+s19], $0x40, $0x38;
	[tilespmem:$0x19480] =	vst v63  }
0x8d: {  	_ =	swait.ge [sflag:s14], $0x40  }
0x8e: {  	[sflag:s14] =	ssyncset.done $0x0  }
0x8f: {  	s21 =	sadd.s32 s9, s21;
	[sflag:s14] =	ssyncadd.s32 $0xFFFFFFC0  }
0x90: {  	[tilespmem:s16], [sflag:$0x1] =	stream.linear.gather [hbm4b:s21+s19], $0x40, $0x38;
	[tilespmem:$0x19480] =	vst v63  }
0x91: {  	_ =	swait.ge [sflag:s14], $0x40  }
0x92: {  	[sflag:s14] =	ssyncset.done $0x0  }
0x93: {  	[sflag:s14] =	ssyncadd.s32 $0xFFFFFFC0  }
0x94: {  	[tilespmem:s17], [sflag:$0x1] =	stream.indirect.gather [hbm4b:s6+s16], $0x10, s19, s16, $0xb8;
	[tilespmem:$0x19480] =	vst v63  }
0x95: {  	_ =	swait.ge [sflag:s14], $0x400  }
0x96: {  	[sflag:s14] =	ssyncset.done $0x0  }
0x97: {  	[sflag:s14] =	ssyncadd.s32 $0xFFFFFC00  }
0x98: {  	[tilespmem:s18], [sflag:$0x1] =	stream.indirect.gather [hbm4b:s7+s16], $0x10, s16, s16, $0xb8;
	[tilespmem:$0x19480] =	vst v63  }
0x99: {  	_ =	swait.ge [sflag:s14], $0x400  }
0x9a: {  	[sflag:s14] =	ssyncset.done $0x0  }
0x9b: {  	[sflag:s14] =	ssyncadd.s32 $0xFFFFFC00  }
0x9c: {  	[tilespmem:s13], [sflag:$0x1] =	stream.indirect.gather [hbm4b:s1+s16], $0x80, s19, s16, $0xb8;
	[tilespmem:$0x19480] =	vst v63  }
0x9d: {  	_ =	swait.ge [sflag:s14], $0x2000  }
0x9e: {  	[sflag:s14] =	ssyncset.done $0x0  }
0x9f: {  	s24 =	simm.s32 $0x0;
	[sflag:s14] =	ssyncadd.s32 $0xFFFFE000  }
0xa0: {  	v1 =	vld [tilespmem:s24+$0x80]  }
0xa1: {  	v2 =	vld [tilespmem:s24+$0x480];
	_ =	sdelay $0x4  }
0xa2: {  	v1 =	vadd.f32 v2, v1;
	_ =	sdelay $0x1  }
0xa3: {  	v2 =	vmul.f32 $2.000000030e-01, v1;
	_ =	sdelay $0x1  }
0xa4: {  	v1 =	vmax.f32 v1, v2  }
0xa5: {  	v1 =	vmul.f32 $1.442695020e+00, v1;
	_ =	sdelay $0x1  }
0xa6: {  	(erf) = vpow2.f32 v1;
	_ =	sdelay $0x8  }
0xa7: {  	v1 =	vpop (erf)  }
0xa8: {  	s21 =	simm.s32 $0xCC0;
	[tilespmem:s24+$0x880] =	vst v1  }
0xa9: {  	v9 =	vld [tilespmem:s21+$0x30]  }
0xaa: {  	v7 =	vld [tilespmem:s21+$0xFFFFFFE0]  }
0xab: {  	v6 =	vld [tilespmem:s21+$0x10]  }
0xac: {  	v11 =	vbroadcast v1, $0x7;
	v4 =	vld [tilespmem:s21+$0x20]  }
0xad: {  	v2 =	vbroadcast v1, $0x6;
	v10 =	vbroadcast v1, $0x2;
	v5 =	vld [tilespmem:s21+$0xFFFFFFD0]  }
0xae: {  	s23 =	simm.s32 $0xCC0;
	s22 =	simm.s32 $0x40;
	v8 =	vbroadcast v1, $0x5;
	v3 =	vld [tilespmem:s21+$0x0];
	v9 =	vmul.f32 v9, v11  }
.LBB2_5:
0xaf: {  	p0 =	sne.s32 s22, $0xFC0  }
0xb0: {  	v7 =	vmul.f32 v10, v7;
	v10 =	vld [tilespmem:s21+$0xFFFFFFF0];
	s23 =	sadd.s32 $0x80, s23;
	s24 =	smov.u32 s22;
	s22 =	sadd.s32 $0x40, s22  }
0xb1: {  	v12 =	vbroadcast v1, $0x1;
	v11 =	vld [tilespmem:s21+$0xFFFFFFC0];
	v6 =	vmul.f32 v6, v8;
	[tilespmem:s21+$0x30] =	vst v9  }
0xb2: {  	[tilespmem:s21+$0xFFFFFFE0] =	vst v7;
	v7 =	vbroadcast v1, $0x4;
	v2 =	vmul.f32 v4, v2  }
0xb3: {  	v4 =	vmul.f32 v12, v5;
	v5 =	vbroadcast v1, $0x3;
	[tilespmem:s21+$0x10] =	vst v6  }
0xb4: {  	v1 =	vbroadcast v1, $0x0;
	v3 =	vmul.f32 v3, v7;
	[tilespmem:s21+$0x20] =	vst v2  }
0xb5: {  	[tilespmem:s21+$0xFFFFFFD0] =	vst v4;
	v2 =	vmul.f32 v10, v5  }
0xb6: {  	v1 =	vmul.f32 v1, v11;
	[tilespmem:s21+$0x0] =	vst v3  }
0xb7: {  	[tilespmem:s21+$0xFFFFFFF0] =	vst v2  }
0xb8: {  	s24 =	sshra.s32 s24, $0x2;
	[tilespmem:s21+$0xFFFFFFC0] =	vst v1;
	s21 =	smov.u32 s23  }
0xb9: {  	v1 =	vld [tilespmem:s24+$0x80]  }
0xba: {  	v2 =	vld [tilespmem:s24+$0x480];
	_ =	sdelay $0x4  }
0xbb: {  	v1 =	vadd.f32 v2, v1;
	_ =	sdelay $0x1  }
0xbc: {  	v2 =	vmul.f32 $2.000000030e-01, v1;
	_ =	sdelay $0x1  }
0xbd: {  	v1 =	vmax.f32 v1, v2  }
0xbe: {  	v1 =	vmul.f32 $1.442695020e+00, v1;
	_ =	sdelay $0x1  }
0xbf: {  	(erf) = vpow2.f32 v1;
	_ =	sdelay $0x8  }
0xc0: {  	v1 =	vpop (erf)  }
0xc1: {  	[tilespmem:s24+$0x880] =	vst v1;
	v2 =	vbroadcast v1, $0x6  }
0xc2: {  	v9 =	vld [tilespmem:s23+$0x30]  }
.Ltmp1:
0xc3: {  	v7 =	vld [tilespmem:s23+$0xFFFFFFE0];
	(pc) =	sbr.rel @p0 .LBB2_5-.Ltmp1, $4  }
0xc4: {  	v11 =	vbroadcast v1, $0x7;
	v6 =	vld [tilespmem:s23+$0x10]  }
0xc5: {  	v4 =	vld [tilespmem:s23+$0x20]  }
0xc6: {  	v10 =	vbroadcast v1, $0x2;
	v5 =	vld [tilespmem:s23+$0xFFFFFFD0]  }
0xc7: {  	v8 =	vbroadcast v1, $0x5;
	v3 =	vld [tilespmem:s23+$0x0];
	v9 =	vmul.f32 v9, v11  }
0xc8: {  	v7 =	vmul.f32 v10, v7;
	v60 =	vld [tilespmem:s21+$0xFFFFFFF0]  }
0xc9: {  	v11 =	vld [tilespmem:s21+$0xFFFFFFC0];
	v12 =	vbroadcast v1, $0x1;
	v6 =	vmul.f32 v6, v8;
	[tilespmem:s21+$0x30] =	vst v9  }
0xca: {  	v61 =	vbroadcast v1, $0x4;
	[tilespmem:s21+$0xFFFFFFE0] =	vst v7;
	v2 =	vmul.f32 v4, v2  }
0xcb: {  	v63 =	vbroadcast v1, $0x3;
	v62 =	vmul.f32 v12, v5;
	[tilespmem:s21+$0x10] =	vst v6  }
0xcc: {  	v1 =	vbroadcast v1, $0x0;
	v3 =	vmul.f32 v3, v61;
	[tilespmem:s21+$0x20] =	vst v2  }
0xcd: {  	[tilespmem:s21+$0xFFFFFFD0] =	vst v62;
	v2 =	vmul.f32 v60, v63  }
0xce: {  	v1 =	vmul.f32 v1, v11;
	[tilespmem:s21+$0x0] =	vst v3  }
0xcf: {  	[tilespmem:s21+$0xFFFFFFF0] =	vst v2  }
0xd0: {  	[tilespmem:s21+$0xFFFFFFC0] =	vst v1  }
0xd1: {  	[spmem:s4] =	stream.indirect.scatter.add.f32 [tilespmem:s15], [sflag:$0x1], $0x10, s16, s16, $0xb8;
	[tilespmem:$0x19480] =	vst v63  }
0xd2: {  	s20 =	sadd.s32 $0x1, s20;
	_ =	swait.ge [sflag:s14], $0x400  }
0xd3: {  	p0 =	sne.s32 s20, $0xA2;
	[sflag:s14] =	ssyncset.done $0x0  }
.Ltmp2:
0xd4: {  	[sflag:s14] =	ssyncadd.s32 $0xFFFFFC00;
	(pc) =	sbr.rel @p0 .LBB2_4-.Ltmp2, $4  }
0xd5: {  	[spmem:s3] =	stream.indirect.scatter.add.f32 [tilespmem:s13], [sflag:$0x1], $0x80, s16, s16, $0xb8;
	[tilespmem:$0x19480] =	vst v63  }
0xd6: {  	_ =	swait.ge [sflag:s14], $0x2000  }
0xd7: {  	[sflag:s14] =	ssyncset.done $0x0  }
0xd8: {  	[sflag:s14] =	ssyncadd.s32 $0xFFFFE000  }
0xd9: {  	s19 =	stileid.u32  }
0xda: {  	s19 =	sshll.u32 s19, $0x6  }
0xdb: {  	[bflag:$0x0] =	sbarrier.arrive $0xFFFF;
	s20 =	sshrl.u32 s10, $0x3;
	s19 =	sor.u32 $0x1C01, s19  }
0xdc: {  	[hbm:s2], [sflag:s19] =	dma.local [spmem:s20], $0x2800  }
0xdd: {  	s5 =	sadd.s32 $0x1, s5;
	_ =	swait.ge [sflag:s14], $0x2800  }
0xde: {  	p0 =	sne.s32 s5, s12;
	[sflag:s14] =	ssyncset.done $0x0  }
.Ltmp3:
0xdf: {  	s24 =	sshrl.u32 s11, $0x3;
	[sflag:s14] =	ssyncadd.s32 $0xFFFFD800;
	(pc) =	sbr.rel @p0 .LBB2_1-.Ltmp3, $4  }
0xe0: {  	[hbm:s0], [sflag:s19] =	dma.local [spmem:s24], $0x500  }
0xe1: {  	_ =	swait.ge [sflag:s14], $0x500  }
0xe2: {  	[sflag:s14] =	ssyncset.done $0x0  }
0xe3: {  	[sflag:s14] =	ssyncadd.s32 $0xFFFFFB00  }
0xe4: {  	_ =	sfence.sel $0x180000  }
0xe5: {  	[bflag:$0x0] =	sbarrier.arrive $0xFFFF  }
0xe6: {  	_ =	strace $0x90000047  }
0xe7: {  	s0 =	stileid.u32;
	[bflag:$0x2] =	sbarrier.arrive $0xFFFF  }
0xe8: {  	p0 =	sne.s32 s0, $0x0;
	s0 =	rddreg [dreg:$0x4]  }
0xe9: {  	s0 =	sadd.s32 @!p0 $0x100000, s0  }
0xea: {  	[sflag:s0] =	ssyncadd.tile.s32 @!p0 $0x1;
	_ =	shalt  }
.Lfunc_end2:
_tile_overlayer_lowered:
.L_overlay_start_2:
0xeb: {  	(tag) =	ssettag $0x2  }
0xec: {  	s0 =	rddreg [dreg:$0x0];
	s2 =	stileid.u32  }
0xed: {  	s1 =	rddreg [dreg:$0x1];
	p0 =	sne.s32 s2, $0x0  }
0xee: {  	s3 =	rddreg [dreg:$0x2];
	[bflag:$0x3] =	sbarrier.arrive $0xFFFF;
	s2 =	simm.s32 @!p0 $0x1C01  }
0xef: {  	[timem:s3], [sflag:s2] =	dma.local @!p0 [hbm:s0], s1  }
0xf0: {  	s0 =	simm.s32 @!p0 $0x1  }
0xf1: {  	_ =	swait.ge @!p0 [sflag:s0], s1  }
0xf2: {  	s1 =	ssub.s32 @!p0 $0x0, s1;
	[sflag:s0] =	ssyncset.done @!p0 $0x0  }
0xf3: {  	[sflag:s0] =	ssyncadd.s32 @!p0 s1  }
0xf4: {  	[bflag:$0x3] =	sbarrier.arrive $0xFFFF  }
0xf5: {  	_ =	shalt  }

</sc_bundles>
